<compile_context>
chip_gen: v7x
topology: tpu7x:2x2x1
jax: 0.10.2.dev20260603
libtpu: 0.0.44.dev20260713+nightly
codegen_flags: <defaults>
</compile_context>

<pallas_src>
import functools

import jax
import jax.numpy as jnp
from jax import lax
from jax.experimental import pallas as pl
from jax.experimental.pallas import tpu as pltpu
from jax.experimental.pallas import tpu_sc as plsc

N = 10000
E = 320000
F_IN = 128
H = 64
C = 6
G = 64

NC = 2
NS = 16
NW = NC * NS
K = 80
EPW = E // NW
NCHUNK = EPW // K
NP = 10240
RPS = NP // NS
assert EPW % K == 0 and (EPW // K - 1) % 4 == 0 and RPS % K == 0

_mesh = plsc.VectorSubcoreMesh(core_axis_name="c", subcore_axis_name="s")
_sc_params = pltpu.CompilerParams(use_tc_tiling_on_sc=False)


@functools.partial(
    pl.kernel,
    out_type=jax.ShapeDtypeStruct((NC * NP, H), jnp.float32),
    mesh=_mesh,
    scratch_types=[
        pltpu.VMEM((NCHUNK, K), jnp.int32),
        pltpu.VMEM((K, 16), jnp.float32),
        pltpu.VMEM((RPS, 16), jnp.float32),
        pltpu.VMEM((RPS, H), jnp.float32),
        pltpu.VMEM_SHARED((NP, 16), jnp.float32),
        pltpu.SemaphoreType.DMA,
        pltpu.SemaphoreType.DMA,
    ],
    compiler_params=_sc_params,
)
def _sc_count(eidx_hbm, out_hbm, didx, ones_v, buf16, buf64, acc,
              isem, ssem):
    cid = lax.axis_index("c")
    sid = lax.axis_index("s")
    wid = sid * NC + cid
    pltpu.async_copy(eidx_hbm.at[1].at[wid], didx, isem)
    one16 = jnp.full((16,), 1.0, jnp.float32)
    zero16 = jnp.zeros((16,), jnp.float32)

    @pl.loop(0, K)
    def _(r):
        ones_v[r, 0:16] = one16

    @pl.loop(0, RPS)
    def _(r):
        buf16[r, 0:16] = zero16

    pltpu.sync_copy(buf16, acc.at[pl.ds(sid * RPS, RPS)])
    pltpu.make_async_copy(eidx_hbm.at[1].at[wid], didx, isem).wait()
    plsc.subcore_barrier()

    @pl.loop(0, NCHUNK)
    def _(c):
        pltpu.async_copy(ones_v, acc.at[didx.at[c]], ssem, add=True)

    @pl.loop(0, NCHUNK)
    def _(c):
        pltpu.make_async_copy(ones_v, acc.at[didx.at[0]], ssem).wait()

    plsc.subcore_barrier()
    pltpu.sync_copy(acc.at[pl.ds(sid * RPS, RPS)], buf16)

    @pl.loop(0, RPS)
    def _(r):
        v = buf16[r]
        buf64[r, 0:16] = v
        buf64[r, 16:32] = v
        buf64[r, 32:48] = v
        buf64[r, 48:64] = v

    pltpu.sync_copy(buf64, out_hbm.at[pl.ds(cid * NP + sid * RPS, RPS)])


@functools.partial(
    pl.kernel,
    out_type=jax.ShapeDtypeStruct((NC * NP, H), jnp.float32),
    mesh=_mesh,
    scratch_types=[
        pltpu.VMEM((NCHUNK, K), jnp.int32),
        pltpu.VMEM((NCHUNK, K), jnp.int32),
        pltpu.VMEM((K, H), jnp.float32),
        pltpu.VMEM((K, H), jnp.float32),
        pltpu.VMEM((K, H), jnp.float32),
        pltpu.VMEM((K, H), jnp.float32),
        pltpu.VMEM_SHARED((NP, H), jnp.float32),
        pltpu.SemaphoreType.DMA,
        pltpu.SemaphoreType.DMA,
        pltpu.SemaphoreType.DMA,
        pltpu.SemaphoreType.DMA,
        pltpu.SemaphoreType.DMA,
        pltpu.SemaphoreType.DMA,
        pltpu.SemaphoreType.DMA,
        pltpu.SemaphoreType.DMA,
        pltpu.SemaphoreType.DMA,
    ],
    compiler_params=_sc_params,
)
def _sc_agg(hs_hbm, eidx_hbm, out_hbm,
            sidx, didx, rows0, rows1, rows2, rows3, acc,
            gsem0, gsem1, gsem2, gsem3, ssem0, ssem1, ssem2, ssem3, isem):
    cid = lax.axis_index("c")
    sid = lax.axis_index("s")
    wid = sid * NC + cid
    pltpu.async_copy(eidx_hbm.at[0].at[wid], sidx, isem)
    pltpu.async_copy(eidx_hbm.at[1].at[wid], didx, isem)
    rows = (rows0, rows1, rows2, rows3)
    zero16 = jnp.zeros((16,), jnp.float32)

    @pl.loop(0, K)
    def _(r):
        for _b in range(4):
            rows[_b][r, 0:16] = zero16
            rows[_b][r, 16:32] = zero16
            rows[_b][r, 32:48] = zero16
            rows[_b][r, 48:64] = zero16

    for _i in range(RPS // K):
        pltpu.async_copy(rows[_i % 4],
                         acc.at[pl.ds(sid * RPS + _i * K, K)], isem)
    for _i in range(RPS // K):
        pltpu.make_async_copy(rows[_i % 4],
                              acc.at[pl.ds(sid * RPS + _i * K, K)],
                              isem).wait()
    pltpu.make_async_copy(eidx_hbm.at[0].at[wid], sidx, isem).wait()
    pltpu.make_async_copy(eidx_hbm.at[1].at[wid], didx, isem).wait()
    plsc.subcore_barrier()

    gsem = (gsem0, gsem1, gsem2, gsem3)
    ssem = (ssem0, ssem1, ssem2, ssem3)

    def start_gather(c, b):
        pltpu.async_copy(hs_hbm.at[sidx.at[c]], rows[b], gsem[b])

    def wait_gather(c, b):
        pltpu.make_async_copy(hs_hbm.at[sidx.at[c]], rows[b], gsem[b]).wait()

    def start_scatter(c, b):
        pltpu.async_copy(rows[b], acc.at[didx.at[c]], ssem[b], add=True)

    def wait_scatter(c, b):
        pltpu.make_async_copy(rows[b], acc.at[didx.at[c]], ssem[b]).wait()

    start_gather(0, 0)
    start_gather(1, 1)
    start_gather(2, 2)
    wait_gather(0, 0)
    start_scatter(0, 0)
    start_gather(3, 3)

    @pl.loop(1, NCHUNK - 4, step=4)
    def _(c0):
        for j in range(4):
            c = c0 + j
            b = (1 + j) % 4
            wait_gather(c, b)
            start_scatter(c, b)
            wait_scatter(c - 1, (b + 3) % 4)
            start_gather(c + 3, (b + 3) % 4)

    c = NCHUNK - 4
    wait_gather(c, c % 4)
    start_scatter(c, c % 4)
    wait_scatter(c - 1, (c + 3) % 4)
    start_gather(c + 3, (c + 3) % 4)
    for c in range(NCHUNK - 3, NCHUNK):
        wait_gather(c, c % 4)
        start_scatter(c, c % 4)
        wait_scatter(c - 1, (c - 1) % 4)
    wait_scatter(NCHUNK - 1, (NCHUNK - 1) % 4)

    plsc.subcore_barrier()
    pltpu.sync_copy(acc.at[pl.ds(sid * RPS, RPS)],
                    out_hbm.at[pl.ds(cid * NP + sid * RPS, RPS)])


NPAIR = N // 2
NPP = NP // 2


def _tc_mm1_body(x_ref, w1b_ref, h_ref):
    h_ref[...] = jnp.dot(x_ref[...], w1b_ref[...],
                         preferred_element_type=jnp.float32)


_tc_mm1 = pl.pallas_call(
    _tc_mm1_body,
    out_shape=jax.ShapeDtypeStruct((NPAIR, 2 * H), jnp.float32),
)


def _tc_scale_body(h_ref, cnt_ref, hs_ref, dinv_ref):
    cnt = cnt_ref[0:NPAIR, :] + cnt_ref[NPP:NPP + NPAIR, :]
    dinv = lax.rsqrt(cnt + 1.0)
    hs_ref[...] = h_ref[...] * dinv
    dinv_ref[...] = dinv


_tc_scale = pl.pallas_call(
    _tc_scale_body,
    out_shape=(jax.ShapeDtypeStruct((NPAIR, 2 * H), jnp.float32),
               jax.ShapeDtypeStruct((NPAIR, 2 * H), jnp.float32)),
)


def _tc_mid_body(agg_ref, hs_ref, dinv_ref, b1_ref, w2b_ref, hs2_ref):
    h = agg_ref[0:NPAIR, :] + agg_ref[NPP:NPP + NPAIR, :] + hs_ref[...]
    h = jnp.maximum(dinv_ref[...] * h + b1_ref[...], 0.0)
    hs2_ref[...] = jnp.dot(h, w2b_ref[...],
                           preferred_element_type=jnp.float32) * dinv_ref[...]


_tc_mid = pl.pallas_call(
    _tc_mid_body,
    out_shape=jax.ShapeDtypeStruct((NPAIR, 2 * H), jnp.float32),
)


def _tc_final_body(agg_ref, hs_ref, dinv_ref, b2_ref, be_ref, bo_ref,
                   wlin_ref, blin_ref, out_ref):
    h = agg_ref[0:NPAIR, :] + agg_ref[NPP:NPP + NPAIR, :] + hs_ref[...]
    h = jnp.maximum(dinv_ref[...] * h + b2_ref[...], 0.0)
    gids = lax.broadcasted_iota(jnp.int32, (G, NPAIR), 0)
    me = (be_ref[...] == gids).astype(jnp.float32)
    mo = (bo_ref[...] == gids).astype(jnp.float32)
    sums = (jnp.dot(me, h[:, 0:H], preferred_element_type=jnp.float32)
            + jnp.dot(mo, h[:, H:2 * H], preferred_element_type=jnp.float32))
    counts = jnp.sum(me + mo, axis=1, keepdims=True)
    pooled = sums / jnp.maximum(counts, 1.0)
    logits = jnp.dot(pooled, wlin_ref[...],
                     preferred_element_type=jnp.float32) + blin_ref[...]
    z = logits - jnp.max(logits, axis=1, keepdims=True)
    out_ref[...] = z - jnp.log(jnp.sum(jnp.exp(z), axis=1, keepdims=True))


_tc_final = pl.pallas_call(
    _tc_final_body,
    out_shape=jax.ShapeDtypeStruct((G, C), jnp.float32),
)


def _blockdiag(w, k):
    z = jnp.zeros((k, w.shape[0], k, w.shape[1]), jnp.float32)
    z = z.at[jnp.arange(k), :, jnp.arange(k), :].set(w)
    return z.reshape(k * w.shape[0], k * w.shape[1])


def kernel(x, edge_index, batch, W1, b1, W2, b2, Wlin, blin):
    eidx = edge_index.reshape(2, NW, NCHUNK, K)
    w1b = _blockdiag(W1, 2)
    w2b = _blockdiag(W2, 2)
    b1p = jnp.concatenate([b1, b1]).reshape(1, 2 * H)
    b2p = jnp.concatenate([b2, b2]).reshape(1, 2 * H)
    be = batch[0::2].reshape(1, NPAIR)
    bo = batch[1::2].reshape(1, NPAIR)
    cnt2 = _sc_count(eidx)
    h1p = _tc_mm1(x.reshape(NPAIR, 2 * F_IN), w1b)
    hs1p, dinv2p = _tc_scale(h1p, cnt2.reshape(NP, 2 * H))
    agg1 = _sc_agg(hs1p.reshape(N, H), eidx)
    hs2p = _tc_mid(agg1.reshape(NP, 2 * H), hs1p, dinv2p, b1p, w2b)
    agg2 = _sc_agg(hs2p.reshape(N, H), eidx)
    return _tc_final(agg2.reshape(NP, 2 * H), hs2p, dinv2p, b2p, be, bo,
                     Wlin, blin.reshape(1, C))

# --- scband reference (transcript-rebuilt; emitter-appended) ---
"""Pipeline reference for scband-enzyme-gcn-61804579389955 (READ-ONLY COPY).

The authoritative reference and input builder live on the scoring server;
editing this copy changes nothing except your own understanding.
"""

import jax, jax.numpy as jnp
import numpy as np

N = 10000
E = 320000
F_IN = 128
H = 64
C = 6
G = 64


def setup_inputs(seed: int = 0) -> dict:
    key = jax.random.key(seed)
    ks = jax.random.split(key, 10)
    x = jax.random.normal(ks[0], (N, F_IN), dtype=jnp.float32)
    edge_index = jax.random.randint(ks[1], (2, E), 0, N, dtype=jnp.int32)
    batch = jnp.sort(jax.random.randint(ks[2], (N,), 0, G, dtype=jnp.int32))
    # GCNConv params (glorot-ish scaling)
    W1 = jax.random.normal(ks[3], (F_IN, H), dtype=jnp.float32) * (1.0 / np.sqrt(F_IN))
    b1 = jnp.zeros((H,), dtype=jnp.float32)
    W2 = jax.random.normal(ks[4], (H, H), dtype=jnp.float32) * (1.0 / np.sqrt(H))
    b2 = jnp.zeros((H,), dtype=jnp.float32)
    Wlin = jax.random.normal(ks[5], (H, C), dtype=jnp.float32) * (1.0 / np.sqrt(H))
    blin = jnp.zeros((C,), dtype=jnp.float32)
    return {"x": x, "edge_index": edge_index, "batch": batch,
            "W1": W1, "b1": b1, "W2": W2, "b2": b2, "Wlin": Wlin, "blin": blin}


def _gcn_conv(x, src, dst, W, b):
    # symmetric-normalized GCN layer with self-loops: D^-1/2 (A+I) D^-1/2 X W + b
    loop = jnp.arange(N, dtype=src.dtype)
    src2 = jnp.concatenate([src, loop])
    dst2 = jnp.concatenate([dst, loop])
    deg = jnp.zeros((N,), dtype=x.dtype).at[dst2].add(1.0)
    dinv = jnp.where(deg > 0, 1.0 / jnp.sqrt(deg), 0.0)
    norm = dinv[src2] * dinv[dst2]
    h = x @ W
    msg = h[src2] * norm[:, None]
    out = jnp.zeros((N, W.shape[1]), dtype=x.dtype).at[dst2].add(msg)
    return out + b


def reference(x, edge_index, batch, W1, b1, W2, b2, Wlin, blin):
    src = edge_index[0]
    dst = edge_index[1]
    h = jax.nn.relu(_gcn_conv(x, src, dst, W1, b1))
    # dropout is identity in eval mode
    h = jax.nn.relu(_gcn_conv(h, src, dst, W2, b2))
    # global mean pool over batch assignment
    sums = jax.ops.segment_sum(h, batch, num_segments=G)
    counts = jax.ops.segment_sum(jnp.ones((N, 1), dtype=h.dtype), batch, num_segments=G)
    pooled = sums / jnp.maximum(counts, 1.0)
    logits = pooled @ Wlin + blin
    return jax.nn.log_softmax(logits, axis=1)

if __name__ == "__main__":
    import jax
    _d = setup_inputs()
    print(jax.jit(kernel)(*tuple(_d.values())))

</pallas_src>

<mosaic_0001>
#map = affine_map<(d0, d1) -> (0, 0, 0, 0)>
#map1 = affine_map<(d0, d1) -> (0, 0)>
module attributes {stable_mosaic.version = 14 : i64} {
  func.func @_sc_count(%arg0: i32, %arg1: i32, %arg2: memref<2x32x125x80xi32, #tpu.memory_space<hbm>>, %arg3: memref<20480x64xf32, #tpu.memory_space<hbm>>, %arg4: memref<125x80xi32, #tpu.memory_space<vmem>>, %arg5: memref<80x16xf32, #tpu.memory_space<vmem>>, %arg6: memref<640x16xf32, #tpu.memory_space<vmem>>, %arg7: memref<640x64xf32, #tpu.memory_space<vmem>>, %arg8: memref<10240x16xf32, #tpu.memory_space<vmem_shared>>, %arg9: memref<!tpu.dma_semaphore, #tpu.memory_space<semaphore_mem>>, %arg10: memref<!tpu.dma_semaphore, #tpu.memory_space<semaphore_mem>>) attributes {dimension_semantics = [#tpu.dimension_semantics<core_parallel>, #tpu.dimension_semantics<subcore_parallel>], iteration_bounds = array<i64: 2, 16>, scalar_prefetch = 0 : i64, scratch_operands = 7 : i64, tpu.core_type = #tpu.core_type<sc_vector_subcore>, window_params = [{transform_indices = #map}, {transform_indices = #map1}]} {
    %mul3A = arith.constant 2 : i32
    %mul3A_0 = arith.muli %arg1, %mul3A : i32
    %add3A = arith.addi %mul3A_0, %arg0 : i32
    %dma_start3A = arith.constant 1 : i32
    %dma_start3A_1 = arith.constant 0 : i32
    %dma_start3A_2 = arith.constant 0 : i32
    %dma_start3A_3 = arith.constant 0 : i32
    %dma_start3A_4 = tpu.memref_slice %arg2[%dma_start3A, %dma_start3A_1, %dma_start3A_2, %dma_start3A_3] : memref<2x32x125x80xi32, #tpu.memory_space<hbm>> -> memref<1x32x125x80xi32, #tpu.memory_space<hbm>>
    %dma_start3A_5 = tpu.memref_squeeze %dma_start3A_4 : memref<1x32x125x80xi32, #tpu.memory_space<hbm>> -> memref<32x125x80xi32, #tpu.memory_space<hbm>>
    %dma_start3A_6 = arith.constant 0 : i32
    %dma_start3A_7 = arith.constant 0 : i32
    %dma_start3A_8 = tpu.memref_slice %dma_start3A_5[%add3A, %dma_start3A_6, %dma_start3A_7] : memref<32x125x80xi32, #tpu.memory_space<hbm>> -> memref<1x125x80xi32, #tpu.memory_space<hbm>>
    %dma_start3A_9 = tpu.memref_squeeze %dma_start3A_8 : memref<1x125x80xi32, #tpu.memory_space<hbm>> -> memref<125x80xi32, #tpu.memory_space<hbm>>
    %dma_start3A_10 = arith.constant 0 : i32
    %dma_start3A_11 = arith.constant 0 : i32
    %dma_start3A_12 = arith.constant 0 : i32
    %dma_start3A_13 = tpu.memref_slice %arg2[%dma_start3A, %dma_start3A_10, %dma_start3A_11, %dma_start3A_12] : memref<2x32x125x80xi32, #tpu.memory_space<hbm>> -> memref<1x32x125x80xi32, #tpu.memory_space<hbm>>
    %dma_start3A_14 = tpu.memref_squeeze %dma_start3A_13 : memref<1x32x125x80xi32, #tpu.memory_space<hbm>> -> memref<32x125x80xi32, #tpu.memory_space<hbm>>
    %dma_start3A_15 = arith.constant 0 : i32
    %dma_start3A_16 = arith.constant 0 : i32
    %dma_start3A_17 = tpu.memref_slice %dma_start3A_14[%add3A, %dma_start3A_15, %dma_start3A_16] : memref<32x125x80xi32, #tpu.memory_space<hbm>> -> memref<1x125x80xi32, #tpu.memory_space<hbm>>
    %dma_start3A_18 = tpu.memref_squeeze %dma_start3A_17 : memref<1x125x80xi32, #tpu.memory_space<hbm>> -> memref<125x80xi32, #tpu.memory_space<hbm>>
    tpu.enqueue_dma source(%dma_start3A_18 : memref<125x80xi32, #tpu.memory_space<hbm>>) target(%arg4 : memref<125x80xi32, #tpu.memory_space<vmem>>) target_semaphore(%arg9 : memref<!tpu.dma_semaphore, #tpu.memory_space<semaphore_mem>>)
    %broadcast_in_dim3A = arith.constant 1.000000e+00 : f32
    %broadcast_in_dim3A_19 = vector.broadcast %broadcast_in_dim3A : f32 to vector<16xf32>
    %broadcast_in_dim3A_20 = arith.constant 0.000000e+00 : f32
    %broadcast_in_dim3A_21 = vector.broadcast %broadcast_in_dim3A_20 : f32 to vector<16xf32>
    %scan3A = arith.constant 0 : i32
    %scan3A_22 = arith.constant 80 : i32
    %scan3A_23 = arith.addi %scan3A, %scan3A_22 : i32
    %scan3A_24 = arith.constant 1 : i32
    scf.for %scan3A_74 = %scan3A to %scan3A_23 step %scan3A_24  : i32 {
      %mul3A_75 = arith.constant 1 : i32
      %mul3A_76 = arith.muli %scan3A_74, %mul3A_75 : i32
      %add3A_77 = arith.constant 0 : i32
      %add3A_78 = arith.addi %add3A_77, %mul3A_76 : i32
      %swap3A = arith.index_cast %add3A_78 : i32 to index
      %swap3A_79 = arith.constant 0 : index
      %swap3A_80 = tpu.vector_load %arg5[%swap3A, %swap3A_79] {strides = array<i32>} : memref<80x16xf32, #tpu.memory_space<vmem>>, vector<1x16xf32>,
      %swap3A_81 = vector.shape_cast %swap3A_80 : vector<1x16xf32> to vector<16xf32>
      %swap3A_82 = vector.shape_cast %broadcast_in_dim3A_19 : vector<16xf32> to vector<1x16xf32>
      tpu.vector_store %arg5[%swap3A, %swap3A_79], %swap3A_82 {strides = array<i32>} : memref<80x16xf32, #tpu.memory_space<vmem>>, vector<1x16xf32>,
    }
    %scan3A_25 = arith.constant 80 : i32
    %scan3A_26 = arith.constant 0 : i32
    %scan3A_27 = arith.constant 640 : i32
    %scan3A_28 = arith.addi %scan3A_26, %scan3A_27 : i32
    %scan3A_29 = arith.constant 1 : i32
    scf.for %scan3A_74 = %scan3A_26 to %scan3A_28 step %scan3A_29  : i32 {
      %mul3A_75 = arith.constant 1 : i32
      %mul3A_76 = arith.muli %scan3A_74, %mul3A_75 : i32
      %add3A_77 = arith.constant 0 : i32
      %add3A_78 = arith.addi %add3A_77, %mul3A_76 : i32
      %swap3A = arith.index_cast %add3A_78 : i32 to index
      %swap3A_79 = arith.constant 0 : index
      %swap3A_80 = tpu.vector_load %arg6[%swap3A, %swap3A_79] {strides = array<i32>} : memref<640x16xf32, #tpu.memory_space<vmem>>, vector<1x16xf32>,
      %swap3A_81 = vector.shape_cast %swap3A_80 : vector<1x16xf32> to vector<16xf32>
      %swap3A_82 = vector.shape_cast %broadcast_in_dim3A_21 : vector<16xf32> to vector<1x16xf32>
      tpu.vector_store %arg6[%swap3A, %swap3A_79], %swap3A_82 {strides = array<i32>} : memref<640x16xf32, #tpu.memory_space<vmem>>, vector<1x16xf32>,
    }
    %scan3A_30 = arith.constant 640 : i32
    %mul3A_31 = arith.constant 640 : i32
    %mul3A_32 = arith.muli %arg1, %mul3A_31 : i32
    "tpu.region"() ({
      %run_scoped3A = tpu.sem_alloc : memref<!tpu.dma_semaphore, #tpu.memory_space<semaphore_mem>>
      %dma_start3A_74 = arith.constant 0 : i32
      %dma_start3A_75 = tpu.memref_slice %arg8[%mul3A_32, %dma_start3A_74] : memref<10240x16xf32, #tpu.memory_space<vmem_shared>> -> memref<640x16xf32, #tpu.memory_space<vmem_shared>>
      %dma_start3A_76 = arith.constant 0 : i32
      %dma_start3A_77 = tpu.memref_slice %arg8[%mul3A_32, %dma_start3A_76] : memref<10240x16xf32, #tpu.memory_space<vmem_shared>> -> memref<640x16xf32, #tpu.memory_space<vmem_shared>>
      tpu.enqueue_dma source(%arg6 : memref<640x16xf32, #tpu.memory_space<vmem>>) target(%dma_start3A_77 : memref<640x16xf32, #tpu.memory_space<vmem_shared>>) target_semaphore(%run_scoped3A : memref<!tpu.dma_semaphore, #tpu.memory_space<semaphore_mem>>)
      %dma_wait3A_78 = arith.constant 0 : i32
      %dma_wait3A_79 = tpu.memref_slice %arg8[%mul3A_32, %dma_wait3A_78] : memref<10240x16xf32, #tpu.memory_space<vmem_shared>> -> memref<640x16xf32, #tpu.memory_space<vmem_shared>>
      %dma_wait3A_80 = arith.constant 0 : i32
      %dma_wait3A_81 = tpu.memref_slice %arg8[%mul3A_32, %dma_wait3A_80] : memref<10240x16xf32, #tpu.memory_space<vmem_shared>> -> memref<640x16xf32, #tpu.memory_space<vmem_shared>>
      tpu.wait_dma2 semaphore(%run_scoped3A : memref<!tpu.dma_semaphore, #tpu.memory_space<semaphore_mem>>) src(%arg6 : memref<640x16xf32, #tpu.memory_space<vmem>>) dst(%dma_wait3A_81 : memref<640x16xf32, #tpu.memory_space<vmem_shared>>)
      tpu.yield
    }) : () -> ()
    %dma_wait3A = arith.constant 1 : i32
    %dma_wait3A_33 = arith.constant 0 : i32
    %dma_wait3A_34 = arith.constant 0 : i32
    %dma_wait3A_35 = arith.constant 0 : i32
    %dma_wait3A_36 = tpu.memref_slice %arg2[%dma_wait3A, %dma_wait3A_33, %dma_wait3A_34, %dma_wait3A_35] : memref<2x32x125x80xi32, #tpu.memory_space<hbm>> -> memref<1x32x125x80xi32, #tpu.memory_space<hbm>>
    %dma_wait3A_37 = tpu.memref_squeeze %dma_wait3A_36 : memref<1x32x125x80xi32, #tpu.memory_space<hbm>> -> memref<32x125x80xi32, #tpu.memory_space<hbm>>
    %dma_wait3A_38 = arith.constant 0 : i32
    %dma_wait3A_39 = arith.constant 0 : i32
    %dma_wait3A_40 = tpu.memref_slice %dma_wait3A_37[%add3A, %dma_wait3A_38, %dma_wait3A_39] : memref<32x125x80xi32, #tpu.memory_space<hbm>> -> memref<1x125x80xi32, #tpu.memory_space<hbm>>
    %dma_wait3A_41 = tpu.memref_squeeze %dma_wait3A_40 : memref<1x125x80xi32, #tpu.memory_space<hbm>> -> memref<125x80xi32, #tpu.memory_space<hbm>>
    %dma_wait3A_42 = arith.constant 0 : i32
    %dma_wait3A_43 = arith.constant 0 : i32
    %dma_wait3A_44 = arith.constant 0 : i32
    %dma_wait3A_45 = tpu.memref_slice %arg2[%dma_wait3A, %dma_wait3A_42, %dma_wait3A_43, %dma_wait3A_44] : memref<2x32x125x80xi32, #tpu.memory_space<hbm>> -> memref<1x32x125x80xi32, #tpu.memory_space<hbm>>
    %dma_wait3A_46 = tpu.memref_squeeze %dma_wait3A_45 : memref<1x32x125x80xi32, #tpu.memory_space<hbm>> -> memref<32x125x80xi32, #tpu.memory_space<hbm>>
    %dma_wait3A_47 = arith.constant 0 : i32
    %dma_wait3A_48 = arith.constant 0 : i32
    %dma_wait3A_49 = tpu.memref_slice %dma_wait3A_46[%add3A, %dma_wait3A_47, %dma_wait3A_48] : memref<32x125x80xi32, #tpu.memory_space<hbm>> -> memref<1x125x80xi32, #tpu.memory_space<hbm>>
    %dma_wait3A_50 = tpu.memref_squeeze %dma_wait3A_49 : memref<1x125x80xi32, #tpu.memory_space<hbm>> -> memref<125x80xi32, #tpu.memory_space<hbm>>
    tpu.wait_dma2 semaphore(%arg9 : memref<!tpu.dma_semaphore, #tpu.memory_space<semaphore_mem>>) src(%dma_wait3A_50 : memref<125x80xi32, #tpu.memory_space<hbm>>) dst(%arg4 : memref<125x80xi32, #tpu.memory_space<vmem>>)
    %barrier3A = arith.constant 0 : index
    tpu.barrier barrier_id(%barrier3A)
    %scan3A_51 = arith.constant 0 : i32
    %scan3A_52 = arith.constant 125 : i32
    %scan3A_53 = arith.addi %scan3A_51, %scan3A_52 : i32
    %scan3A_54 = arith.constant 1 : i32
    scf.for %scan3A_74 = %scan3A_51 to %scan3A_53 step %scan3A_54  : i32 {
      %mul3A_75 = arith.constant 1 : i32
      %mul3A_76 = arith.muli %scan3A_74, %mul3A_75 : i32
      %add3A_77 = arith.constant 0 : i32
      %add3A_78 = arith.addi %add3A_77, %mul3A_76 : i32
      %dma_start3A_79 = arith.constant 0 : i32
      %dma_start3A_80 = tpu.memref_slice %arg4[%add3A_78, %dma_start3A_79] : memref<125x80xi32, #tpu.memory_space<vmem>> -> memref<1x80xi32, #tpu.memory_space<vmem>>
      %dma_start3A_81 = tpu.memref_squeeze %dma_start3A_80 : memref<1x80xi32, #tpu.memory_space<vmem>> -> memref<80xi32, #tpu.memory_space<vmem>>
      %dma_start3A_82 = arith.constant 0 : i32
      %dma_start3A_83 = arith.constant 0 : i32
      %dma_start3A_84 = tpu.memref_slice %arg8[%dma_start3A_82, %dma_start3A_83] : memref<10240x16xf32, #tpu.memory_space<vmem_shared>> -> memref<10240x16xf32, #tpu.memory_space<vmem_shared>>
      tpu.enqueue_indirect_dma source(%arg5 : memref<80x16xf32, #tpu.memory_space<vmem>>) target(%dma_start3A_84 : memref<10240x16xf32, #tpu.memory_space<vmem_shared>>) offsets(%dma_start3A_81 : memref<80xi32, #tpu.memory_space<vmem>>) semaphore(%arg10 : memref<!tpu.dma_semaphore, #tpu.memory_space<semaphore_mem>>) {add = true}
    }
    %scan3A_55 = arith.constant 125 : i32
    %scan3A_56 = arith.constant 0 : i32
    %scan3A_57 = arith.constant 125 : i32
    %scan3A_58 = arith.addi %scan3A_56, %scan3A_57 : i32
    %scan3A_59 = arith.constant 1 : i32
    scf.for %scan3A_74 = %scan3A_56 to %scan3A_58 step %scan3A_59  : i32 {
      %mul3A_75 = arith.constant 1 : i32
      %mul3A_76 = arith.muli %scan3A_74, %mul3A_75 : i32
      %add3A_77 = arith.constant 0 : i32
      %add3A_78 = arith.addi %add3A_77, %mul3A_76 : i32
      %dma_wait3A_79 = arith.constant 0 : i32
      %dma_wait3A_80 = arith.constant 0 : i32
      %dma_wait3A_81 = tpu.memref_slice %arg4[%dma_wait3A_79, %dma_wait3A_80] : memref<125x80xi32, #tpu.memory_space<vmem>> -> memref<1x80xi32, #tpu.memory_space<vmem>>
      %dma_wait3A_82 = tpu.memref_squeeze %dma_wait3A_81 : memref<1x80xi32, #tpu.memory_space<vmem>> -> memref<80xi32, #tpu.memory_space<vmem>>
      %dma_wait3A_83 = arith.constant 0 : i32
      %dma_wait3A_84 = arith.constant 0 : i32
      %dma_wait3A_85 = tpu.memref_slice %arg8[%dma_wait3A_83, %dma_wait3A_84] : memref<10240x16xf32, #tpu.memory_space<vmem_shared>> -> memref<10240x16xf32, #tpu.memory_space<vmem_shared>>
      tpu.wait_indirect_dma semaphore(%arg10 : memref<!tpu.dma_semaphore, #tpu.memory_space<semaphore_mem>>) src(%arg5 : memref<80x16xf32, #tpu.memory_space<vmem>>) dst(%dma_wait3A_85 : memref<10240x16xf32, #tpu.memory_space<vmem_shared>>)
    }
    %scan3A_60 = arith.constant 125 : i32
    %barrier3A_61 = arith.constant 0 : index
    tpu.barrier barrier_id(%barrier3A_61)
    %mul3A_62 = arith.constant 640 : i32
    %mul3A_63 = arith.muli %arg1, %mul3A_62 : i32
    "tpu.region"() ({
      %run_scoped3A = tpu.sem_alloc : memref<!tpu.dma_semaphore, #tpu.memory_space<semaphore_mem>>
      %dma_start3A_74 = arith.constant 0 : i32
      %dma_start3A_75 = tpu.memref_slice %arg8[%mul3A_63, %dma_start3A_74] : memref<10240x16xf32, #tpu.memory_space<vmem_shared>> -> memref<640x16xf32, #tpu.memory_space<vmem_shared>>
      %dma_start3A_76 = arith.constant 0 : i32
      %dma_start3A_77 = tpu.memref_slice %arg8[%mul3A_63, %dma_start3A_76] : memref<10240x16xf32, #tpu.memory_space<vmem_shared>> -> memref<640x16xf32, #tpu.memory_space<vmem_shared>>
      tpu.enqueue_dma source(%dma_start3A_77 : memref<640x16xf32, #tpu.memory_space<vmem_shared>>) target(%arg6 : memref<640x16xf32, #tpu.memory_space<vmem>>) target_semaphore(%run_scoped3A : memref<!tpu.dma_semaphore, #tpu.memory_space<semaphore_mem>>)
      %dma_wait3A_78 = arith.constant 0 : i32
      %dma_wait3A_79 = tpu.memref_slice %arg8[%mul3A_63, %dma_wait3A_78] : memref<10240x16xf32, #tpu.memory_space<vmem_shared>> -> memref<640x16xf32, #tpu.memory_space<vmem_shared>>
      %dma_wait3A_80 = arith.constant 0 : i32
      %dma_wait3A_81 = tpu.memref_slice %arg8[%mul3A_63, %dma_wait3A_80] : memref<10240x16xf32, #tpu.memory_space<vmem_shared>> -> memref<640x16xf32, #tpu.memory_space<vmem_shared>>
      tpu.wait_dma2 semaphore(%run_scoped3A : memref<!tpu.dma_semaphore, #tpu.memory_space<semaphore_mem>>) src(%dma_wait3A_81 : memref<640x16xf32, #tpu.memory_space<vmem_shared>>) dst(%arg6 : memref<640x16xf32, #tpu.memory_space<vmem>>)
      tpu.yield
    }) : () -> ()
    %scan3A_64 = arith.constant 0 : i32
    %scan3A_65 = arith.constant 640 : i32
    %scan3A_66 = arith.addi %scan3A_64, %scan3A_65 : i32
    %scan3A_67 = arith.constant 1 : i32
    scf.for %scan3A_74 = %scan3A_64 to %scan3A_66 step %scan3A_67  : i32 {
      %mul3A_75 = arith.constant 1 : i32
      %mul3A_76 = arith.muli %scan3A_74, %mul3A_75 : i32
      %add3A_77 = arith.constant 0 : i32
      %add3A_78 = arith.addi %add3A_77, %mul3A_76 : i32
      %get3A = arith.index_cast %add3A_78 : i32 to index
      %get3A_79 = arith.constant 0 : index
      %get3A_80 = tpu.vector_load %arg6[%get3A, %get3A_79] {strides = array<i32>} : memref<640x16xf32, #tpu.memory_space<vmem>>, vector<1x16xf32>,
      %get3A_81 = vector.shape_cast %get3A_80 : vector<1x16xf32> to vector<16xf32>
      %swap3A = arith.index_cast %add3A_78 : i32 to index
      %swap3A_82 = arith.constant 0 : index
      %swap3A_83 = tpu.vector_load %arg7[%swap3A, %swap3A_82] {strides = array<i32>} : memref<640x64xf32, #tpu.memory_space<vmem>>, vector<1x16xf32>,
      %swap3A_84 = vector.shape_cast %swap3A_83 : vector<1x16xf32> to vector<16xf32>
      %swap3A_85 = vector.shape_cast %get3A_81 : vector<16xf32> to vector<1x16xf32>
      tpu.vector_store %arg7[%swap3A, %swap3A_82], %swap3A_85 {strides = array<i32>} : memref<640x64xf32, #tpu.memory_space<vmem>>, vector<1x16xf32>,
      %swap3A_86 = arith.index_cast %add3A_78 : i32 to index
      %swap3A_87 = arith.constant 16 : index
      %swap3A_88 = tpu.vector_load %arg7[%swap3A_86, %swap3A_87] {strides = array<i32>} : memref<640x64xf32, #tpu.memory_space<vmem>>, vector<1x16xf32>,
      %swap3A_89 = vector.shape_cast %swap3A_88 : vector<1x16xf32> to vector<16xf32>
      %swap3A_90 = vector.shape_cast %get3A_81 : vector<16xf32> to vector<1x16xf32>
      tpu.vector_store %arg7[%swap3A_86, %swap3A_87], %swap3A_90 {strides = array<i32>} : memref<640x64xf32, #tpu.memory_space<vmem>>, vector<1x16xf32>,
      %swap3A_91 = arith.index_cast %add3A_78 : i32 to index
      %swap3A_92 = arith.constant 32 : index
      %swap3A_93 = tpu.vector_load %arg7[%swap3A_91, %swap3A_92] {strides = array<i32>} : memref<640x64xf32, #tpu.memory_space<vmem>>, vector<1x16xf32>,
      %swap3A_94 = vector.shape_cast %swap3A_93 : vector<1x16xf32> to vector<16xf32>
      %swap3A_95 = vector.shape_cast %get3A_81 : vector<16xf32> to vector<1x16xf32>
      tpu.vector_store %arg7[%swap3A_91, %swap3A_92], %swap3A_95 {strides = array<i32>} : memref<640x64xf32, #tpu.memory_space<vmem>>, vector<1x16xf32>,
      %swap3A_96 = arith.index_cast %add3A_78 : i32 to index
      %swap3A_97 = arith.constant 48 : index
      %swap3A_98 = tpu.vector_load %arg7[%swap3A_96, %swap3A_97] {strides = array<i32>} : memref<640x64xf32, #tpu.memory_space<vmem>>, vector<1x16xf32>,
      %swap3A_99 = vector.shape_cast %swap3A_98 : vector<1x16xf32> to vector<16xf32>
      %swap3A_100 = vector.shape_cast %get3A_81 : vector<16xf32> to vector<1x16xf32>
      tpu.vector_store %arg7[%swap3A_96, %swap3A_97], %swap3A_100 {strides = array<i32>} : memref<640x64xf32, #tpu.memory_space<vmem>>, vector<1x16xf32>,
    }
    %scan3A_68 = arith.constant 640 : i32
    %mul3A_69 = arith.constant 10240 : i32
    %mul3A_70 = arith.muli %arg0, %mul3A_69 : i32
    %mul3A_71 = arith.constant 640 : i32
    %mul3A_72 = arith.muli %arg1, %mul3A_71 : i32
    %add3A_73 = arith.addi %mul3A_70, %mul3A_72 : i32
    "tpu.region"() ({
      %run_scoped3A = tpu.sem_alloc : memref<!tpu.dma_semaphore, #tpu.memory_space<semaphore_mem>>
      %dma_start3A_74 = arith.constant 0 : i32
      %dma_start3A_75 = tpu.memref_slice %arg3[%add3A_73, %dma_start3A_74] : memref<20480x64xf32, #tpu.memory_space<hbm>> -> memref<640x64xf32, #tpu.memory_space<hbm>>
      %dma_start3A_76 = arith.constant 0 : i32
      %dma_start3A_77 = tpu.memref_slice %arg3[%add3A_73, %dma_start3A_76] : memref<20480x64xf32, #tpu.memory_space<hbm>> -> memref<640x64xf32, #tpu.memory_space<hbm>>
      tpu.enqueue_dma source(%arg7 : memref<640x64xf32, #tpu.memory_space<vmem>>) target(%dma_start3A_77 : memref<640x64xf32, #tpu.memory_space<hbm>>) target_semaphore(%run_scoped3A : memref<!tpu.dma_semaphore, #tpu.memory_space<semaphore_mem>>)
      %dma_wait3A_78 = arith.constant 0 : i32
      %dma_wait3A_79 = tpu.memref_slice %arg3[%add3A_73, %dma_wait3A_78] : memref<20480x64xf32, #tpu.memory_space<hbm>> -> memref<640x64xf32, #tpu.memory_space<hbm>>
      %dma_wait3A_80 = arith.constant 0 : i32
      %dma_wait3A_81 = tpu.memref_slice %arg3[%add3A_73, %dma_wait3A_80] : memref<20480x64xf32, #tpu.memory_space<hbm>> -> memref<640x64xf32, #tpu.memory_space<hbm>>
      tpu.wait_dma2 semaphore(%run_scoped3A : memref<!tpu.dma_semaphore, #tpu.memory_space<semaphore_mem>>) src(%arg7 : memref<640x64xf32, #tpu.memory_space<vmem>>) dst(%dma_wait3A_81 : memref<640x64xf32, #tpu.memory_space<hbm>>)
      tpu.yield
    }) : () -> ()
    return
  }
}

#map = affine_map<(d0, d1) -> (0, 0)>
#map1 = affine_map<(d0, d1) -> (0, 0, 0, 0)>
module attributes {stable_mosaic.version = 14 : i64} {
  func.func @_sc_agg(%arg0: i32, %arg1: i32, %arg2: memref<10000x64xf32, #tpu.memory_space<hbm>>, %arg3: memref<2x32x125x80xi32, #tpu.memory_space<hbm>>, %arg4: memref<20480x64xf32, #tpu.memory_space<hbm>>, %arg5: memref<125x80xi32, #tpu.memory_space<vmem>>, %arg6: memref<125x80xi32, #tpu.memory_space<vmem>>, %arg7: memref<80x64xf32, #tpu.memory_space<vmem>>, %arg8: memref<80x64xf32, #tpu.memory_space<vmem>>, %arg9: memref<80x64xf32, #tpu.memory_space<vmem>>, %arg10: memref<80x64xf32, #tpu.memory_space<vmem>>, %arg11: memref<10240x64xf32, #tpu.memory_space<vmem_shared>>, %arg12: memref<!tpu.dma_semaphore, #tpu.memory_space<semaphore_mem>>, %arg13: memref<!tpu.dma_semaphore, #tpu.memory_space<semaphore_mem>>, %arg14: memref<!tpu.dma_semaphore, #tpu.memory_space<semaphore_mem>>, %arg15: memref<!tpu.dma_semaphore, #tpu.memory_space<semaphore_mem>>, %arg16: memref<!tpu.dma_semaphore, #tpu.memory_space<semaphore_mem>>, %arg17: memref<!tpu.dma_semaphore, #tpu.memory_space<semaphore_mem>>, %arg18: memref<!tpu.dma_semaphore, #tpu.memory_space<semaphore_mem>>, %arg19: memref<!tpu.dma_semaphore, #tpu.memory_space<semaphore_mem>>, %arg20: memref<!tpu.dma_semaphore, #tpu.memory_space<semaphore_mem>>) attributes {dimension_semantics = [#tpu.dimension_semantics<core_parallel>, #tpu.dimension_semantics<subcore_parallel>], iteration_bounds = array<i64: 2, 16>, scalar_prefetch = 0 : i64, scratch_operands = 16 : i64, tpu.core_type = #tpu.core_type<sc_vector_subcore>, window_params = [{transform_indices = #map}, {transform_indices = #map1}, {transform_indices = #map}]} {
    %mul3A = arith.constant 2 : i32
    %mul3A_0 = arith.muli %arg1, %mul3A : i32
    %add3A = arith.addi %mul3A_0, %arg0 : i32
    %dma_start3A = arith.constant 0 : i32
    %dma_start3A_1 = arith.constant 0 : i32
    %dma_start3A_2 = arith.constant 0 : i32
    %dma_start3A_3 = arith.constant 0 : i32
    %dma_start3A_4 = tpu.memref_slice %arg3[%dma_start3A, %dma_start3A_1, %dma_start3A_2, %dma_start3A_3] : memref<2x32x125x80xi32, #tpu.memory_space<hbm>> -> memref<1x32x125x80xi32, #tpu.memory_space<hbm>>
    %dma_start3A_5 = tpu.memref_squeeze %dma_start3A_4 : memref<1x32x125x80xi32, #tpu.memory_space<hbm>> -> memref<32x125x80xi32, #tpu.memory_space<hbm>>
    %dma_start3A_6 = arith.constant 0 : i32
    %dma_start3A_7 = arith.constant 0 : i32
    %dma_start3A_8 = tpu.memref_slice %dma_start3A_5[%add3A, %dma_start3A_6, %dma_start3A_7] : memref<32x125x80xi32, #tpu.memory_space<hbm>> -> memref<1x125x80xi32, #tpu.memory_space<hbm>>
    %dma_start3A_9 = tpu.memref_squeeze %dma_start3A_8 : memref<1x125x80xi32, #tpu.memory_space<hbm>> -> memref<125x80xi32, #tpu.memory_space<hbm>>
    %dma_start3A_10 = arith.constant 0 : i32
    %dma_start3A_11 = arith.constant 0 : i32
    %dma_start3A_12 = arith.constant 0 : i32
    %dma_start3A_13 = tpu.memref_slice %arg3[%dma_start3A, %dma_start3A_10, %dma_start3A_11, %dma_start3A_12] : memref<2x32x125x80xi32, #tpu.memory_space<hbm>> -> memref<1x32x125x80xi32, #tpu.memory_space<hbm>>
    %dma_start3A_14 = tpu.memref_squeeze %dma_start3A_13 : memref<1x32x125x80xi32, #tpu.memory_space<hbm>> -> memref<32x125x80xi32, #tpu.memory_space<hbm>>
    %dma_start3A_15 = arith.constant 0 : i32
    %dma_start3A_16 = arith.constant 0 : i32
    %dma_start3A_17 = tpu.memref_slice %dma_start3A_14[%add3A, %dma_start3A_15, %dma_start3A_16] : memref<32x125x80xi32, #tpu.memory_space<hbm>> -> memref<1x125x80xi32, #tpu.memory_space<hbm>>
    %dma_start3A_18 = tpu.memref_squeeze %dma_start3A_17 : memref<1x125x80xi32, #tpu.memory_space<hbm>> -> memref<125x80xi32, #tpu.memory_space<hbm>>
    tpu.enqueue_dma source(%dma_start3A_18 : memref<125x80xi32, #tpu.memory_space<hbm>>) target(%arg5 : memref<125x80xi32, #tpu.memory_space<vmem>>) target_semaphore(%arg20 : memref<!tpu.dma_semaphore, #tpu.memory_space<semaphore_mem>>)
    %dma_start3A_19 = arith.constant 1 : i32
    %dma_start3A_20 = arith.constant 0 : i32
    %dma_start3A_21 = arith.constant 0 : i32
    %dma_start3A_22 = arith.constant 0 : i32
    %dma_start3A_23 = tpu.memref_slice %arg3[%dma_start3A_19, %dma_start3A_20, %dma_start3A_21, %dma_start3A_22] : memref<2x32x125x80xi32, #tpu.memory_space<hbm>> -> memref<1x32x125x80xi32, #tpu.memory_space<hbm>>
    %dma_start3A_24 = tpu.memref_squeeze %dma_start3A_23 : memref<1x32x125x80xi32, #tpu.memory_space<hbm>> -> memref<32x125x80xi32, #tpu.memory_space<hbm>>
    %dma_start3A_25 = arith.constant 0 : i32
    %dma_start3A_26 = arith.constant 0 : i32
    %dma_start3A_27 = tpu.memref_slice %dma_start3A_24[%add3A, %dma_start3A_25, %dma_start3A_26] : memref<32x125x80xi32, #tpu.memory_space<hbm>> -> memref<1x125x80xi32, #tpu.memory_space<hbm>>
    %dma_start3A_28 = tpu.memref_squeeze %dma_start3A_27 : memref<1x125x80xi32, #tpu.memory_space<hbm>> -> memref<125x80xi32, #tpu.memory_space<hbm>>
    %dma_start3A_29 = arith.constant 0 : i32
    %dma_start3A_30 = arith.constant 0 : i32
    %dma_start3A_31 = arith.constant 0 : i32
    %dma_start3A_32 = tpu.memref_slice %arg3[%dma_start3A_19, %dma_start3A_29, %dma_start3A_30, %dma_start3A_31] : memref<2x32x125x80xi32, #tpu.memory_space<hbm>> -> memref<1x32x125x80xi32, #tpu.memory_space<hbm>>
    %dma_start3A_33 = tpu.memref_squeeze %dma_start3A_32 : memref<1x32x125x80xi32, #tpu.memory_space<hbm>> -> memref<32x125x80xi32, #tpu.memory_space<hbm>>
    %dma_start3A_34 = arith.constant 0 : i32
    %dma_start3A_35 = arith.constant 0 : i32
    %dma_start3A_36 = tpu.memref_slice %dma_start3A_33[%add3A, %dma_start3A_34, %dma_start3A_35] : memref<32x125x80xi32, #tpu.memory_space<hbm>> -> memref<1x125x80xi32, #tpu.memory_space<hbm>>
    %dma_start3A_37 = tpu.memref_squeeze %dma_start3A_36 : memref<1x125x80xi32, #tpu.memory_space<hbm>> -> memref<125x80xi32, #tpu.memory_space<hbm>>
    tpu.enqueue_dma source(%dma_start3A_37 : memref<125x80xi32, #tpu.memory_space<hbm>>) target(%arg6 : memref<125x80xi32, #tpu.memory_space<vmem>>) target_semaphore(%arg20 : memref<!tpu.dma_semaphore, #tpu.memory_space<semaphore_mem>>)
    %broadcast_in_dim3A = arith.constant 0.000000e+00 : f32
    %broadcast_in_dim3A_38 = vector.broadcast %broadcast_in_dim3A : f32 to vector<16xf32>
    %scan3A = arith.constant 0 : i32
    %scan3A_39 = arith.constant 80 : i32
    %scan3A_40 = arith.addi %scan3A, %scan3A_39 : i32
    %scan3A_41 = arith.constant 1 : i32
    scf.for %scan3A_361 = %scan3A to %scan3A_40 step %scan3A_41  : i32 {
      %mul3A_362 = arith.constant 1 : i32
      %mul3A_363 = arith.muli %scan3A_361, %mul3A_362 : i32
      %add3A_364 = arith.constant 0 : i32
      %add3A_365 = arith.addi %add3A_364, %mul3A_363 : i32
      %swap3A = arith.index_cast %add3A_365 : i32 to index
      %swap3A_366 = arith.constant 0 : index
      %swap3A_367 = tpu.vector_load %arg7[%swap3A, %swap3A_366] {strides = array<i32>} : memref<80x64xf32, #tpu.memory_space<vmem>>, vector<1x16xf32>,
      %swap3A_368 = vector.shape_cast %swap3A_367 : vector<1x16xf32> to vector<16xf32>
      %swap3A_369 = vector.shape_cast %broadcast_in_dim3A_38 : vector<16xf32> to vector<1x16xf32>
      tpu.vector_store %arg7[%swap3A, %swap3A_366], %swap3A_369 {strides = array<i32>} : memref<80x64xf32, #tpu.memory_space<vmem>>, vector<1x16xf32>,
      %swap3A_370 = arith.index_cast %add3A_365 : i32 to index
      %swap3A_371 = arith.constant 16 : index
      %swap3A_372 = tpu.vector_load %arg7[%swap3A_370, %swap3A_371] {strides = array<i32>} : memref<80x64xf32, #tpu.memory_space<vmem>>, vector<1x16xf32>,
      %swap3A_373 = vector.shape_cast %swap3A_372 : vector<1x16xf32> to vector<16xf32>
      %swap3A_374 = vector.shape_cast %broadcast_in_dim3A_38 : vector<16xf32> to vector<1x16xf32>
      tpu.vector_store %arg7[%swap3A_370, %swap3A_371], %swap3A_374 {strides = array<i32>} : memref<80x64xf32, #tpu.memory_space<vmem>>, vector<1x16xf32>,
      %swap3A_375 = arith.index_cast %add3A_365 : i32 to index
      %swap3A_376 = arith.constant 32 : index
      %swap3A_377 = tpu.vector_load %arg7[%swap3A_375, %swap3A_376] {strides = array<i32>} : memref<80x64xf32, #tpu.memory_space<vmem>>, vector<1x16xf32>,
      %swap3A_378 = vector.shape_cast %swap3A_377 : vector<1x16xf32> to vector<16xf32>
      %swap3A_379 = vector.shape_cast %broadcast_in_dim3A_38 : vector<16xf32> to vector<1x16xf32>
      tpu.vector_store %arg7[%swap3A_375, %swap3A_376], %swap3A_379 {strides = array<i32>} : memref<80x64xf32, #tpu.memory_space<vmem>>, vector<1x16xf32>,
      %swap3A_380 = arith.index_cast %add3A_365 : i32 to index
      %swap3A_381 = arith.constant 48 : index
      %swap3A_382 = tpu.vector_load %arg7[%swap3A_380, %swap3A_381] {strides = array<i32>} : memref<80x64xf32, #tpu.memory_space<vmem>>, vector<1x16xf32>,
      %swap3A_383 = vector.shape_cast %swap3A_382 : vector<1x16xf32> to vector<16xf32>
      %swap3A_384 = vector.shape_cast %broadcast_in_dim3A_38 : vector<16xf32> to vector<1x16xf32>
      tpu.vector_store %arg7[%swap3A_380, %swap3A_381], %swap3A_384 {strides = array<i32>} : memref<80x64xf32, #tpu.memory_space<vmem>>, vector<1x16xf32>,
      %swap3A_385 = arith.index_cast %add3A_365 : i32 to index
      %swap3A_386 = arith.constant 0 : index
      %swap3A_387 = tpu.vector_load %arg8[%swap3A_385, %swap3A_386] {strides = array<i32>} : memref<80x64xf32, #tpu.memory_space<vmem>>, vector<1x16xf32>,
      %swap3A_388 = vector.shape_cast %swap3A_387 : vector<1x16xf32> to vector<16xf32>
      %swap3A_389 = vector.shape_cast %broadcast_in_dim3A_38 : vector<16xf32> to vector<1x16xf32>
      tpu.vector_store %arg8[%swap3A_385, %swap3A_386], %swap3A_389 {strides = array<i32>} : memref<80x64xf32, #tpu.memory_space<vmem>>, vector<1x16xf32>,
      %swap3A_390 = arith.index_cast %add3A_365 : i32 to index
      %swap3A_391 = arith.constant 16 : index
      %swap3A_392 = tpu.vector_load %arg8[%swap3A_390, %swap3A_391] {strides = array<i32>} : memref<80x64xf32, #tpu.memory_space<vmem>>, vector<1x16xf32>,
      %swap3A_393 = vector.shape_cast %swap3A_392 : vector<1x16xf32> to vector<16xf32>
      %swap3A_394 = vector.shape_cast %broadcast_in_dim3A_38 : vector<16xf32> to vector<1x16xf32>
      tpu.vector_store %arg8[%swap3A_390, %swap3A_391], %swap3A_394 {strides = array<i32>} : memref<80x64xf32, #tpu.memory_space<vmem>>, vector<1x16xf32>,
      %swap3A_395 = arith.index_cast %add3A_365 : i32 to index
      %swap3A_396 = arith.constant 32 : index
      %swap3A_397 = tpu.vector_load %arg8[%swap3A_395, %swap3A_396] {strides = array<i32>} : memref<80x64xf32, #tpu.memory_space<vmem>>, vector<1x16xf32>,
      %swap3A_398 = vector.shape_cast %swap3A_397 : vector<1x16xf32> to vector<16xf32>
      %swap3A_399 = vector.shape_cast %broadcast_in_dim3A_38 : vector<16xf32> to vector<1x16xf32>
      tpu.vector_store %arg8[%swap3A_395, %swap3A_396], %swap3A_399 {strides = array<i32>} : memref<80x64xf32, #tpu.memory_space<vmem>>, vector<1x16xf32>,
      %swap3A_400 = arith.index_cast %add3A_365 : i32 to index
      %swap3A_401 = arith.constant 48 : index
      %swap3A_402 = tpu.vector_load %arg8[%swap3A_400, %swap3A_401] {strides = array<i32>} : memref<80x64xf32, #tpu.memory_space<vmem>>, vector<1x16xf32>,
      %swap3A_403 = vector.shape_cast %swap3A_402 : vector<1x16xf32> to vector<16xf32>
      %swap3A_404 = vector.shape_cast %broadcast_in_dim3A_38 : vector<16xf32> to vector<1x16xf32>
      tpu.vector_store %arg8[%swap3A_400, %swap3A_401], %swap3A_404 {strides = array<i32>} : memref<80x64xf32, #tpu.memory_space<vmem>>, vector<1x16xf32>,
      %swap3A_405 = arith.index_cast %add3A_365 : i32 to index
      %swap3A_406 = arith.constant 0 : index
      %swap3A_407 = tpu.vector_load %arg9[%swap3A_405, %swap3A_406] {strides = array<i32>} : memref<80x64xf32, #tpu.memory_space<vmem>>, vector<1x16xf32>,
      %swap3A_408 = vector.shape_cast %swap3A_407 : vector<1x16xf32> to vector<16xf32>
      %swap3A_409 = vector.shape_cast %broadcast_in_dim3A_38 : vector<16xf32> to vector<1x16xf32>
      tpu.vector_store %arg9[%swap3A_405, %swap3A_406], %swap3A_409 {strides = array<i32>} : memref<80x64xf32, #tpu.memory_space<vmem>>, vector<1x16xf32>,
      %swap3A_410 = arith.index_cast %add3A_365 : i32 to index
      %swap3A_411 = arith.constant 16 : index
      %swap3A_412 = tpu.vector_load %arg9[%swap3A_410, %swap3A_411] {strides = array<i32>} : memref<80x64xf32, #tpu.memory_space<vmem>>, vector<1x16xf32>,
      %swap3A_413 = vector.shape_cast %swap3A_412 : vector<1x16xf32> to vector<16xf32>
      %swap3A_414 = vector.shape_cast %broadcast_in_dim3A_38 : vector<16xf32> to vector<1x16xf32>
      tpu.vector_store %arg9[%swap3A_410, %swap3A_411], %swap3A_414 {strides = array<i32>} : memref<80x64xf32, #tpu.memory_space<vmem>>, vector<1x16xf32>,
      %swap3A_415 = arith.index_cast %add3A_365 : i32 to index
      %swap3A_416 = arith.constant 32 : index
      %swap3A_417 = tpu.vector_load %arg9[%swap3A_415, %swap3A_416] {strides = array<i32>} : memref<80x64xf32, #tpu.memory_space<vmem>>, vector<1x16xf32>,
      %swap3A_418 = vector.shape_cast %swap3A_417 : vector<1x16xf32> to vector<16xf32>
      %swap3A_419 = vector.shape_cast %broadcast_in_dim3A_38 : vector<16xf32> to vector<1x16xf32>
      tpu.vector_store %arg9[%swap3A_415, %swap3A_416], %swap3A_419 {strides = array<i32>} : memref<80x64xf32, #tpu.memory_space<vmem>>, vector<1x16xf32>,
      %swap3A_420 = arith.index_cast %add3A_365 : i32 to index
      %swap3A_421 = arith.constant 48 : index
      %swap3A_422 = tpu.vector_load %arg9[%swap3A_420, %swap3A_421] {strides = array<i32>} : memref<80x64xf32, #tpu.memory_space<vmem>>, vector<1x16xf32>,
      %swap3A_423 = vector.shape_cast %swap3A_422 : vector<1x16xf32> to vector<16xf32>
      %swap3A_424 = vector.shape_cast %broadcast_in_dim3A_38 : vector<16xf32> to vector<1x16xf32>
      tpu.vector_store %arg9[%swap3A_420, %swap3A_421], %swap3A_424 {strides = array<i32>} : memref<80x64xf32, #tpu.memory_space<vmem>>, vector<1x16xf32>,
      %swap3A_425 = arith.index_cast %add3A_365 : i32 to index
      %swap3A_426 = arith.constant 0 : index
      %swap3A_427 = tpu.vector_load %arg10[%swap3A_425, %swap3A_426] {strides = array<i32>} : memref<80x64xf32, #tpu.memory_space<vmem>>, vector<1x16xf32>,
      %swap3A_428 = vector.shape_cast %swap3A_427 : vector<1x16xf32> to vector<16xf32>
      %swap3A_429 = vector.shape_cast %broadcast_in_dim3A_38 : vector<16xf32> to vector<1x16xf32>
      tpu.vector_store %arg10[%swap3A_425, %swap3A_426], %swap3A_429 {strides = array<i32>} : memref<80x64xf32, #tpu.memory_space<vmem>>, vector<1x16xf32>,
      %swap3A_430 = arith.index_cast %add3A_365 : i32 to index
      %swap3A_431 = arith.constant 16 : index
      %swap3A_432 = tpu.vector_load %arg10[%swap3A_430, %swap3A_431] {strides = array<i32>} : memref<80x64xf32, #tpu.memory_space<vmem>>, vector<1x16xf32>,
      %swap3A_433 = vector.shape_cast %swap3A_432 : vector<1x16xf32> to vector<16xf32>
      %swap3A_434 = vector.shape_cast %broadcast_in_dim3A_38 : vector<16xf32> to vector<1x16xf32>
      tpu.vector_store %arg10[%swap3A_430, %swap3A_431], %swap3A_434 {strides = array<i32>} : memref<80x64xf32, #tpu.memory_space<vmem>>, vector<1x16xf32>,
      %swap3A_435 = arith.index_cast %add3A_365 : i32 to index
      %swap3A_436 = arith.constant 32 : index
      %swap3A_437 = tpu.vector_load %arg10[%swap3A_435, %swap3A_436] {strides = array<i32>} : memref<80x64xf32, #tpu.memory_space<vmem>>, vector<1x16xf32>,
      %swap3A_438 = vector.shape_cast %swap3A_437 : vector<1x16xf32> to vector<16xf32>
      %swap3A_439 = vector.shape_cast %broadcast_in_dim3A_38 : vector<16xf32> to vector<1x16xf32>
      tpu.vector_store %arg10[%swap3A_435, %swap3A_436], %swap3A_439 {strides = array<i32>} : memref<80x64xf32, #tpu.memory_space<vmem>>, vector<1x16xf32>,
      %swap3A_440 = arith.index_cast %add3A_365 : i32 to index
      %swap3A_441 = arith.constant 48 : index
      %swap3A_442 = tpu.vector_load %arg10[%swap3A_440, %swap3A_441] {strides = array<i32>} : memref<80x64xf32, #tpu.memory_space<vmem>>, vector<1x16xf32>,
      %swap3A_443 = vector.shape_cast %swap3A_442 : vector<1x16xf32> to vector<16xf32>
      %swap3A_444 = vector.shape_cast %broadcast_in_dim3A_38 : vector<16xf32> to vector<1x16xf32>
      tpu.vector_store %arg10[%swap3A_440, %swap3A_441], %swap3A_444 {strides = array<i32>} : memref<80x64xf32, #tpu.memory_space<vmem>>, vector<1x16xf32>,
    }
    %scan3A_42 = arith.constant 80 : i32
    %mul3A_43 = arith.constant 640 : i32
    %mul3A_44 = arith.muli %arg1, %mul3A_43 : i32
    %add3A_45 = arith.constant 0 : i32
    %add3A_46 = arith.addi %mul3A_44, %add3A_45 : i32
    %dma_start3A_47 = arith.constant 0 : i32
    %dma_start3A_48 = tpu.memref_slice %arg11[%add3A_46, %dma_start3A_47] : memref<10240x64xf32, #tpu.memory_space<vmem_shared>> -> memref<80x64xf32, #tpu.memory_space<vmem_shared>>
    %dma_start3A_49 = arith.constant 0 : i32
    %dma_start3A_50 = tpu.memref_slice %arg11[%add3A_46, %dma_start3A_49] : memref<10240x64xf32, #tpu.memory_space<vmem_shared>> -> memref<80x64xf32, #tpu.memory_space<vmem_shared>>
    tpu.enqueue_dma source(%arg7 : memref<80x64xf32, #tpu.memory_space<vmem>>) target(%dma_start3A_50 : memref<80x64xf32, #tpu.memory_space<vmem_shared>>) target_semaphore(%arg20 : memref<!tpu.dma_semaphore, #tpu.memory_space<semaphore_mem>>)
    %mul3A_51 = arith.constant 640 : i32
    %mul3A_52 = arith.muli %arg1, %mul3A_51 : i32
    %add3A_53 = arith.constant 80 : i32
    %add3A_54 = arith.addi %mul3A_52, %add3A_53 : i32
    %dma_start3A_55 = arith.constant 0 : i32
    %dma_start3A_56 = tpu.memref_slice %arg11[%add3A_54, %dma_start3A_55] : memref<10240x64xf32, #tpu.memory_space<vmem_shared>> -> memref<80x64xf32, #tpu.memory_space<vmem_shared>>
    %dma_start3A_57 = arith.constant 0 : i32
    %dma_start3A_58 = tpu.memref_slice %arg11[%add3A_54, %dma_start3A_57] : memref<10240x64xf32, #tpu.memory_space<vmem_shared>> -> memref<80x64xf32, #tpu.memory_space<vmem_shared>>
    tpu.enqueue_dma source(%arg8 : memref<80x64xf32, #tpu.memory_space<vmem>>) target(%dma_start3A_58 : memref<80x64xf32, #tpu.memory_space<vmem_shared>>) target_semaphore(%arg20 : memref<!tpu.dma_semaphore, #tpu.memory_space<semaphore_mem>>)
    %mul3A_59 = arith.constant 640 : i32
    %mul3A_60 = arith.muli %arg1, %mul3A_59 : i32
    %add3A_61 = arith.constant 160 : i32
    %add3A_62 = arith.addi %mul3A_60, %add3A_61 : i32
    %dma_start3A_63 = arith.constant 0 : i32
    %dma_start3A_64 = tpu.memref_slice %arg11[%add3A_62, %dma_start3A_63] : memref<10240x64xf32, #tpu.memory_space<vmem_shared>> -> memref<80x64xf32, #tpu.memory_space<vmem_shared>>
    %dma_start3A_65 = arith.constant 0 : i32
    %dma_start3A_66 = tpu.memref_slice %arg11[%add3A_62, %dma_start3A_65] : memref<10240x64xf32, #tpu.memory_space<vmem_shared>> -> memref<80x64xf32, #tpu.memory_space<vmem_shared>>
    tpu.enqueue_dma source(%arg9 : memref<80x64xf32, #tpu.memory_space<vmem>>) target(%dma_start3A_66 : memref<80x64xf32, #tpu.memory_space<vmem_shared>>) target_semaphore(%arg20 : memref<!tpu.dma_semaphore, #tpu.memory_space<semaphore_mem>>)
    %mul3A_67 = arith.constant 640 : i32
    %mul3A_68 = arith.muli %arg1, %mul3A_67 : i32
    %add3A_69 = arith.constant 240 : i32
    %add3A_70 = arith.addi %mul3A_68, %add3A_69 : i32
    %dma_start3A_71 = arith.constant 0 : i32
    %dma_start3A_72 = tpu.memref_slice %arg11[%add3A_70, %dma_start3A_71] : memref<10240x64xf32, #tpu.memory_space<vmem_shared>> -> memref<80x64xf32, #tpu.memory_space<vmem_shared>>
    %dma_start3A_73 = arith.constant 0 : i32
    %dma_start3A_74 = tpu.memref_slice %arg11[%add3A_70, %dma_start3A_73] : memref<10240x64xf32, #tpu.memory_space<vmem_shared>> -> memref<80x64xf32, #tpu.memory_space<vmem_shared>>
    tpu.enqueue_dma source(%arg10 : memref<80x64xf32, #tpu.memory_space<vmem>>) target(%dma_start3A_74 : memref<80x64xf32, #tpu.memory_space<vmem_shared>>) target_semaphore(%arg20 : memref<!tpu.dma_semaphore, #tpu.memory_space<semaphore_mem>>)
    %mul3A_75 = arith.constant 640 : i32
    %mul3A_76 = arith.muli %arg1, %mul3A_75 : i32
    %add3A_77 = arith.constant 320 : i32
    %add3A_78 = arith.addi %mul3A_76, %add3A_77 : i32
    %dma_start3A_79 = arith.constant 0 : i32
    %dma_start3A_80 = tpu.memref_slice %arg11[%add3A_78, %dma_start3A_79] : memref<10240x64xf32, #tpu.memory_space<vmem_shared>> -> memref<80x64xf32, #tpu.memory_space<vmem_shared>>
    %dma_start3A_81 = arith.constant 0 : i32
    %dma_start3A_82 = tpu.memref_slice %arg11[%add3A_78, %dma_start3A_81] : memref<10240x64xf32, #tpu.memory_space<vmem_shared>> -> memref<80x64xf32, #tpu.memory_space<vmem_shared>>
    tpu.enqueue_dma source(%arg7 : memref<80x64xf32, #tpu.memory_space<vmem>>) target(%dma_start3A_82 : memref<80x64xf32, #tpu.memory_space<vmem_shared>>) target_semaphore(%arg20 : memref<!tpu.dma_semaphore, #tpu.memory_space<semaphore_mem>>)
    %mul3A_83 = arith.constant 640 : i32
    %mul3A_84 = arith.muli %arg1, %mul3A_83 : i32
    %add3A_85 = arith.constant 400 : i32
    %add3A_86 = arith.addi %mul3A_84, %add3A_85 : i32
    %dma_start3A_87 = arith.constant 0 : i32
    %dma_start3A_88 = tpu.memref_slice %arg11[%add3A_86, %dma_start3A_87] : memref<10240x64xf32, #tpu.memory_space<vmem_shared>> -> memref<80x64xf32, #tpu.memory_space<vmem_shared>>
    %dma_start3A_89 = arith.constant 0 : i32
    %dma_start3A_90 = tpu.memref_slice %arg11[%add3A_86, %dma_start3A_89] : memref<10240x64xf32, #tpu.memory_space<vmem_shared>> -> memref<80x64xf32, #tpu.memory_space<vmem_shared>>
    tpu.enqueue_dma source(%arg8 : memref<80x64xf32, #tpu.memory_space<vmem>>) target(%dma_start3A_90 : memref<80x64xf32, #tpu.memory_space<vmem_shared>>) target_semaphore(%arg20 : memref<!tpu.dma_semaphore, #tpu.memory_space<semaphore_mem>>)
    %mul3A_91 = arith.constant 640 : i32
    %mul3A_92 = arith.muli %arg1, %mul3A_91 : i32
    %add3A_93 = arith.constant 480 : i32
    %add3A_94 = arith.addi %mul3A_92, %add3A_93 : i32
    %dma_start3A_95 = arith.constant 0 : i32
    %dma_start3A_96 = tpu.memref_slice %arg11[%add3A_94, %dma_start3A_95] : memref<10240x64xf32, #tpu.memory_space<vmem_shared>> -> memref<80x64xf32, #tpu.memory_space<vmem_shared>>
    %dma_start3A_97 = arith.constant 0 : i32
    %dma_start3A_98 = tpu.memref_slice %arg11[%add3A_94, %dma_start3A_97] : memref<10240x64xf32, #tpu.memory_space<vmem_shared>> -> memref<80x64xf32, #tpu.memory_space<vmem_shared>>
    tpu.enqueue_dma source(%arg9 : memref<80x64xf32, #tpu.memory_space<vmem>>) target(%dma_start3A_98 : memref<80x64xf32, #tpu.memory_space<vmem_shared>>) target_semaphore(%arg20 : memref<!tpu.dma_semaphore, #tpu.memory_space<semaphore_mem>>)
    %mul3A_99 = arith.constant 640 : i32
    %mul3A_100 = arith.muli %arg1, %mul3A_99 : i32
    %add3A_101 = arith.constant 560 : i32
    %add3A_102 = arith.addi %mul3A_100, %add3A_101 : i32
    %dma_start3A_103 = arith.constant 0 : i32
    %dma_start3A_104 = tpu.memref_slice %arg11[%add3A_102, %dma_start3A_103] : memref<10240x64xf32, #tpu.memory_space<vmem_shared>> -> memref<80x64xf32, #tpu.memory_space<vmem_shared>>
    %dma_start3A_105 = arith.constant 0 : i32
    %dma_start3A_106 = tpu.memref_slice %arg11[%add3A_102, %dma_start3A_105] : memref<10240x64xf32, #tpu.memory_space<vmem_shared>> -> memref<80x64xf32, #tpu.memory_space<vmem_shared>>
    tpu.enqueue_dma source(%arg10 : memref<80x64xf32, #tpu.memory_space<vmem>>) target(%dma_start3A_106 : memref<80x64xf32, #tpu.memory_space<vmem_shared>>) target_semaphore(%arg20 : memref<!tpu.dma_semaphore, #tpu.memory_space<semaphore_mem>>)
    %mul3A_107 = arith.constant 640 : i32
    %mul3A_108 = arith.muli %arg1, %mul3A_107 : i32
    %add3A_109 = arith.constant 0 : i32
    %add3A_110 = arith.addi %mul3A_108, %add3A_109 : i32
    %dma_wait3A = arith.constant 0 : i32
    %dma_wait3A_111 = tpu.memref_slice %arg11[%add3A_110, %dma_wait3A] : memref<10240x64xf32, #tpu.memory_space<vmem_shared>> -> memref<80x64xf32, #tpu.memory_space<vmem_shared>>
    %dma_wait3A_112 = arith.constant 0 : i32
    %dma_wait3A_113 = tpu.memref_slice %arg11[%add3A_110, %dma_wait3A_112] : memref<10240x64xf32, #tpu.memory_space<vmem_shared>> -> memref<80x64xf32, #tpu.memory_space<vmem_shared>>
    tpu.wait_dma2 semaphore(%arg20 : memref<!tpu.dma_semaphore, #tpu.memory_space<semaphore_mem>>) src(%arg7 : memref<80x64xf32, #tpu.memory_space<vmem>>) dst(%dma_wait3A_113 : memref<80x64xf32, #tpu.memory_space<vmem_shared>>)
    %mul3A_114 = arith.constant 640 : i32
    %mul3A_115 = arith.muli %arg1, %mul3A_114 : i32
    %add3A_116 = arith.constant 80 : i32
    %add3A_117 = arith.addi %mul3A_115, %add3A_116 : i32
    %dma_wait3A_118 = arith.constant 0 : i32
    %dma_wait3A_119 = tpu.memref_slice %arg11[%add3A_117, %dma_wait3A_118] : memref<10240x64xf32, #tpu.memory_space<vmem_shared>> -> memref<80x64xf32, #tpu.memory_space<vmem_shared>>
    %dma_wait3A_120 = arith.constant 0 : i32
    %dma_wait3A_121 = tpu.memref_slice %arg11[%add3A_117, %dma_wait3A_120] : memref<10240x64xf32, #tpu.memory_space<vmem_shared>> -> memref<80x64xf32, #tpu.memory_space<vmem_shared>>
    tpu.wait_dma2 semaphore(%arg20 : memref<!tpu.dma_semaphore, #tpu.memory_space<semaphore_mem>>) src(%arg8 : memref<80x64xf32, #tpu.memory_space<vmem>>) dst(%dma_wait3A_121 : memref<80x64xf32, #tpu.memory_space<vmem_shared>>)
    %mul3A_122 = arith.constant 640 : i32
    %mul3A_123 = arith.muli %arg1, %mul3A_122 : i32
    %add3A_124 = arith.constant 160 : i32
    %add3A_125 = arith.addi %mul3A_123, %add3A_124 : i32
    %dma_wait3A_126 = arith.constant 0 : i32
    %dma_wait3A_127 = tpu.memref_slice %arg11[%add3A_125, %dma_wait3A_126] : memref<10240x64xf32, #tpu.memory_space<vmem_shared>> -> memref<80x64xf32, #tpu.memory_space<vmem_shared>>
    %dma_wait3A_128 = arith.constant 0 : i32
    %dma_wait3A_129 = tpu.memref_slice %arg11[%add3A_125, %dma_wait3A_128] : memref<10240x64xf32, #tpu.memory_space<vmem_shared>> -> memref<80x64xf32, #tpu.memory_space<vmem_shared>>
    tpu.wait_dma2 semaphore(%arg20 : memref<!tpu.dma_semaphore, #tpu.memory_space<semaphore_mem>>) src(%arg9 : memref<80x64xf32, #tpu.memory_space<vmem>>) dst(%dma_wait3A_129 : memref<80x64xf32, #tpu.memory_space<vmem_shared>>)
    %mul3A_130 = arith.constant 640 : i32
    %mul3A_131 = arith.muli %arg1, %mul3A_130 : i32
    %add3A_132 = arith.constant 240 : i32
    %add3A_133 = arith.addi %mul3A_131, %add3A_132 : i32
    %dma_wait3A_134 = arith.constant 0 : i32
    %dma_wait3A_135 = tpu.memref_slice %arg11[%add3A_133, %dma_wait3A_134] : memref<10240x64xf32, #tpu.memory_space<vmem_shared>> -> memref<80x64xf32, #tpu.memory_space<vmem_shared>>
    %dma_wait3A_136 = arith.constant 0 : i32
    %dma_wait3A_137 = tpu.memref_slice %arg11[%add3A_133, %dma_wait3A_136] : memref<10240x64xf32, #tpu.memory_space<vmem_shared>> -> memref<80x64xf32, #tpu.memory_space<vmem_shared>>
    tpu.wait_dma2 semaphore(%arg20 : memref<!tpu.dma_semaphore, #tpu.memory_space<semaphore_mem>>) src(%arg10 : memref<80x64xf32, #tpu.memory_space<vmem>>) dst(%dma_wait3A_137 : memref<80x64xf32, #tpu.memory_space<vmem_shared>>)
    %mul3A_138 = arith.constant 640 : i32
    %mul3A_139 = arith.muli %arg1, %mul3A_138 : i32
    %add3A_140 = arith.constant 320 : i32
    %add3A_141 = arith.addi %mul3A_139, %add3A_140 : i32
    %dma_wait3A_142 = arith.constant 0 : i32
    %dma_wait3A_143 = tpu.memref_slice %arg11[%add3A_141, %dma_wait3A_142] : memref<10240x64xf32, #tpu.memory_space<vmem_shared>> -> memref<80x64xf32, #tpu.memory_space<vmem_shared>>
    %dma_wait3A_144 = arith.constant 0 : i32
    %dma_wait3A_145 = tpu.memref_slice %arg11[%add3A_141, %dma_wait3A_144] : memref<10240x64xf32, #tpu.memory_space<vmem_shared>> -> memref<80x64xf32, #tpu.memory_space<vmem_shared>>
    tpu.wait_dma2 semaphore(%arg20 : memref<!tpu.dma_semaphore, #tpu.memory_space<semaphore_mem>>) src(%arg7 : memref<80x64xf32, #tpu.memory_space<vmem>>) dst(%dma_wait3A_145 : memref<80x64xf32, #tpu.memory_space<vmem_shared>>)
    %mul3A_146 = arith.constant 640 : i32
    %mul3A_147 = arith.muli %arg1, %mul3A_146 : i32
    %add3A_148 = arith.constant 400 : i32
    %add3A_149 = arith.addi %mul3A_147, %add3A_148 : i32
    %dma_wait3A_150 = arith.constant 0 : i32
    %dma_wait3A_151 = tpu.memref_slice %arg11[%add3A_149, %dma_wait3A_150] : memref<10240x64xf32, #tpu.memory_space<vmem_shared>> -> memref<80x64xf32, #tpu.memory_space<vmem_shared>>
    %dma_wait3A_152 = arith.constant 0 : i32
    %dma_wait3A_153 = tpu.memref_slice %arg11[%add3A_149, %dma_wait3A_152] : memref<10240x64xf32, #tpu.memory_space<vmem_shared>> -> memref<80x64xf32, #tpu.memory_space<vmem_shared>>
    tpu.wait_dma2 semaphore(%arg20 : memref<!tpu.dma_semaphore, #tpu.memory_space<semaphore_mem>>) src(%arg8 : memref<80x64xf32, #tpu.memory_space<vmem>>) dst(%dma_wait3A_153 : memref<80x64xf32, #tpu.memory_space<vmem_shared>>)
    %mul3A_154 = arith.constant 640 : i32
    %mul3A_155 = arith.muli %arg1, %mul3A_154 : i32
    %add3A_156 = arith.constant 480 : i32
    %add3A_157 = arith.addi %mul3A_155, %add3A_156 : i32
    %dma_wait3A_158 = arith.constant 0 : i32
    %dma_wait3A_159 = tpu.memref_slice %arg11[%add3A_157, %dma_wait3A_158] : memref<10240x64xf32, #tpu.memory_space<vmem_shared>> -> memref<80x64xf32, #tpu.memory_space<vmem_shared>>
    %dma_wait3A_160 = arith.constant 0 : i32
    %dma_wait3A_161 = tpu.memref_slice %arg11[%add3A_157, %dma_wait3A_160] : memref<10240x64xf32, #tpu.memory_space<vmem_shared>> -> memref<80x64xf32, #tpu.memory_space<vmem_shared>>
    tpu.wait_dma2 semaphore(%arg20 : memref<!tpu.dma_semaphore, #tpu.memory_space<semaphore_mem>>) src(%arg9 : memref<80x64xf32, #tpu.memory_space<vmem>>) dst(%dma_wait3A_161 : memref<80x64xf32, #tpu.memory_space<vmem_shared>>)
    %mul3A_162 = arith.constant 640 : i32
    %mul3A_163 = arith.muli %arg1, %mul3A_162 : i32
    %add3A_164 = arith.constant 560 : i32
    %add3A_165 = arith.addi %mul3A_163, %add3A_164 : i32
    %dma_wait3A_166 = arith.constant 0 : i32
    %dma_wait3A_167 = tpu.memref_slice %arg11[%add3A_165, %dma_wait3A_166] : memref<10240x64xf32, #tpu.memory_space<vmem_shared>> -> memref<80x64xf32, #tpu.memory_space<vmem_shared>>
    %dma_wait3A_168 = arith.constant 0 : i32
    %dma_wait3A_169 = tpu.memref_slice %arg11[%add3A_165, %dma_wait3A_168] : memref<10240x64xf32, #tpu.memory_space<vmem_shared>> -> memref<80x64xf32, #tpu.memory_space<vmem_shared>>
    tpu.wait_dma2 semaphore(%arg20 : memref<!tpu.dma_semaphore, #tpu.memory_space<semaphore_mem>>) src(%arg10 : memref<80x64xf32, #tpu.memory_space<vmem>>) dst(%dma_wait3A_169 : memref<80x64xf32, #tpu.memory_space<vmem_shared>>)
    %dma_wait3A_170 = arith.constant 0 : i32
    %dma_wait3A_171 = arith.constant 0 : i32
    %dma_wait3A_172 = arith.constant 0 : i32
    %dma_wait3A_173 = arith.constant 0 : i32
    %dma_wait3A_174 = tpu.memref_slice %arg3[%dma_wait3A_170, %dma_wait3A_171, %dma_wait3A_172, %dma_wait3A_173] : memref<2x32x125x80xi32, #tpu.memory_space<hbm>> -> memref<1x32x125x80xi32, #tpu.memory_space<hbm>>
    %dma_wait3A_175 = tpu.memref_squeeze %dma_wait3A_174 : memref<1x32x125x80xi32, #tpu.memory_space<hbm>> -> memref<32x125x80xi32, #tpu.memory_space<hbm>>
    %dma_wait3A_176 = arith.constant 0 : i32
    %dma_wait3A_177 = arith.constant 0 : i32
    %dma_wait3A_178 = tpu.memref_slice %dma_wait3A_175[%add3A, %dma_wait3A_176, %dma_wait3A_177] : memref<32x125x80xi32, #tpu.memory_space<hbm>> -> memref<1x125x80xi32, #tpu.memory_space<hbm>>
    %dma_wait3A_179 = tpu.memref_squeeze %dma_wait3A_178 : memref<1x125x80xi32, #tpu.memory_space<hbm>> -> memref<125x80xi32, #tpu.memory_space<hbm>>
    %dma_wait3A_180 = arith.constant 0 : i32
    %dma_wait3A_181 = arith.constant 0 : i32
    %dma_wait3A_182 = arith.constant 0 : i32
    %dma_wait3A_183 = tpu.memref_slice %arg3[%dma_wait3A_170, %dma_wait3A_180, %dma_wait3A_181, %dma_wait3A_182] : memref<2x32x125x80xi32, #tpu.memory_space<hbm>> -> memref<1x32x125x80xi32, #tpu.memory_space<hbm>>
    %dma_wait3A_184 = tpu.memref_squeeze %dma_wait3A_183 : memref<1x32x125x80xi32, #tpu.memory_space<hbm>> -> memref<32x125x80xi32, #tpu.memory_space<hbm>>
    %dma_wait3A_185 = arith.constant 0 : i32
    %dma_wait3A_186 = arith.constant 0 : i32
    %dma_wait3A_187 = tpu.memref_slice %dma_wait3A_184[%add3A, %dma_wait3A_185, %dma_wait3A_186] : memref<32x125x80xi32, #tpu.memory_space<hbm>> -> memref<1x125x80xi32, #tpu.memory_space<hbm>>
    %dma_wait3A_188 = tpu.memref_squeeze %dma_wait3A_187 : memref<1x125x80xi32, #tpu.memory_space<hbm>> -> memref<125x80xi32, #tpu.memory_space<hbm>>
    tpu.wait_dma2 semaphore(%arg20 : memref<!tpu.dma_semaphore, #tpu.memory_space<semaphore_mem>>) src(%dma_wait3A_188 : memref<125x80xi32, #tpu.memory_space<hbm>>) dst(%arg5 : memref<125x80xi32, #tpu.memory_space<vmem>>)
    %dma_wait3A_189 = arith.constant 1 : i32
    %dma_wait3A_190 = arith.constant 0 : i32
    %dma_wait3A_191 = arith.constant 0 : i32
    %dma_wait3A_192 = arith.constant 0 : i32
    %dma_wait3A_193 = tpu.memref_slice %arg3[%dma_wait3A_189, %dma_wait3A_190, %dma_wait3A_191, %dma_wait3A_192] : memref<2x32x125x80xi32, #tpu.memory_space<hbm>> -> memref<1x32x125x80xi32, #tpu.memory_space<hbm>>
    %dma_wait3A_194 = tpu.memref_squeeze %dma_wait3A_193 : memref<1x32x125x80xi32, #tpu.memory_space<hbm>> -> memref<32x125x80xi32, #tpu.memory_space<hbm>>
    %dma_wait3A_195 = arith.constant 0 : i32
    %dma_wait3A_196 = arith.constant 0 : i32
    %dma_wait3A_197 = tpu.memref_slice %dma_wait3A_194[%add3A, %dma_wait3A_195, %dma_wait3A_196] : memref<32x125x80xi32, #tpu.memory_space<hbm>> -> memref<1x125x80xi32, #tpu.memory_space<hbm>>
    %dma_wait3A_198 = tpu.memref_squeeze %dma_wait3A_197 : memref<1x125x80xi32, #tpu.memory_space<hbm>> -> memref<125x80xi32, #tpu.memory_space<hbm>>
    %dma_wait3A_199 = arith.constant 0 : i32
    %dma_wait3A_200 = arith.constant 0 : i32
    %dma_wait3A_201 = arith.constant 0 : i32
    %dma_wait3A_202 = tpu.memref_slice %arg3[%dma_wait3A_189, %dma_wait3A_199, %dma_wait3A_200, %dma_wait3A_201] : memref<2x32x125x80xi32, #tpu.memory_space<hbm>> -> memref<1x32x125x80xi32, #tpu.memory_space<hbm>>
    %dma_wait3A_203 = tpu.memref_squeeze %dma_wait3A_202 : memref<1x32x125x80xi32, #tpu.memory_space<hbm>> -> memref<32x125x80xi32, #tpu.memory_space<hbm>>
    %dma_wait3A_204 = arith.constant 0 : i32
    %dma_wait3A_205 = arith.constant 0 : i32
    %dma_wait3A_206 = tpu.memref_slice %dma_wait3A_203[%add3A, %dma_wait3A_204, %dma_wait3A_205] : memref<32x125x80xi32, #tpu.memory_space<hbm>> -> memref<1x125x80xi32, #tpu.memory_space<hbm>>
    %dma_wait3A_207 = tpu.memref_squeeze %dma_wait3A_206 : memref<1x125x80xi32, #tpu.memory_space<hbm>> -> memref<125x80xi32, #tpu.memory_space<hbm>>
    tpu.wait_dma2 semaphore(%arg20 : memref<!tpu.dma_semaphore, #tpu.memory_space<semaphore_mem>>) src(%dma_wait3A_207 : memref<125x80xi32, #tpu.memory_space<hbm>>) dst(%arg6 : memref<125x80xi32, #tpu.memory_space<vmem>>)
    %barrier3A = arith.constant 0 : index
    tpu.barrier barrier_id(%barrier3A)
    %dma_start3A_208 = arith.constant 0 : i32
    %dma_start3A_209 = arith.constant 0 : i32
    %dma_start3A_210 = tpu.memref_slice %arg5[%dma_start3A_208, %dma_start3A_209] : memref<125x80xi32, #tpu.memory_space<vmem>> -> memref<1x80xi32, #tpu.memory_space<vmem>>
    %dma_start3A_211 = tpu.memref_squeeze %dma_start3A_210 : memref<1x80xi32, #tpu.memory_space<vmem>> -> memref<80xi32, #tpu.memory_space<vmem>>
    %dma_start3A_212 = arith.constant 0 : i32
    %dma_start3A_213 = arith.constant 0 : i32
    %dma_start3A_214 = tpu.memref_slice %arg2[%dma_start3A_212, %dma_start3A_213] : memref<10000x64xf32, #tpu.memory_space<hbm>> -> memref<10000x64xf32, #tpu.memory_space<hbm>>
    tpu.enqueue_indirect_dma source(%dma_start3A_214 : memref<10000x64xf32, #tpu.memory_space<hbm>>) target(%arg7 : memref<80x64xf32, #tpu.memory_space<vmem>>) offsets(%dma_start3A_211 : memref<80xi32, #tpu.memory_space<vmem>>) semaphore(%arg12 : memref<!tpu.dma_semaphore, #tpu.memory_space<semaphore_mem>>)
    %dma_start3A_215 = arith.constant 1 : i32
    %dma_start3A_216 = arith.constant 0 : i32
    %dma_start3A_217 = tpu.memref_slice %arg5[%dma_start3A_215, %dma_start3A_216] : memref<125x80xi32, #tpu.memory_space<vmem>> -> memref<1x80xi32, #tpu.memory_space<vmem>>
    %dma_start3A_218 = tpu.memref_squeeze %dma_start3A_217 : memref<1x80xi32, #tpu.memory_space<vmem>> -> memref<80xi32, #tpu.memory_space<vmem>>
    %dma_start3A_219 = arith.constant 0 : i32
    %dma_start3A_220 = arith.constant 0 : i32
    %dma_start3A_221 = tpu.memref_slice %arg2[%dma_start3A_219, %dma_start3A_220] : memref<10000x64xf32, #tpu.memory_space<hbm>> -> memref<10000x64xf32, #tpu.memory_space<hbm>>
    tpu.enqueue_indirect_dma source(%dma_start3A_221 : memref<10000x64xf32, #tpu.memory_space<hbm>>) target(%arg8 : memref<80x64xf32, #tpu.memory_space<vmem>>) offsets(%dma_start3A_218 : memref<80xi32, #tpu.memory_space<vmem>>) semaphore(%arg13 : memref<!tpu.dma_semaphore, #tpu.memory_space<semaphore_mem>>)
    %dma_start3A_222 = arith.constant 2 : i32
    %dma_start3A_223 = arith.constant 0 : i32
    %dma_start3A_224 = tpu.memref_slice %arg5[%dma_start3A_222, %dma_start3A_223] : memref<125x80xi32, #tpu.memory_space<vmem>> -> memref<1x80xi32, #tpu.memory_space<vmem>>
    %dma_start3A_225 = tpu.memref_squeeze %dma_start3A_224 : memref<1x80xi32, #tpu.memory_space<vmem>> -> memref<80xi32, #tpu.memory_space<vmem>>
    %dma_start3A_226 = arith.constant 0 : i32
    %dma_start3A_227 = arith.constant 0 : i32
    %dma_start3A_228 = tpu.memref_slice %arg2[%dma_start3A_226, %dma_start3A_227] : memref<10000x64xf32, #tpu.memory_space<hbm>> -> memref<10000x64xf32, #tpu.memory_space<hbm>>
    tpu.enqueue_indirect_dma source(%dma_start3A_228 : memref<10000x64xf32, #tpu.memory_space<hbm>>) target(%arg9 : memref<80x64xf32, #tpu.memory_space<vmem>>) offsets(%dma_start3A_225 : memref<80xi32, #tpu.memory_space<vmem>>) semaphore(%arg14 : memref<!tpu.dma_semaphore, #tpu.memory_space<semaphore_mem>>)
    %dma_wait3A_229 = arith.constant 0 : i32
    %dma_wait3A_230 = arith.constant 0 : i32
    %dma_wait3A_231 = tpu.memref_slice %arg5[%dma_wait3A_229, %dma_wait3A_230] : memref<125x80xi32, #tpu.memory_space<vmem>> -> memref<1x80xi32, #tpu.memory_space<vmem>>
    %dma_wait3A_232 = tpu.memref_squeeze %dma_wait3A_231 : memref<1x80xi32, #tpu.memory_space<vmem>> -> memref<80xi32, #tpu.memory_space<vmem>>
    %dma_wait3A_233 = arith.constant 0 : i32
    %dma_wait3A_234 = arith.constant 0 : i32
    %dma_wait3A_235 = tpu.memref_slice %arg2[%dma_wait3A_233, %dma_wait3A_234] : memref<10000x64xf32, #tpu.memory_space<hbm>> -> memref<10000x64xf32, #tpu.memory_space<hbm>>
    tpu.wait_indirect_dma semaphore(%arg12 : memref<!tpu.dma_semaphore, #tpu.memory_space<semaphore_mem>>) src(%dma_wait3A_235 : memref<10000x64xf32, #tpu.memory_space<hbm>>) dst(%arg7 : memref<80x64xf32, #tpu.memory_space<vmem>>)
    %dma_start3A_236 = arith.constant 0 : i32
    %dma_start3A_237 = arith.constant 0 : i32
    %dma_start3A_238 = tpu.memref_slice %arg6[%dma_start3A_236, %dma_start3A_237] : memref<125x80xi32, #tpu.memory_space<vmem>> -> memref<1x80xi32, #tpu.memory_space<vmem>>
    %dma_start3A_239 = tpu.memref_squeeze %dma_start3A_238 : memref<1x80xi32, #tpu.memory_space<vmem>> -> memref<80xi32, #tpu.memory_space<vmem>>
    %dma_start3A_240 = arith.constant 0 : i32
    %dma_start3A_241 = arith.constant 0 : i32
    %dma_start3A_242 = tpu.memref_slice %arg11[%dma_start3A_240, %dma_start3A_241] : memref<10240x64xf32, #tpu.memory_space<vmem_shared>> -> memref<10240x64xf32, #tpu.memory_space<vmem_shared>>
    tpu.enqueue_indirect_dma source(%arg7 : memref<80x64xf32, #tpu.memory_space<vmem>>) target(%dma_start3A_242 : memref<10240x64xf32, #tpu.memory_space<vmem_shared>>) offsets(%dma_start3A_239 : memref<80xi32, #tpu.memory_space<vmem>>) semaphore(%arg16 : memref<!tpu.dma_semaphore, #tpu.memory_space<semaphore_mem>>) {add = true}
    %dma_start3A_243 = arith.constant 3 : i32
    %dma_start3A_244 = arith.constant 0 : i32
    %dma_start3A_245 = tpu.memref_slice %arg5[%dma_start3A_243, %dma_start3A_244] : memref<125x80xi32, #tpu.memory_space<vmem>> -> memref<1x80xi32, #tpu.memory_space<vmem>>
    %dma_start3A_246 = tpu.memref_squeeze %dma_start3A_245 : memref<1x80xi32, #tpu.memory_space<vmem>> -> memref<80xi32, #tpu.memory_space<vmem>>
    %dma_start3A_247 = arith.constant 0 : i32
    %dma_start3A_248 = arith.constant 0 : i32
    %dma_start3A_249 = tpu.memref_slice %arg2[%dma_start3A_247, %dma_start3A_248] : memref<10000x64xf32, #tpu.memory_space<hbm>> -> memref<10000x64xf32, #tpu.memory_space<hbm>>
    tpu.enqueue_indirect_dma source(%dma_start3A_249 : memref<10000x64xf32, #tpu.memory_space<hbm>>) target(%arg10 : memref<80x64xf32, #tpu.memory_space<vmem>>) offsets(%dma_start3A_246 : memref<80xi32, #tpu.memory_space<vmem>>) semaphore(%arg15 : memref<!tpu.dma_semaphore, #tpu.memory_space<semaphore_mem>>)
    %scan3A_250 = arith.constant 0 : i32
    %scan3A_251 = arith.constant 30 : i32
    %scan3A_252 = arith.addi %scan3A_250, %scan3A_251 : i32
    %scan3A_253 = arith.constant 1 : i32
    scf.for %scan3A_361 = %scan3A_250 to %scan3A_252 step %scan3A_253  : i32 {
      %mul3A_362 = arith.constant 4 : i32
      %mul3A_363 = arith.muli %scan3A_361, %mul3A_362 : i32
      %add3A_364 = arith.constant 1 : i32
      %add3A_365 = arith.addi %add3A_364, %mul3A_363 : i32
      %add3A_366 = arith.constant 0 : i32
      %add3A_367 = arith.addi %add3A_365, %add3A_366 : i32
      %dma_wait3A_368 = arith.constant 0 : i32
      %dma_wait3A_369 = tpu.memref_slice %arg5[%add3A_367, %dma_wait3A_368] : memref<125x80xi32, #tpu.memory_space<vmem>> -> memref<1x80xi32, #tpu.memory_space<vmem>>
      %dma_wait3A_370 = tpu.memref_squeeze %dma_wait3A_369 : memref<1x80xi32, #tpu.memory_space<vmem>> -> memref<80xi32, #tpu.memory_space<vmem>>
      %dma_wait3A_371 = arith.constant 0 : i32
      %dma_wait3A_372 = arith.constant 0 : i32
      %dma_wait3A_373 = tpu.memref_slice %arg2[%dma_wait3A_371, %dma_wait3A_372] : memref<10000x64xf32, #tpu.memory_space<hbm>> -> memref<10000x64xf32, #tpu.memory_space<hbm>>
      tpu.wait_indirect_dma semaphore(%arg13 : memref<!tpu.dma_semaphore, #tpu.memory_space<semaphore_mem>>) src(%dma_wait3A_373 : memref<10000x64xf32, #tpu.memory_space<hbm>>) dst(%arg8 : memref<80x64xf32, #tpu.memory_space<vmem>>)
      %dma_start3A_374 = arith.constant 0 : i32
      %dma_start3A_375 = tpu.memref_slice %arg6[%add3A_367, %dma_start3A_374] : memref<125x80xi32, #tpu.memory_space<vmem>> -> memref<1x80xi32, #tpu.memory_space<vmem>>
      %dma_start3A_376 = tpu.memref_squeeze %dma_start3A_375 : memref<1x80xi32, #tpu.memory_space<vmem>> -> memref<80xi32, #tpu.memory_space<vmem>>
      %dma_start3A_377 = arith.constant 0 : i32
      %dma_start3A_378 = arith.constant 0 : i32
      %dma_start3A_379 = tpu.memref_slice %arg11[%dma_start3A_377, %dma_start3A_378] : memref<10240x64xf32, #tpu.memory_space<vmem_shared>> -> memref<10240x64xf32, #tpu.memory_space<vmem_shared>>
      tpu.enqueue_indirect_dma source(%arg8 : memref<80x64xf32, #tpu.memory_space<vmem>>) target(%dma_start3A_379 : memref<10240x64xf32, #tpu.memory_space<vmem_shared>>) offsets(%dma_start3A_376 : memref<80xi32, #tpu.memory_space<vmem>>) semaphore(%arg17 : memref<!tpu.dma_semaphore, #tpu.memory_space<semaphore_mem>>) {add = true}
      %sub3A = arith.constant 1 : i32
      %sub3A_380 = arith.subi %add3A_367, %sub3A : i32
      %dma_wait3A_381 = arith.constant 0 : i32
      %dma_wait3A_382 = tpu.memref_slice %arg6[%sub3A_380, %dma_wait3A_381] : memref<125x80xi32, #tpu.memory_space<vmem>> -> memref<1x80xi32, #tpu.memory_space<vmem>>
      %dma_wait3A_383 = tpu.memref_squeeze %dma_wait3A_382 : memref<1x80xi32, #tpu.memory_space<vmem>> -> memref<80xi32, #tpu.memory_space<vmem>>
      %dma_wait3A_384 = arith.constant 0 : i32
      %dma_wait3A_385 = arith.constant 0 : i32
      %dma_wait3A_386 = tpu.memref_slice %arg11[%dma_wait3A_384, %dma_wait3A_385] : memref<10240x64xf32, #tpu.memory_space<vmem_shared>> -> memref<10240x64xf32, #tpu.memory_space<vmem_shared>>
      tpu.wait_indirect_dma semaphore(%arg16 : memref<!tpu.dma_semaphore, #tpu.memory_space<semaphore_mem>>) src(%arg7 : memref<80x64xf32, #tpu.memory_space<vmem>>) dst(%dma_wait3A_386 : memref<10240x64xf32, #tpu.memory_space<vmem_shared>>)
      %add3A_387 = arith.constant 3 : i32
      %add3A_388 = arith.addi %add3A_367, %add3A_387 : i32
      %dma_start3A_389 = arith.constant 0 : i32
      %dma_start3A_390 = tpu.memref_slice %arg5[%add3A_388, %dma_start3A_389] : memref<125x80xi32, #tpu.memory_space<vmem>> -> memref<1x80xi32, #tpu.memory_space<vmem>>
      %dma_start3A_391 = tpu.memref_squeeze %dma_start3A_390 : memref<1x80xi32, #tpu.memory_space<vmem>> -> memref<80xi32, #tpu.memory_space<vmem>>
      %dma_start3A_392 = arith.constant 0 : i32
      %dma_start3A_393 = arith.constant 0 : i32
      %dma_start3A_394 = tpu.memref_slice %arg2[%dma_start3A_392, %dma_start3A_393] : memref<10000x64xf32, #tpu.memory_space<hbm>> -> memref<10000x64xf32, #tpu.memory_space<hbm>>
      tpu.enqueue_indirect_dma source(%dma_start3A_394 : memref<10000x64xf32, #tpu.memory_space<hbm>>) target(%arg7 : memref<80x64xf32, #tpu.memory_space<vmem>>) offsets(%dma_start3A_391 : memref<80xi32, #tpu.memory_space<vmem>>) semaphore(%arg12 : memref<!tpu.dma_semaphore, #tpu.memory_space<semaphore_mem>>)
      %add3A_395 = arith.constant 1 : i32
      %add3A_396 = arith.addi %add3A_365, %add3A_395 : i32
      %dma_wait3A_397 = arith.constant 0 : i32
      %dma_wait3A_398 = tpu.memref_slice %arg5[%add3A_396, %dma_wait3A_397] : memref<125x80xi32, #tpu.memory_space<vmem>> -> memref<1x80xi32, #tpu.memory_space<vmem>>
      %dma_wait3A_399 = tpu.memref_squeeze %dma_wait3A_398 : memref<1x80xi32, #tpu.memory_space<vmem>> -> memref<80xi32, #tpu.memory_space<vmem>>
      %dma_wait3A_400 = arith.constant 0 : i32
      %dma_wait3A_401 = arith.constant 0 : i32
      %dma_wait3A_402 = tpu.memref_slice %arg2[%dma_wait3A_400, %dma_wait3A_401] : memref<10000x64xf32, #tpu.memory_space<hbm>> -> memref<10000x64xf32, #tpu.memory_space<hbm>>
      tpu.wait_indirect_dma semaphore(%arg14 : memref<!tpu.dma_semaphore, #tpu.memory_space<semaphore_mem>>) src(%dma_wait3A_402 : memref<10000x64xf32, #tpu.memory_space<hbm>>) dst(%arg9 : memref<80x64xf32, #tpu.memory_space<vmem>>)
      %dma_start3A_403 = arith.constant 0 : i32
      %dma_start3A_404 = tpu.memref_slice %arg6[%add3A_396, %dma_start3A_403] : memref<125x80xi32, #tpu.memory_space<vmem>> -> memref<1x80xi32, #tpu.memory_space<vmem>>
      %dma_start3A_405 = tpu.memref_squeeze %dma_start3A_404 : memref<1x80xi32, #tpu.memory_space<vmem>> -> memref<80xi32, #tpu.memory_space<vmem>>
      %dma_start3A_406 = arith.constant 0 : i32
      %dma_start3A_407 = arith.constant 0 : i32
      %dma_start3A_408 = tpu.memref_slice %arg11[%dma_start3A_406, %dma_start3A_407] : memref<10240x64xf32, #tpu.memory_space<vmem_shared>> -> memref<10240x64xf32, #tpu.memory_space<vmem_shared>>
      tpu.enqueue_indirect_dma source(%arg9 : memref<80x64xf32, #tpu.memory_space<vmem>>) target(%dma_start3A_408 : memref<10240x64xf32, #tpu.memory_space<vmem_shared>>) offsets(%dma_start3A_405 : memref<80xi32, #tpu.memory_space<vmem>>) semaphore(%arg18 : memref<!tpu.dma_semaphore, #tpu.memory_space<semaphore_mem>>) {add = true}
      %sub3A_409 = arith.constant 1 : i32
      %sub3A_410 = arith.subi %add3A_396, %sub3A_409 : i32
      %dma_wait3A_411 = arith.constant 0 : i32
      %dma_wait3A_412 = tpu.memref_slice %arg6[%sub3A_410, %dma_wait3A_411] : memref<125x80xi32, #tpu.memory_space<vmem>> -> memref<1x80xi32, #tpu.memory_space<vmem>>
      %dma_wait3A_413 = tpu.memref_squeeze %dma_wait3A_412 : memref<1x80xi32, #tpu.memory_space<vmem>> -> memref<80xi32, #tpu.memory_space<vmem>>
      %dma_wait3A_414 = arith.constant 0 : i32
      %dma_wait3A_415 = arith.constant 0 : i32
      %dma_wait3A_416 = tpu.memref_slice %arg11[%dma_wait3A_414, %dma_wait3A_415] : memref<10240x64xf32, #tpu.memory_space<vmem_shared>> -> memref<10240x64xf32, #tpu.memory_space<vmem_shared>>
      tpu.wait_indirect_dma semaphore(%arg17 : memref<!tpu.dma_semaphore, #tpu.memory_space<semaphore_mem>>) src(%arg8 : memref<80x64xf32, #tpu.memory_space<vmem>>) dst(%dma_wait3A_416 : memref<10240x64xf32, #tpu.memory_space<vmem_shared>>)
      %add3A_417 = arith.constant 3 : i32
      %add3A_418 = arith.addi %add3A_396, %add3A_417 : i32
      %dma_start3A_419 = arith.constant 0 : i32
      %dma_start3A_420 = tpu.memref_slice %arg5[%add3A_418, %dma_start3A_419] : memref<125x80xi32, #tpu.memory_space<vmem>> -> memref<1x80xi32, #tpu.memory_space<vmem>>
      %dma_start3A_421 = tpu.memref_squeeze %dma_start3A_420 : memref<1x80xi32, #tpu.memory_space<vmem>> -> memref<80xi32, #tpu.memory_space<vmem>>
      %dma_start3A_422 = arith.constant 0 : i32
      %dma_start3A_423 = arith.constant 0 : i32
      %dma_start3A_424 = tpu.memref_slice %arg2[%dma_start3A_422, %dma_start3A_423] : memref<10000x64xf32, #tpu.memory_space<hbm>> -> memref<10000x64xf32, #tpu.memory_space<hbm>>
      tpu.enqueue_indirect_dma source(%dma_start3A_424 : memref<10000x64xf32, #tpu.memory_space<hbm>>) target(%arg8 : memref<80x64xf32, #tpu.memory_space<vmem>>) offsets(%dma_start3A_421 : memref<80xi32, #tpu.memory_space<vmem>>) semaphore(%arg13 : memref<!tpu.dma_semaphore, #tpu.memory_space<semaphore_mem>>)
      %add3A_425 = arith.constant 2 : i32
      %add3A_426 = arith.addi %add3A_365, %add3A_425 : i32
      %dma_wait3A_427 = arith.constant 0 : i32
      %dma_wait3A_428 = tpu.memref_slice %arg5[%add3A_426, %dma_wait3A_427] : memref<125x80xi32, #tpu.memory_space<vmem>> -> memref<1x80xi32, #tpu.memory_space<vmem>>
      %dma_wait3A_429 = tpu.memref_squeeze %dma_wait3A_428 : memref<1x80xi32, #tpu.memory_space<vmem>> -> memref<80xi32, #tpu.memory_space<vmem>>
      %dma_wait3A_430 = arith.constant 0 : i32
      %dma_wait3A_431 = arith.constant 0 : i32
      %dma_wait3A_432 = tpu.memref_slice %arg2[%dma_wait3A_430, %dma_wait3A_431] : memref<10000x64xf32, #tpu.memory_space<hbm>> -> memref<10000x64xf32, #tpu.memory_space<hbm>>
      tpu.wait_indirect_dma semaphore(%arg15 : memref<!tpu.dma_semaphore, #tpu.memory_space<semaphore_mem>>) src(%dma_wait3A_432 : memref<10000x64xf32, #tpu.memory_space<hbm>>) dst(%arg10 : memref<80x64xf32, #tpu.memory_space<vmem>>)
      %dma_start3A_433 = arith.constant 0 : i32
      %dma_start3A_434 = tpu.memref_slice %arg6[%add3A_426, %dma_start3A_433] : memref<125x80xi32, #tpu.memory_space<vmem>> -> memref<1x80xi32, #tpu.memory_space<vmem>>
      %dma_start3A_435 = tpu.memref_squeeze %dma_start3A_434 : memref<1x80xi32, #tpu.memory_space<vmem>> -> memref<80xi32, #tpu.memory_space<vmem>>
      %dma_start3A_436 = arith.constant 0 : i32
      %dma_start3A_437 = arith.constant 0 : i32
      %dma_start3A_438 = tpu.memref_slice %arg11[%dma_start3A_436, %dma_start3A_437] : memref<10240x64xf32, #tpu.memory_space<vmem_shared>> -> memref<10240x64xf32, #tpu.memory_space<vmem_shared>>
      tpu.enqueue_indirect_dma source(%arg10 : memref<80x64xf32, #tpu.memory_space<vmem>>) target(%dma_start3A_438 : memref<10240x64xf32, #tpu.memory_space<vmem_shared>>) offsets(%dma_start3A_435 : memref<80xi32, #tpu.memory_space<vmem>>) semaphore(%arg19 : memref<!tpu.dma_semaphore, #tpu.memory_space<semaphore_mem>>) {add = true}
      %sub3A_439 = arith.constant 1 : i32
      %sub3A_440 = arith.subi %add3A_426, %sub3A_439 : i32
      %dma_wait3A_441 = arith.constant 0 : i32
      %dma_wait3A_442 = tpu.memref_slice %arg6[%sub3A_440, %dma_wait3A_441] : memref<125x80xi32, #tpu.memory_space<vmem>> -> memref<1x80xi32, #tpu.memory_space<vmem>>
      %dma_wait3A_443 = tpu.memref_squeeze %dma_wait3A_442 : memref<1x80xi32, #tpu.memory_space<vmem>> -> memref<80xi32, #tpu.memory_space<vmem>>
      %dma_wait3A_444 = arith.constant 0 : i32
      %dma_wait3A_445 = arith.constant 0 : i32
      %dma_wait3A_446 = tpu.memref_slice %arg11[%dma_wait3A_444, %dma_wait3A_445] : memref<10240x64xf32, #tpu.memory_space<vmem_shared>> -> memref<10240x64xf32, #tpu.memory_space<vmem_shared>>
      tpu.wait_indirect_dma semaphore(%arg18 : memref<!tpu.dma_semaphore, #tpu.memory_space<semaphore_mem>>) src(%arg9 : memref<80x64xf32, #tpu.memory_space<vmem>>) dst(%dma_wait3A_446 : memref<10240x64xf32, #tpu.memory_space<vmem_shared>>)
      %add3A_447 = arith.constant 3 : i32
      %add3A_448 = arith.addi %add3A_426, %add3A_447 : i32
      %dma_start3A_449 = arith.constant 0 : i32
      %dma_start3A_450 = tpu.memref_slice %arg5[%add3A_448, %dma_start3A_449] : memref<125x80xi32, #tpu.memory_space<vmem>> -> memref<1x80xi32, #tpu.memory_space<vmem>>
      %dma_start3A_451 = tpu.memref_squeeze %dma_start3A_450 : memref<1x80xi32, #tpu.memory_space<vmem>> -> memref<80xi32, #tpu.memory_space<vmem>>
      %dma_start3A_452 = arith.constant 0 : i32
      %dma_start3A_453 = arith.constant 0 : i32
      %dma_start3A_454 = tpu.memref_slice %arg2[%dma_start3A_452, %dma_start3A_453] : memref<10000x64xf32, #tpu.memory_space<hbm>> -> memref<10000x64xf32, #tpu.memory_space<hbm>>
      tpu.enqueue_indirect_dma source(%dma_start3A_454 : memref<10000x64xf32, #tpu.memory_space<hbm>>) target(%arg9 : memref<80x64xf32, #tpu.memory_space<vmem>>) offsets(%dma_start3A_451 : memref<80xi32, #tpu.memory_space<vmem>>) semaphore(%arg14 : memref<!tpu.dma_semaphore, #tpu.memory_space<semaphore_mem>>)
      %add3A_455 = arith.constant 3 : i32
      %add3A_456 = arith.addi %add3A_365, %add3A_455 : i32
      %dma_wait3A_457 = arith.constant 0 : i32
      %dma_wait3A_458 = tpu.memref_slice %arg5[%add3A_456, %dma_wait3A_457] : memref<125x80xi32, #tpu.memory_space<vmem>> -> memref<1x80xi32, #tpu.memory_space<vmem>>
      %dma_wait3A_459 = tpu.memref_squeeze %dma_wait3A_458 : memref<1x80xi32, #tpu.memory_space<vmem>> -> memref<80xi32, #tpu.memory_space<vmem>>
      %dma_wait3A_460 = arith.constant 0 : i32
      %dma_wait3A_461 = arith.constant 0 : i32
      %dma_wait3A_462 = tpu.memref_slice %arg2[%dma_wait3A_460, %dma_wait3A_461] : memref<10000x64xf32, #tpu.memory_space<hbm>> -> memref<10000x64xf32, #tpu.memory_space<hbm>>
      tpu.wait_indirect_dma semaphore(%arg12 : memref<!tpu.dma_semaphore, #tpu.memory_space<semaphore_mem>>) src(%dma_wait3A_462 : memref<10000x64xf32, #tpu.memory_space<hbm>>) dst(%arg7 : memref<80x64xf32, #tpu.memory_space<vmem>>)
      %dma_start3A_463 = arith.constant 0 : i32
      %dma_start3A_464 = tpu.memref_slice %arg6[%add3A_456, %dma_start3A_463] : memref<125x80xi32, #tpu.memory_space<vmem>> -> memref<1x80xi32, #tpu.memory_space<vmem>>
      %dma_start3A_465 = tpu.memref_squeeze %dma_start3A_464 : memref<1x80xi32, #tpu.memory_space<vmem>> -> memref<80xi32, #tpu.memory_space<vmem>>
      %dma_start3A_466 = arith.constant 0 : i32
      %dma_start3A_467 = arith.constant 0 : i32
      %dma_start3A_468 = tpu.memref_slice %arg11[%dma_start3A_466, %dma_start3A_467] : memref<10240x64xf32, #tpu.memory_space<vmem_shared>> -> memref<10240x64xf32, #tpu.memory_space<vmem_shared>>
      tpu.enqueue_indirect_dma source(%arg7 : memref<80x64xf32, #tpu.memory_space<vmem>>) target(%dma_start3A_468 : memref<10240x64xf32, #tpu.memory_space<vmem_shared>>) offsets(%dma_start3A_465 : memref<80xi32, #tpu.memory_space<vmem>>) semaphore(%arg16 : memref<!tpu.dma_semaphore, #tpu.memory_space<semaphore_mem>>) {add = true}
      %sub3A_469 = arith.constant 1 : i32
      %sub3A_470 = arith.subi %add3A_456, %sub3A_469 : i32
      %dma_wait3A_471 = arith.constant 0 : i32
      %dma_wait3A_472 = tpu.memref_slice %arg6[%sub3A_470, %dma_wait3A_471] : memref<125x80xi32, #tpu.memory_space<vmem>> -> memref<1x80xi32, #tpu.memory_space<vmem>>
      %dma_wait3A_473 = tpu.memref_squeeze %dma_wait3A_472 : memref<1x80xi32, #tpu.memory_space<vmem>> -> memref<80xi32, #tpu.memory_space<vmem>>
      %dma_wait3A_474 = arith.constant 0 : i32
      %dma_wait3A_475 = arith.constant 0 : i32
      %dma_wait3A_476 = tpu.memref_slice %arg11[%dma_wait3A_474, %dma_wait3A_475] : memref<10240x64xf32, #tpu.memory_space<vmem_shared>> -> memref<10240x64xf32, #tpu.memory_space<vmem_shared>>
      tpu.wait_indirect_dma semaphore(%arg19 : memref<!tpu.dma_semaphore, #tpu.memory_space<semaphore_mem>>) src(%arg10 : memref<80x64xf32, #tpu.memory_space<vmem>>) dst(%dma_wait3A_476 : memref<10240x64xf32, #tpu.memory_space<vmem_shared>>)
      %add3A_477 = arith.constant 3 : i32
      %add3A_478 = arith.addi %add3A_456, %add3A_477 : i32
      %dma_start3A_479 = arith.constant 0 : i32
      %dma_start3A_480 = tpu.memref_slice %arg5[%add3A_478, %dma_start3A_479] : memref<125x80xi32, #tpu.memory_space<vmem>> -> memref<1x80xi32, #tpu.memory_space<vmem>>
      %dma_start3A_481 = tpu.memref_squeeze %dma_start3A_480 : memref<1x80xi32, #tpu.memory_space<vmem>> -> memref<80xi32, #tpu.memory_space<vmem>>
      %dma_start3A_482 = arith.constant 0 : i32
      %dma_start3A_483 = arith.constant 0 : i32
      %dma_start3A_484 = tpu.memref_slice %arg2[%dma_start3A_482, %dma_start3A_483] : memref<10000x64xf32, #tpu.memory_space<hbm>> -> memref<10000x64xf32, #tpu.memory_space<hbm>>
      tpu.enqueue_indirect_dma source(%dma_start3A_484 : memref<10000x64xf32, #tpu.memory_space<hbm>>) target(%arg10 : memref<80x64xf32, #tpu.memory_space<vmem>>) offsets(%dma_start3A_481 : memref<80xi32, #tpu.memory_space<vmem>>) semaphore(%arg15 : memref<!tpu.dma_semaphore, #tpu.memory_space<semaphore_mem>>)
    }
    %scan3A_254 = arith.constant 30 : i32
    %dma_wait3A_255 = arith.constant 121 : i32
    %dma_wait3A_256 = arith.constant 0 : i32
    %dma_wait3A_257 = tpu.memref_slice %arg5[%dma_wait3A_255, %dma_wait3A_256] : memref<125x80xi32, #tpu.memory_space<vmem>> -> memref<1x80xi32, #tpu.memory_space<vmem>>
    %dma_wait3A_258 = tpu.memref_squeeze %dma_wait3A_257 : memref<1x80xi32, #tpu.memory_space<vmem>> -> memref<80xi32, #tpu.memory_space<vmem>>
    %dma_wait3A_259 = arith.constant 0 : i32
    %dma_wait3A_260 = arith.constant 0 : i32
    %dma_wait3A_261 = tpu.memref_slice %arg2[%dma_wait3A_259, %dma_wait3A_260] : memref<10000x64xf32, #tpu.memory_space<hbm>> -> memref<10000x64xf32, #tpu.memory_space<hbm>>
    tpu.wait_indirect_dma semaphore(%arg13 : memref<!tpu.dma_semaphore, #tpu.memory_space<semaphore_mem>>) src(%dma_wait3A_261 : memref<10000x64xf32, #tpu.memory_space<hbm>>) dst(%arg8 : memref<80x64xf32, #tpu.memory_space<vmem>>)
    %dma_start3A_262 = arith.constant 121 : i32
    %dma_start3A_263 = arith.constant 0 : i32
    %dma_start3A_264 = tpu.memref_slice %arg6[%dma_start3A_262, %dma_start3A_263] : memref<125x80xi32, #tpu.memory_space<vmem>> -> memref<1x80xi32, #tpu.memory_space<vmem>>
    %dma_start3A_265 = tpu.memref_squeeze %dma_start3A_264 : memref<1x80xi32, #tpu.memory_space<vmem>> -> memref<80xi32, #tpu.memory_space<vmem>>
    %dma_start3A_266 = arith.constant 0 : i32
    %dma_start3A_267 = arith.constant 0 : i32
    %dma_start3A_268 = tpu.memref_slice %arg11[%dma_start3A_266, %dma_start3A_267] : memref<10240x64xf32, #tpu.memory_space<vmem_shared>> -> memref<10240x64xf32, #tpu.memory_space<vmem_shared>>
    tpu.enqueue_indirect_dma source(%arg8 : memref<80x64xf32, #tpu.memory_space<vmem>>) target(%dma_start3A_268 : memref<10240x64xf32, #tpu.memory_space<vmem_shared>>) offsets(%dma_start3A_265 : memref<80xi32, #tpu.memory_space<vmem>>) semaphore(%arg17 : memref<!tpu.dma_semaphore, #tpu.memory_space<semaphore_mem>>) {add = true}
    %dma_wait3A_269 = arith.constant 120 : i32
    %dma_wait3A_270 = arith.constant 0 : i32
    %dma_wait3A_271 = tpu.memref_slice %arg6[%dma_wait3A_269, %dma_wait3A_270] : memref<125x80xi32, #tpu.memory_space<vmem>> -> memref<1x80xi32, #tpu.memory_space<vmem>>
    %dma_wait3A_272 = tpu.memref_squeeze %dma_wait3A_271 : memref<1x80xi32, #tpu.memory_space<vmem>> -> memref<80xi32, #tpu.memory_space<vmem>>
    %dma_wait3A_273 = arith.constant 0 : i32
    %dma_wait3A_274 = arith.constant 0 : i32
    %dma_wait3A_275 = tpu.memref_slice %arg11[%dma_wait3A_273, %dma_wait3A_274] : memref<10240x64xf32, #tpu.memory_space<vmem_shared>> -> memref<10240x64xf32, #tpu.memory_space<vmem_shared>>
    tpu.wait_indirect_dma semaphore(%arg16 : memref<!tpu.dma_semaphore, #tpu.memory_space<semaphore_mem>>) src(%arg7 : memref<80x64xf32, #tpu.memory_space<vmem>>) dst(%dma_wait3A_275 : memref<10240x64xf32, #tpu.memory_space<vmem_shared>>)
    %dma_start3A_276 = arith.constant 124 : i32
    %dma_start3A_277 = arith.constant 0 : i32
    %dma_start3A_278 = tpu.memref_slice %arg5[%dma_start3A_276, %dma_start3A_277] : memref<125x80xi32, #tpu.memory_space<vmem>> -> memref<1x80xi32, #tpu.memory_space<vmem>>
    %dma_start3A_279 = tpu.memref_squeeze %dma_start3A_278 : memref<1x80xi32, #tpu.memory_space<vmem>> -> memref<80xi32, #tpu.memory_space<vmem>>
    %dma_start3A_280 = arith.constant 0 : i32
    %dma_start3A_281 = arith.constant 0 : i32
    %dma_start3A_282 = tpu.memref_slice %arg2[%dma_start3A_280, %dma_start3A_281] : memref<10000x64xf32, #tpu.memory_space<hbm>> -> memref<10000x64xf32, #tpu.memory_space<hbm>>
    tpu.enqueue_indirect_dma source(%dma_start3A_282 : memref<10000x64xf32, #tpu.memory_space<hbm>>) target(%arg7 : memref<80x64xf32, #tpu.memory_space<vmem>>) offsets(%dma_start3A_279 : memref<80xi32, #tpu.memory_space<vmem>>) semaphore(%arg12 : memref<!tpu.dma_semaphore, #tpu.memory_space<semaphore_mem>>)
    %dma_wait3A_283 = arith.constant 122 : i32
    %dma_wait3A_284 = arith.constant 0 : i32
    %dma_wait3A_285 = tpu.memref_slice %arg5[%dma_wait3A_283, %dma_wait3A_284] : memref<125x80xi32, #tpu.memory_space<vmem>> -> memref<1x80xi32, #tpu.memory_space<vmem>>
    %dma_wait3A_286 = tpu.memref_squeeze %dma_wait3A_285 : memref<1x80xi32, #tpu.memory_space<vmem>> -> memref<80xi32, #tpu.memory_space<vmem>>
    %dma_wait3A_287 = arith.constant 0 : i32
    %dma_wait3A_288 = arith.constant 0 : i32
    %dma_wait3A_289 = tpu.memref_slice %arg2[%dma_wait3A_287, %dma_wait3A_288] : memref<10000x64xf32, #tpu.memory_space<hbm>> -> memref<10000x64xf32, #tpu.memory_space<hbm>>
    tpu.wait_indirect_dma semaphore(%arg14 : memref<!tpu.dma_semaphore, #tpu.memory_space<semaphore_mem>>) src(%dma_wait3A_289 : memref<10000x64xf32, #tpu.memory_space<hbm>>) dst(%arg9 : memref<80x64xf32, #tpu.memory_space<vmem>>)
    %dma_start3A_290 = arith.constant 122 : i32
    %dma_start3A_291 = arith.constant 0 : i32
    %dma_start3A_292 = tpu.memref_slice %arg6[%dma_start3A_290, %dma_start3A_291] : memref<125x80xi32, #tpu.memory_space<vmem>> -> memref<1x80xi32, #tpu.memory_space<vmem>>
    %dma_start3A_293 = tpu.memref_squeeze %dma_start3A_292 : memref<1x80xi32, #tpu.memory_space<vmem>> -> memref<80xi32, #tpu.memory_space<vmem>>
    %dma_start3A_294 = arith.constant 0 : i32
    %dma_start3A_295 = arith.constant 0 : i32
    %dma_start3A_296 = tpu.memref_slice %arg11[%dma_start3A_294, %dma_start3A_295] : memref<10240x64xf32, #tpu.memory_space<vmem_shared>> -> memref<10240x64xf32, #tpu.memory_space<vmem_shared>>
    tpu.enqueue_indirect_dma source(%arg9 : memref<80x64xf32, #tpu.memory_space<vmem>>) target(%dma_start3A_296 : memref<10240x64xf32, #tpu.memory_space<vmem_shared>>) offsets(%dma_start3A_293 : memref<80xi32, #tpu.memory_space<vmem>>) semaphore(%arg18 : memref<!tpu.dma_semaphore, #tpu.memory_space<semaphore_mem>>) {add = true}
    %dma_wait3A_297 = arith.constant 121 : i32
    %dma_wait3A_298 = arith.constant 0 : i32
    %dma_wait3A_299 = tpu.memref_slice %arg6[%dma_wait3A_297, %dma_wait3A_298] : memref<125x80xi32, #tpu.memory_space<vmem>> -> memref<1x80xi32, #tpu.memory_space<vmem>>
    %dma_wait3A_300 = tpu.memref_squeeze %dma_wait3A_299 : memref<1x80xi32, #tpu.memory_space<vmem>> -> memref<80xi32, #tpu.memory_space<vmem>>
    %dma_wait3A_301 = arith.constant 0 : i32
    %dma_wait3A_302 = arith.constant 0 : i32
    %dma_wait3A_303 = tpu.memref_slice %arg11[%dma_wait3A_301, %dma_wait3A_302] : memref<10240x64xf32, #tpu.memory_space<vmem_shared>> -> memref<10240x64xf32, #tpu.memory_space<vmem_shared>>
    tpu.wait_indirect_dma semaphore(%arg17 : memref<!tpu.dma_semaphore, #tpu.memory_space<semaphore_mem>>) src(%arg8 : memref<80x64xf32, #tpu.memory_space<vmem>>) dst(%dma_wait3A_303 : memref<10240x64xf32, #tpu.memory_space<vmem_shared>>)
    %dma_wait3A_304 = arith.constant 123 : i32
    %dma_wait3A_305 = arith.constant 0 : i32
    %dma_wait3A_306 = tpu.memref_slice %arg5[%dma_wait3A_304, %dma_wait3A_305] : memref<125x80xi32, #tpu.memory_space<vmem>> -> memref<1x80xi32, #tpu.memory_space<vmem>>
    %dma_wait3A_307 = tpu.memref_squeeze %dma_wait3A_306 : memref<1x80xi32, #tpu.memory_space<vmem>> -> memref<80xi32, #tpu.memory_space<vmem>>
    %dma_wait3A_308 = arith.constant 0 : i32
    %dma_wait3A_309 = arith.constant 0 : i32
    %dma_wait3A_310 = tpu.memref_slice %arg2[%dma_wait3A_308, %dma_wait3A_309] : memref<10000x64xf32, #tpu.memory_space<hbm>> -> memref<10000x64xf32, #tpu.memory_space<hbm>>
    tpu.wait_indirect_dma semaphore(%arg15 : memref<!tpu.dma_semaphore, #tpu.memory_space<semaphore_mem>>) src(%dma_wait3A_310 : memref<10000x64xf32, #tpu.memory_space<hbm>>) dst(%arg10 : memref<80x64xf32, #tpu.memory_space<vmem>>)
    %dma_start3A_311 = arith.constant 123 : i32
    %dma_start3A_312 = arith.constant 0 : i32
    %dma_start3A_313 = tpu.memref_slice %arg6[%dma_start3A_311, %dma_start3A_312] : memref<125x80xi32, #tpu.memory_space<vmem>> -> memref<1x80xi32, #tpu.memory_space<vmem>>
    %dma_start3A_314 = tpu.memref_squeeze %dma_start3A_313 : memref<1x80xi32, #tpu.memory_space<vmem>> -> memref<80xi32, #tpu.memory_space<vmem>>
    %dma_start3A_315 = arith.constant 0 : i32
    %dma_start3A_316 = arith.constant 0 : i32
    %dma_start3A_317 = tpu.memref_slice %arg11[%dma_start3A_315, %dma_start3A_316] : memref<10240x64xf32, #tpu.memory_space<vmem_shared>> -> memref<10240x64xf32, #tpu.memory_space<vmem_shared>>
    tpu.enqueue_indirect_dma source(%arg10 : memref<80x64xf32, #tpu.memory_space<vmem>>) target(%dma_start3A_317 : memref<10240x64xf32, #tpu.memory_space<vmem_shared>>) offsets(%dma_start3A_314 : memref<80xi32, #tpu.memory_space<vmem>>) semaphore(%arg19 : memref<!tpu.dma_semaphore, #tpu.memory_space<semaphore_mem>>) {add = true}
    %dma_wait3A_318 = arith.constant 122 : i32
    %dma_wait3A_319 = arith.constant 0 : i32
    %dma_wait3A_320 = tpu.memref_slice %arg6[%dma_wait3A_318, %dma_wait3A_319] : memref<125x80xi32, #tpu.memory_space<vmem>> -> memref<1x80xi32, #tpu.memory_space<vmem>>
    %dma_wait3A_321 = tpu.memref_squeeze %dma_wait3A_320 : memref<1x80xi32, #tpu.memory_space<vmem>> -> memref<80xi32, #tpu.memory_space<vmem>>
    %dma_wait3A_322 = arith.constant 0 : i32
    %dma_wait3A_323 = arith.constant 0 : i32
    %dma_wait3A_324 = tpu.memref_slice %arg11[%dma_wait3A_322, %dma_wait3A_323] : memref<10240x64xf32, #tpu.memory_space<vmem_shared>> -> memref<10240x64xf32, #tpu.memory_space<vmem_shared>>
    tpu.wait_indirect_dma semaphore(%arg18 : memref<!tpu.dma_semaphore, #tpu.memory_space<semaphore_mem>>) src(%arg9 : memref<80x64xf32, #tpu.memory_space<vmem>>) dst(%dma_wait3A_324 : memref<10240x64xf32, #tpu.memory_space<vmem_shared>>)
    %dma_wait3A_325 = arith.constant 124 : i32
    %dma_wait3A_326 = arith.constant 0 : i32
    %dma_wait3A_327 = tpu.memref_slice %arg5[%dma_wait3A_325, %dma_wait3A_326] : memref<125x80xi32, #tpu.memory_space<vmem>> -> memref<1x80xi32, #tpu.memory_space<vmem>>
    %dma_wait3A_328 = tpu.memref_squeeze %dma_wait3A_327 : memref<1x80xi32, #tpu.memory_space<vmem>> -> memref<80xi32, #tpu.memory_space<vmem>>
    %dma_wait3A_329 = arith.constant 0 : i32
    %dma_wait3A_330 = arith.constant 0 : i32
    %dma_wait3A_331 = tpu.memref_slice %arg2[%dma_wait3A_329, %dma_wait3A_330] : memref<10000x64xf32, #tpu.memory_space<hbm>> -> memref<10000x64xf32, #tpu.memory_space<hbm>>
    tpu.wait_indirect_dma semaphore(%arg12 : memref<!tpu.dma_semaphore, #tpu.memory_space<semaphore_mem>>) src(%dma_wait3A_331 : memref<10000x64xf32, #tpu.memory_space<hbm>>) dst(%arg7 : memref<80x64xf32, #tpu.memory_space<vmem>>)
    %dma_start3A_332 = arith.constant 124 : i32
    %dma_start3A_333 = arith.constant 0 : i32
    %dma_start3A_334 = tpu.memref_slice %arg6[%dma_start3A_332, %dma_start3A_333] : memref<125x80xi32, #tpu.memory_space<vmem>> -> memref<1x80xi32, #tpu.memory_space<vmem>>
    %dma_start3A_335 = tpu.memref_squeeze %dma_start3A_334 : memref<1x80xi32, #tpu.memory_space<vmem>> -> memref<80xi32, #tpu.memory_space<vmem>>
    %dma_start3A_336 = arith.constant 0 : i32
    %dma_start3A_337 = arith.constant 0 : i32
    %dma_start3A_338 = tpu.memref_slice %arg11[%dma_start3A_336, %dma_start3A_337] : memref<10240x64xf32, #tpu.memory_space<vmem_shared>> -> memref<10240x64xf32, #tpu.memory_space<vmem_shared>>
    tpu.enqueue_indirect_dma source(%arg7 : memref<80x64xf32, #tpu.memory_space<vmem>>) target(%dma_start3A_338 : memref<10240x64xf32, #tpu.memory_space<vmem_shared>>) offsets(%dma_start3A_335 : memref<80xi32, #tpu.memory_space<vmem>>) semaphore(%arg16 : memref<!tpu.dma_semaphore, #tpu.memory_space<semaphore_mem>>) {add = true}
    %dma_wait3A_339 = arith.constant 123 : i32
    %dma_wait3A_340 = arith.constant 0 : i32
    %dma_wait3A_341 = tpu.memref_slice %arg6[%dma_wait3A_339, %dma_wait3A_340] : memref<125x80xi32, #tpu.memory_space<vmem>> -> memref<1x80xi32, #tpu.memory_space<vmem>>
    %dma_wait3A_342 = tpu.memref_squeeze %dma_wait3A_341 : memref<1x80xi32, #tpu.memory_space<vmem>> -> memref<80xi32, #tpu.memory_space<vmem>>
    %dma_wait3A_343 = arith.constant 0 : i32
    %dma_wait3A_344 = arith.constant 0 : i32
    %dma_wait3A_345 = tpu.memref_slice %arg11[%dma_wait3A_343, %dma_wait3A_344] : memref<10240x64xf32, #tpu.memory_space<vmem_shared>> -> memref<10240x64xf32, #tpu.memory_space<vmem_shared>>
    tpu.wait_indirect_dma semaphore(%arg19 : memref<!tpu.dma_semaphore, #tpu.memory_space<semaphore_mem>>) src(%arg10 : memref<80x64xf32, #tpu.memory_space<vmem>>) dst(%dma_wait3A_345 : memref<10240x64xf32, #tpu.memory_space<vmem_shared>>)
    %dma_wait3A_346 = arith.constant 124 : i32
    %dma_wait3A_347 = arith.constant 0 : i32
    %dma_wait3A_348 = tpu.memref_slice %arg6[%dma_wait3A_346, %dma_wait3A_347] : memref<125x80xi32, #tpu.memory_space<vmem>> -> memref<1x80xi32, #tpu.memory_space<vmem>>
    %dma_wait3A_349 = tpu.memref_squeeze %dma_wait3A_348 : memref<1x80xi32, #tpu.memory_space<vmem>> -> memref<80xi32, #tpu.memory_space<vmem>>
    %dma_wait3A_350 = arith.constant 0 : i32
    %dma_wait3A_351 = arith.constant 0 : i32
    %dma_wait3A_352 = tpu.memref_slice %arg11[%dma_wait3A_350, %dma_wait3A_351] : memref<10240x64xf32, #tpu.memory_space<vmem_shared>> -> memref<10240x64xf32, #tpu.memory_space<vmem_shared>>
    tpu.wait_indirect_dma semaphore(%arg16 : memref<!tpu.dma_semaphore, #tpu.memory_space<semaphore_mem>>) src(%arg7 : memref<80x64xf32, #tpu.memory_space<vmem>>) dst(%dma_wait3A_352 : memref<10240x64xf32, #tpu.memory_space<vmem_shared>>)
    %barrier3A_353 = arith.constant 0 : index
    tpu.barrier barrier_id(%barrier3A_353)
    %mul3A_354 = arith.constant 640 : i32
    %mul3A_355 = arith.muli %arg1, %mul3A_354 : i32
    %mul3A_356 = arith.constant 10240 : i32
    %mul3A_357 = arith.muli %arg0, %mul3A_356 : i32
    %mul3A_358 = arith.constant 640 : i32
    %mul3A_359 = arith.muli %arg1, %mul3A_358 : i32
    %add3A_360 = arith.addi %mul3A_357, %mul3A_359 : i32
    "tpu.region"() ({
      %run_scoped3A = tpu.sem_alloc : memref<!tpu.dma_semaphore, #tpu.memory_space<semaphore_mem>>
      %dma_start3A_361 = arith.constant 0 : i32
      %dma_start3A_362 = tpu.memref_slice %arg4[%add3A_360, %dma_start3A_361] : memref<20480x64xf32, #tpu.memory_space<hbm>> -> memref<640x64xf32, #tpu.memory_space<hbm>>
      %dma_start3A_363 = arith.constant 0 : i32
      %dma_start3A_364 = tpu.memref_slice %arg11[%mul3A_355, %dma_start3A_363] : memref<10240x64xf32, #tpu.memory_space<vmem_shared>> -> memref<640x64xf32, #tpu.memory_space<vmem_shared>>
      tpu.enqueue_dma source(%dma_start3A_364 : memref<640x64xf32, #tpu.memory_space<vmem_shared>>) target(%dma_start3A_362 : memref<640x64xf32, #tpu.memory_space<hbm>>) target_semaphore(%run_scoped3A : memref<!tpu.dma_semaphore, #tpu.memory_space<semaphore_mem>>)
      %dma_wait3A_365 = arith.constant 0 : i32
      %dma_wait3A_366 = tpu.memref_slice %arg4[%add3A_360, %dma_wait3A_365] : memref<20480x64xf32, #tpu.memory_space<hbm>> -> memref<640x64xf32, #tpu.memory_space<hbm>>
      %dma_wait3A_367 = arith.constant 0 : i32
      %dma_wait3A_368 = tpu.memref_slice %arg11[%mul3A_355, %dma_wait3A_367] : memref<10240x64xf32, #tpu.memory_space<vmem_shared>> -> memref<640x64xf32, #tpu.memory_space<vmem_shared>>
      tpu.wait_dma2 semaphore(%run_scoped3A : memref<!tpu.dma_semaphore, #tpu.memory_space<semaphore_mem>>) src(%dma_wait3A_368 : memref<640x64xf32, #tpu.memory_space<vmem_shared>>) dst(%dma_wait3A_366 : memref<640x64xf32, #tpu.memory_space<hbm>>)
      tpu.yield
    }) : () -> ()
    return
  }
}

#map = affine_map<(d0, d1) -> (0, 0)>
#map1 = affine_map<(d0, d1) -> (0, 0, 0, 0)>
module attributes {stable_mosaic.version = 14 : i64} {
  func.func @_sc_agg(%arg0: i32, %arg1: i32, %arg2: memref<10000x64xf32, #tpu.memory_space<hbm>>, %arg3: memref<2x32x125x80xi32, #tpu.memory_space<hbm>>, %arg4: memref<20480x64xf32, #tpu.memory_space<hbm>>, %arg5: memref<125x80xi32, #tpu.memory_space<vmem>>, %arg6: memref<125x80xi32, #tpu.memory_space<vmem>>, %arg7: memref<80x64xf32, #tpu.memory_space<vmem>>, %arg8: memref<80x64xf32, #tpu.memory_space<vmem>>, %arg9: memref<80x64xf32, #tpu.memory_space<vmem>>, %arg10: memref<80x64xf32, #tpu.memory_space<vmem>>, %arg11: memref<10240x64xf32, #tpu.memory_space<vmem_shared>>, %arg12: memref<!tpu.dma_semaphore, #tpu.memory_space<semaphore_mem>>, %arg13: memref<!tpu.dma_semaphore, #tpu.memory_space<semaphore_mem>>, %arg14: memref<!tpu.dma_semaphore, #tpu.memory_space<semaphore_mem>>, %arg15: memref<!tpu.dma_semaphore, #tpu.memory_space<semaphore_mem>>, %arg16: memref<!tpu.dma_semaphore, #tpu.memory_space<semaphore_mem>>, %arg17: memref<!tpu.dma_semaphore, #tpu.memory_space<semaphore_mem>>, %arg18: memref<!tpu.dma_semaphore, #tpu.memory_space<semaphore_mem>>, %arg19: memref<!tpu.dma_semaphore, #tpu.memory_space<semaphore_mem>>, %arg20: memref<!tpu.dma_semaphore, #tpu.memory_space<semaphore_mem>>) attributes {dimension_semantics = [#tpu.dimension_semantics<core_parallel>, #tpu.dimension_semantics<subcore_parallel>], iteration_bounds = array<i64: 2, 16>, scalar_prefetch = 0 : i64, scratch_operands = 16 : i64, tpu.core_type = #tpu.core_type<sc_vector_subcore>, window_params = [{transform_indices = #map}, {transform_indices = #map1}, {transform_indices = #map}]} {
    %mul3A = arith.constant 2 : i32
    %mul3A_0 = arith.muli %arg1, %mul3A : i32
    %add3A = arith.addi %mul3A_0, %arg0 : i32
    %dma_start3A = arith.constant 0 : i32
    %dma_start3A_1 = arith.constant 0 : i32
    %dma_start3A_2 = arith.constant 0 : i32
    %dma_start3A_3 = arith.constant 0 : i32
    %dma_start3A_4 = tpu.memref_slice %arg3[%dma_start3A, %dma_start3A_1, %dma_start3A_2, %dma_start3A_3] : memref<2x32x125x80xi32, #tpu.memory_space<hbm>> -> memref<1x32x125x80xi32, #tpu.memory_space<hbm>>
    %dma_start3A_5 = tpu.memref_squeeze %dma_start3A_4 : memref<1x32x125x80xi32, #tpu.memory_space<hbm>> -> memref<32x125x80xi32, #tpu.memory_space<hbm>>
    %dma_start3A_6 = arith.constant 0 : i32
    %dma_start3A_7 = arith.constant 0 : i32
    %dma_start3A_8 = tpu.memref_slice %dma_start3A_5[%add3A, %dma_start3A_6, %dma_start3A_7] : memref<32x125x80xi32, #tpu.memory_space<hbm>> -> memref<1x125x80xi32, #tpu.memory_space<hbm>>
    %dma_start3A_9 = tpu.memref_squeeze %dma_start3A_8 : memref<1x125x80xi32, #tpu.memory_space<hbm>> -> memref<125x80xi32, #tpu.memory_space<hbm>>
    %dma_start3A_10 = arith.constant 0 : i32
    %dma_start3A_11 = arith.constant 0 : i32
    %dma_start3A_12 = arith.constant 0 : i32
    %dma_start3A_13 = tpu.memref_slice %arg3[%dma_start3A, %dma_start3A_10, %dma_start3A_11, %dma_start3A_12] : memref<2x32x125x80xi32, #tpu.memory_space<hbm>> -> memref<1x32x125x80xi32, #tpu.memory_space<hbm>>
    %dma_start3A_14 = tpu.memref_squeeze %dma_start3A_13 : memref<1x32x125x80xi32, #tpu.memory_space<hbm>> -> memref<32x125x80xi32, #tpu.memory_space<hbm>>
    %dma_start3A_15 = arith.constant 0 : i32
    %dma_start3A_16 = arith.constant 0 : i32
    %dma_start3A_17 = tpu.memref_slice %dma_start3A_14[%add3A, %dma_start3A_15, %dma_start3A_16] : memref<32x125x80xi32, #tpu.memory_space<hbm>> -> memref<1x125x80xi32, #tpu.memory_space<hbm>>
    %dma_start3A_18 = tpu.memref_squeeze %dma_start3A_17 : memref<1x125x80xi32, #tpu.memory_space<hbm>> -> memref<125x80xi32, #tpu.memory_space<hbm>>
    tpu.enqueue_dma source(%dma_start3A_18 : memref<125x80xi32, #tpu.memory_space<hbm>>) target(%arg5 : memref<125x80xi32, #tpu.memory_space<vmem>>) target_semaphore(%arg20 : memref<!tpu.dma_semaphore, #tpu.memory_space<semaphore_mem>>)
    %dma_start3A_19 = arith.constant 1 : i32
    %dma_start3A_20 = arith.constant 0 : i32
    %dma_start3A_21 = arith.constant 0 : i32
    %dma_start3A_22 = arith.constant 0 : i32
    %dma_start3A_23 = tpu.memref_slice %arg3[%dma_start3A_19, %dma_start3A_20, %dma_start3A_21, %dma_start3A_22] : memref<2x32x125x80xi32, #tpu.memory_space<hbm>> -> memref<1x32x125x80xi32, #tpu.memory_space<hbm>>
    %dma_start3A_24 = tpu.memref_squeeze %dma_start3A_23 : memref<1x32x125x80xi32, #tpu.memory_space<hbm>> -> memref<32x125x80xi32, #tpu.memory_space<hbm>>
    %dma_start3A_25 = arith.constant 0 : i32
    %dma_start3A_26 = arith.constant 0 : i32
    %dma_start3A_27 = tpu.memref_slice %dma_start3A_24[%add3A, %dma_start3A_25, %dma_start3A_26] : memref<32x125x80xi32, #tpu.memory_space<hbm>> -> memref<1x125x80xi32, #tpu.memory_space<hbm>>
    %dma_start3A_28 = tpu.memref_squeeze %dma_start3A_27 : memref<1x125x80xi32, #tpu.memory_space<hbm>> -> memref<125x80xi32, #tpu.memory_space<hbm>>
    %dma_start3A_29 = arith.constant 0 : i32
    %dma_start3A_30 = arith.constant 0 : i32
    %dma_start3A_31 = arith.constant 0 : i32
    %dma_start3A_32 = tpu.memref_slice %arg3[%dma_start3A_19, %dma_start3A_29, %dma_start3A_30, %dma_start3A_31] : memref<2x32x125x80xi32, #tpu.memory_space<hbm>> -> memref<1x32x125x80xi32, #tpu.memory_space<hbm>>
    %dma_start3A_33 = tpu.memref_squeeze %dma_start3A_32 : memref<1x32x125x80xi32, #tpu.memory_space<hbm>> -> memref<32x125x80xi32, #tpu.memory_space<hbm>>
    %dma_start3A_34 = arith.constant 0 : i32
    %dma_start3A_35 = arith.constant 0 : i32
    %dma_start3A_36 = tpu.memref_slice %dma_start3A_33[%add3A, %dma_start3A_34, %dma_start3A_35] : memref<32x125x80xi32, #tpu.memory_space<hbm>> -> memref<1x125x80xi32, #tpu.memory_space<hbm>>
    %dma_start3A_37 = tpu.memref_squeeze %dma_start3A_36 : memref<1x125x80xi32, #tpu.memory_space<hbm>> -> memref<125x80xi32, #tpu.memory_space<hbm>>
    tpu.enqueue_dma source(%dma_start3A_37 : memref<125x80xi32, #tpu.memory_space<hbm>>) target(%arg6 : memref<125x80xi32, #tpu.memory_space<vmem>>) target_semaphore(%arg20 : memref<!tpu.dma_semaphore, #tpu.memory_space<semaphore_mem>>)
    %broadcast_in_dim3A = arith.constant 0.000000e+00 : f32
    %broadcast_in_dim3A_38 = vector.broadcast %broadcast_in_dim3A : f32 to vector<16xf32>
    %scan3A = arith.constant 0 : i32
    %scan3A_39 = arith.constant 80 : i32
    %scan3A_40 = arith.addi %scan3A, %scan3A_39 : i32
    %scan3A_41 = arith.constant 1 : i32
    scf.for %scan3A_361 = %scan3A to %scan3A_40 step %scan3A_41  : i32 {
      %mul3A_362 = arith.constant 1 : i32
      %mul3A_363 = arith.muli %scan3A_361, %mul3A_362 : i32
      %add3A_364 = arith.constant 0 : i32
      %add3A_365 = arith.addi %add3A_364, %mul3A_363 : i32
      %swap3A = arith.index_cast %add3A_365 : i32 to index
      %swap3A_366 = arith.constant 0 : index
      %swap3A_367 = tpu.vector_load %arg7[%swap3A, %swap3A_366] {strides = array<i32>} : memref<80x64xf32, #tpu.memory_space<vmem>>, vector<1x16xf32>,
      %swap3A_368 = vector.shape_cast %swap3A_367 : vector<1x16xf32> to vector<16xf32>
      %swap3A_369 = vector.shape_cast %broadcast_in_dim3A_38 : vector<16xf32> to vector<1x16xf32>
      tpu.vector_store %arg7[%swap3A, %swap3A_366], %swap3A_369 {strides = array<i32>} : memref<80x64xf32, #tpu.memory_space<vmem>>, vector<1x16xf32>,
      %swap3A_370 = arith.index_cast %add3A_365 : i32 to index
      %swap3A_371 = arith.constant 16 : index
      %swap3A_372 = tpu.vector_load %arg7[%swap3A_370, %swap3A_371] {strides = array<i32>} : memref<80x64xf32, #tpu.memory_space<vmem>>, vector<1x16xf32>,
      %swap3A_373 = vector.shape_cast %swap3A_372 : vector<1x16xf32> to vector<16xf32>
      %swap3A_374 = vector.shape_cast %broadcast_in_dim3A_38 : vector<16xf32> to vector<1x16xf32>
      tpu.vector_store %arg7[%swap3A_370, %swap3A_371], %swap3A_374 {strides = array<i32>} : memref<80x64xf32, #tpu.memory_space<vmem>>, vector<1x16xf32>,
      %swap3A_375 = arith.index_cast %add3A_365 : i32 to index
      %swap3A_376 = arith.constant 32 : index
      %swap3A_377 = tpu.vector_load %arg7[%swap3A_375, %swap3A_376] {strides = array<i32>} : memref<80x64xf32, #tpu.memory_space<vmem>>, vector<1x16xf32>,
      %swap3A_378 = vector.shape_cast %swap3A_377 : vector<1x16xf32> to vector<16xf32>
      %swap3A_379 = vector.shape_cast %broadcast_in_dim3A_38 : vector<16xf32> to vector<1x16xf32>
      tpu.vector_store %arg7[%swap3A_375, %swap3A_376], %swap3A_379 {strides = array<i32>} : memref<80x64xf32, #tpu.memory_space<vmem>>, vector<1x16xf32>,
      %swap3A_380 = arith.index_cast %add3A_365 : i32 to index
      %swap3A_381 = arith.constant 48 : index
      %swap3A_382 = tpu.vector_load %arg7[%swap3A_380, %swap3A_381] {strides = array<i32>} : memref<80x64xf32, #tpu.memory_space<vmem>>, vector<1x16xf32>,
      %swap3A_383 = vector.shape_cast %swap3A_382 : vector<1x16xf32> to vector<16xf32>
      %swap3A_384 = vector.shape_cast %broadcast_in_dim3A_38 : vector<16xf32> to vector<1x16xf32>
      tpu.vector_store %arg7[%swap3A_380, %swap3A_381], %swap3A_384 {strides = array<i32>} : memref<80x64xf32, #tpu.memory_space<vmem>>, vector<1x16xf32>,
      %swap3A_385 = arith.index_cast %add3A_365 : i32 to index
      %swap3A_386 = arith.constant 0 : index
      %swap3A_387 = tpu.vector_load %arg8[%swap3A_385, %swap3A_386] {strides = array<i32>} : memref<80x64xf32, #tpu.memory_space<vmem>>, vector<1x16xf32>,
      %swap3A_388 = vector.shape_cast %swap3A_387 : vector<1x16xf32> to vector<16xf32>
      %swap3A_389 = vector.shape_cast %broadcast_in_dim3A_38 : vector<16xf32> to vector<1x16xf32>
      tpu.vector_store %arg8[%swap3A_385, %swap3A_386], %swap3A_389 {strides = array<i32>} : memref<80x64xf32, #tpu.memory_space<vmem>>, vector<1x16xf32>,
      %swap3A_390 = arith.index_cast %add3A_365 : i32 to index
      %swap3A_391 = arith.constant 16 : index
      %swap3A_392 = tpu.vector_load %arg8[%swap3A_390, %swap3A_391] {strides = array<i32>} : memref<80x64xf32, #tpu.memory_space<vmem>>, vector<1x16xf32>,
      %swap3A_393 = vector.shape_cast %swap3A_392 : vector<1x16xf32> to vector<16xf32>
      %swap3A_394 = vector.shape_cast %broadcast_in_dim3A_38 : vector<16xf32> to vector<1x16xf32>
      tpu.vector_store %arg8[%swap3A_390, %swap3A_391], %swap3A_394 {strides = array<i32>} : memref<80x64xf32, #tpu.memory_space<vmem>>, vector<1x16xf32>,
      %swap3A_395 = arith.index_cast %add3A_365 : i32 to index
      %swap3A_396 = arith.constant 32 : index
      %swap3A_397 = tpu.vector_load %arg8[%swap3A_395, %swap3A_396] {strides = array<i32>} : memref<80x64xf32, #tpu.memory_space<vmem>>, vector<1x16xf32>,
      %swap3A_398 = vector.shape_cast %swap3A_397 : vector<1x16xf32> to vector<16xf32>
      %swap3A_399 = vector.shape_cast %broadcast_in_dim3A_38 : vector<16xf32> to vector<1x16xf32>
      tpu.vector_store %arg8[%swap3A_395, %swap3A_396], %swap3A_399 {strides = array<i32>} : memref<80x64xf32, #tpu.memory_space<vmem>>, vector<1x16xf32>,
      %swap3A_400 = arith.index_cast %add3A_365 : i32 to index
      %swap3A_401 = arith.constant 48 : index
      %swap3A_402 = tpu.vector_load %arg8[%swap3A_400, %swap3A_401] {strides = array<i32>} : memref<80x64xf32, #tpu.memory_space<vmem>>, vector<1x16xf32>,
      %swap3A_403 = vector.shape_cast %swap3A_402 : vector<1x16xf32> to vector<16xf32>
      %swap3A_404 = vector.shape_cast %broadcast_in_dim3A_38 : vector<16xf32> to vector<1x16xf32>
      tpu.vector_store %arg8[%swap3A_400, %swap3A_401], %swap3A_404 {strides = array<i32>} : memref<80x64xf32, #tpu.memory_space<vmem>>, vector<1x16xf32>,
      %swap3A_405 = arith.index_cast %add3A_365 : i32 to index
      %swap3A_406 = arith.constant 0 : index
      %swap3A_407 = tpu.vector_load %arg9[%swap3A_405, %swap3A_406] {strides = array<i32>} : memref<80x64xf32, #tpu.memory_space<vmem>>, vector<1x16xf32>,
      %swap3A_408 = vector.shape_cast %swap3A_407 : vector<1x16xf32> to vector<16xf32>
      %swap3A_409 = vector.shape_cast %broadcast_in_dim3A_38 : vector<16xf32> to vector<1x16xf32>
      tpu.vector_store %arg9[%swap3A_405, %swap3A_406], %swap3A_409 {strides = array<i32>} : memref<80x64xf32, #tpu.memory_space<vmem>>, vector<1x16xf32>,
      %swap3A_410 = arith.index_cast %add3A_365 : i32 to index
      %swap3A_411 = arith.constant 16 : index
      %swap3A_412 = tpu.vector_load %arg9[%swap3A_410, %swap3A_411] {strides = array<i32>} : memref<80x64xf32, #tpu.memory_space<vmem>>, vector<1x16xf32>,
      %swap3A_413 = vector.shape_cast %swap3A_412 : vector<1x16xf32> to vector<16xf32>
      %swap3A_414 = vector.shape_cast %broadcast_in_dim3A_38 : vector<16xf32> to vector<1x16xf32>
      tpu.vector_store %arg9[%swap3A_410, %swap3A_411], %swap3A_414 {strides = array<i32>} : memref<80x64xf32, #tpu.memory_space<vmem>>, vector<1x16xf32>,
      %swap3A_415 = arith.index_cast %add3A_365 : i32 to index
      %swap3A_416 = arith.constant 32 : index
      %swap3A_417 = tpu.vector_load %arg9[%swap3A_415, %swap3A_416] {strides = array<i32>} : memref<80x64xf32, #tpu.memory_space<vmem>>, vector<1x16xf32>,
      %swap3A_418 = vector.shape_cast %swap3A_417 : vector<1x16xf32> to vector<16xf32>
      %swap3A_419 = vector.shape_cast %broadcast_in_dim3A_38 : vector<16xf32> to vector<1x16xf32>
      tpu.vector_store %arg9[%swap3A_415, %swap3A_416], %swap3A_419 {strides = array<i32>} : memref<80x64xf32, #tpu.memory_space<vmem>>, vector<1x16xf32>,
      %swap3A_420 = arith.index_cast %add3A_365 : i32 to index
      %swap3A_421 = arith.constant 48 : index
      %swap3A_422 = tpu.vector_load %arg9[%swap3A_420, %swap3A_421] {strides = array<i32>} : memref<80x64xf32, #tpu.memory_space<vmem>>, vector<1x16xf32>,
      %swap3A_423 = vector.shape_cast %swap3A_422 : vector<1x16xf32> to vector<16xf32>
      %swap3A_424 = vector.shape_cast %broadcast_in_dim3A_38 : vector<16xf32> to vector<1x16xf32>
      tpu.vector_store %arg9[%swap3A_420, %swap3A_421], %swap3A_424 {strides = array<i32>} : memref<80x64xf32, #tpu.memory_space<vmem>>, vector<1x16xf32>,
      %swap3A_425 = arith.index_cast %add3A_365 : i32 to index
      %swap3A_426 = arith.constant 0 : index
      %swap3A_427 = tpu.vector_load %arg10[%swap3A_425, %swap3A_426] {strides = array<i32>} : memref<80x64xf32, #tpu.memory_space<vmem>>, vector<1x16xf32>,
      %swap3A_428 = vector.shape_cast %swap3A_427 : vector<1x16xf32> to vector<16xf32>
      %swap3A_429 = vector.shape_cast %broadcast_in_dim3A_38 : vector<16xf32> to vector<1x16xf32>
      tpu.vector_store %arg10[%swap3A_425, %swap3A_426], %swap3A_429 {strides = array<i32>} : memref<80x64xf32, #tpu.memory_space<vmem>>, vector<1x16xf32>,
      %swap3A_430 = arith.index_cast %add3A_365 : i32 to index
      %swap3A_431 = arith.constant 16 : index
      %swap3A_432 = tpu.vector_load %arg10[%swap3A_430, %swap3A_431] {strides = array<i32>} : memref<80x64xf32, #tpu.memory_space<vmem>>, vector<1x16xf32>,
      %swap3A_433 = vector.shape_cast %swap3A_432 : vector<1x16xf32> to vector<16xf32>
      %swap3A_434 = vector.shape_cast %broadcast_in_dim3A_38 : vector<16xf32> to vector<1x16xf32>
      tpu.vector_store %arg10[%swap3A_430, %swap3A_431], %swap3A_434 {strides = array<i32>} : memref<80x64xf32, #tpu.memory_space<vmem>>, vector<1x16xf32>,
      %swap3A_435 = arith.index_cast %add3A_365 : i32 to index
      %swap3A_436 = arith.constant 32 : index
      %swap3A_437 = tpu.vector_load %arg10[%swap3A_435, %swap3A_436] {strides = array<i32>} : memref<80x64xf32, #tpu.memory_space<vmem>>, vector<1x16xf32>,
      %swap3A_438 = vector.shape_cast %swap3A_437 : vector<1x16xf32> to vector<16xf32>
      %swap3A_439 = vector.shape_cast %broadcast_in_dim3A_38 : vector<16xf32> to vector<1x16xf32>
      tpu.vector_store %arg10[%swap3A_435, %swap3A_436], %swap3A_439 {strides = array<i32>} : memref<80x64xf32, #tpu.memory_space<vmem>>, vector<1x16xf32>,
      %swap3A_440 = arith.index_cast %add3A_365 : i32 to index
      %swap3A_441 = arith.constant 48 : index
      %swap3A_442 = tpu.vector_load %arg10[%swap3A_440, %swap3A_441] {strides = array<i32>} : memref<80x64xf32, #tpu.memory_space<vmem>>, vector<1x16xf32>,
      %swap3A_443 = vector.shape_cast %swap3A_442 : vector<1x16xf32> to vector<16xf32>
      %swap3A_444 = vector.shape_cast %broadcast_in_dim3A_38 : vector<16xf32> to vector<1x16xf32>
      tpu.vector_store %arg10[%swap3A_440, %swap3A_441], %swap3A_444 {strides = array<i32>} : memref<80x64xf32, #tpu.memory_space<vmem>>, vector<1x16xf32>,
    }
    %scan3A_42 = arith.constant 80 : i32
    %mul3A_43 = arith.constant 640 : i32
    %mul3A_44 = arith.muli %arg1, %mul3A_43 : i32
    %add3A_45 = arith.constant 0 : i32
    %add3A_46 = arith.addi %mul3A_44, %add3A_45 : i32
    %dma_start3A_47 = arith.constant 0 : i32
    %dma_start3A_48 = tpu.memref_slice %arg11[%add3A_46, %dma_start3A_47] : memref<10240x64xf32, #tpu.memory_space<vmem_shared>> -> memref<80x64xf32, #tpu.memory_space<vmem_shared>>
    %dma_start3A_49 = arith.constant 0 : i32
    %dma_start3A_50 = tpu.memref_slice %arg11[%add3A_46, %dma_start3A_49] : memref<10240x64xf32, #tpu.memory_space<vmem_shared>> -> memref<80x64xf32, #tpu.memory_space<vmem_shared>>
    tpu.enqueue_dma source(%arg7 : memref<80x64xf32, #tpu.memory_space<vmem>>) target(%dma_start3A_50 : memref<80x64xf32, #tpu.memory_space<vmem_shared>>) target_semaphore(%arg20 : memref<!tpu.dma_semaphore, #tpu.memory_space<semaphore_mem>>)
    %mul3A_51 = arith.constant 640 : i32
    %mul3A_52 = arith.muli %arg1, %mul3A_51 : i32
    %add3A_53 = arith.constant 80 : i32
    %add3A_54 = arith.addi %mul3A_52, %add3A_53 : i32
    %dma_start3A_55 = arith.constant 0 : i32
    %dma_start3A_56 = tpu.memref_slice %arg11[%add3A_54, %dma_start3A_55] : memref<10240x64xf32, #tpu.memory_space<vmem_shared>> -> memref<80x64xf32, #tpu.memory_space<vmem_shared>>
    %dma_start3A_57 = arith.constant 0 : i32
    %dma_start3A_58 = tpu.memref_slice %arg11[%add3A_54, %dma_start3A_57] : memref<10240x64xf32, #tpu.memory_space<vmem_shared>> -> memref<80x64xf32, #tpu.memory_space<vmem_shared>>
    tpu.enqueue_dma source(%arg8 : memref<80x64xf32, #tpu.memory_space<vmem>>) target(%dma_start3A_58 : memref<80x64xf32, #tpu.memory_space<vmem_shared>>) target_semaphore(%arg20 : memref<!tpu.dma_semaphore, #tpu.memory_space<semaphore_mem>>)
    %mul3A_59 = arith.constant 640 : i32
    %mul3A_60 = arith.muli %arg1, %mul3A_59 : i32
    %add3A_61 = arith.constant 160 : i32
    %add3A_62 = arith.addi %mul3A_60, %add3A_61 : i32
    %dma_start3A_63 = arith.constant 0 : i32
    %dma_start3A_64 = tpu.memref_slice %arg11[%add3A_62, %dma_start3A_63] : memref<10240x64xf32, #tpu.memory_space<vmem_shared>> -> memref<80x64xf32, #tpu.memory_space<vmem_shared>>
    %dma_start3A_65 = arith.constant 0 : i32
    %dma_start3A_66 = tpu.memref_slice %arg11[%add3A_62, %dma_start3A_65] : memref<10240x64xf32, #tpu.memory_space<vmem_shared>> -> memref<80x64xf32, #tpu.memory_space<vmem_shared>>
    tpu.enqueue_dma source(%arg9 : memref<80x64xf32, #tpu.memory_space<vmem>>) target(%dma_start3A_66 : memref<80x64xf32, #tpu.memory_space<vmem_shared>>) target_semaphore(%arg20 : memref<!tpu.dma_semaphore, #tpu.memory_space<semaphore_mem>>)
    %mul3A_67 = arith.constant 640 : i32
    %mul3A_68 = arith.muli %arg1, %mul3A_67 : i32
    %add3A_69 = arith.constant 240 : i32
    %add3A_70 = arith.addi %mul3A_68, %add3A_69 : i32
    %dma_start3A_71 = arith.constant 0 : i32
    %dma_start3A_72 = tpu.memref_slice %arg11[%add3A_70, %dma_start3A_71] : memref<10240x64xf32, #tpu.memory_space<vmem_shared>> -> memref<80x64xf32, #tpu.memory_space<vmem_shared>>
    %dma_start3A_73 = arith.constant 0 : i32
    %dma_start3A_74 = tpu.memref_slice %arg11[%add3A_70, %dma_start3A_73] : memref<10240x64xf32, #tpu.memory_space<vmem_shared>> -> memref<80x64xf32, #tpu.memory_space<vmem_shared>>
    tpu.enqueue_dma source(%arg10 : memref<80x64xf32, #tpu.memory_space<vmem>>) target(%dma_start3A_74 : memref<80x64xf32, #tpu.memory_space<vmem_shared>>) target_semaphore(%arg20 : memref<!tpu.dma_semaphore, #tpu.memory_space<semaphore_mem>>)
    %mul3A_75 = arith.constant 640 : i32
    %mul3A_76 = arith.muli %arg1, %mul3A_75 : i32
    %add3A_77 = arith.constant 320 : i32
    %add3A_78 = arith.addi %mul3A_76, %add3A_77 : i32
    %dma_start3A_79 = arith.constant 0 : i32
    %dma_start3A_80 = tpu.memref_slice %arg11[%add3A_78, %dma_start3A_79] : memref<10240x64xf32, #tpu.memory_space<vmem_shared>> -> memref<80x64xf32, #tpu.memory_space<vmem_shared>>
    %dma_start3A_81 = arith.constant 0 : i32
    %dma_start3A_82 = tpu.memref_slice %arg11[%add3A_78, %dma_start3A_81] : memref<10240x64xf32, #tpu.memory_space<vmem_shared>> -> memref<80x64xf32, #tpu.memory_space<vmem_shared>>
    tpu.enqueue_dma source(%arg7 : memref<80x64xf32, #tpu.memory_space<vmem>>) target(%dma_start3A_82 : memref<80x64xf32, #tpu.memory_space<vmem_shared>>) target_semaphore(%arg20 : memref<!tpu.dma_semaphore, #tpu.memory_space<semaphore_mem>>)
    %mul3A_83 = arith.constant 640 : i32
    %mul3A_84 = arith.muli %arg1, %mul3A_83 : i32
    %add3A_85 = arith.constant 400 : i32
    %add3A_86 = arith.addi %mul3A_84, %add3A_85 : i32
    %dma_start3A_87 = arith.constant 0 : i32
    %dma_start3A_88 = tpu.memref_slice %arg11[%add3A_86, %dma_start3A_87] : memref<10240x64xf32, #tpu.memory_space<vmem_shared>> -> memref<80x64xf32, #tpu.memory_space<vmem_shared>>
    %dma_start3A_89 = arith.constant 0 : i32
    %dma_start3A_90 = tpu.memref_slice %arg11[%add3A_86, %dma_start3A_89] : memref<10240x64xf32, #tpu.memory_space<vmem_shared>> -> memref<80x64xf32, #tpu.memory_space<vmem_shared>>
    tpu.enqueue_dma source(%arg8 : memref<80x64xf32, #tpu.memory_space<vmem>>) target(%dma_start3A_90 : memref<80x64xf32, #tpu.memory_space<vmem_shared>>) target_semaphore(%arg20 : memref<!tpu.dma_semaphore, #tpu.memory_space<semaphore_mem>>)
    %mul3A_91 = arith.constant 640 : i32
    %mul3A_92 = arith.muli %arg1, %mul3A_91 : i32
    %add3A_93 = arith.constant 480 : i32
    %add3A_94 = arith.addi %mul3A_92, %add3A_93 : i32
    %dma_start3A_95 = arith.constant 0 : i32
    %dma_start3A_96 = tpu.memref_slice %arg11[%add3A_94, %dma_start3A_95] : memref<10240x64xf32, #tpu.memory_space<vmem_shared>> -> memref<80x64xf32, #tpu.memory_space<vmem_shared>>
    %dma_start3A_97 = arith.constant 0 : i32
    %dma_start3A_98 = tpu.memref_slice %arg11[%add3A_94, %dma_start3A_97] : memref<10240x64xf32, #tpu.memory_space<vmem_shared>> -> memref<80x64xf32, #tpu.memory_space<vmem_shared>>
    tpu.enqueue_dma source(%arg9 : memref<80x64xf32, #tpu.memory_space<vmem>>) target(%dma_start3A_98 : memref<80x64xf32, #tpu.memory_space<vmem_shared>>) target_semaphore(%arg20 : memref<!tpu.dma_semaphore, #tpu.memory_space<semaphore_mem>>)
    %mul3A_99 = arith.constant 640 : i32
    %mul3A_100 = arith.muli %arg1, %mul3A_99 : i32
    %add3A_101 = arith.constant 560 : i32
    %add3A_102 = arith.addi %mul3A_100, %add3A_101 : i32
    %dma_start3A_103 = arith.constant 0 : i32
    %dma_start3A_104 = tpu.memref_slice %arg11[%add3A_102, %dma_start3A_103] : memref<10240x64xf32, #tpu.memory_space<vmem_shared>> -> memref<80x64xf32, #tpu.memory_space<vmem_shared>>
    %dma_start3A_105 = arith.constant 0 : i32
    %dma_start3A_106 = tpu.memref_slice %arg11[%add3A_102, %dma_start3A_105] : memref<10240x64xf32, #tpu.memory_space<vmem_shared>> -> memref<80x64xf32, #tpu.memory_space<vmem_shared>>
    tpu.enqueue_dma source(%arg10 : memref<80x64xf32, #tpu.memory_space<vmem>>) target(%dma_start3A_106 : memref<80x64xf32, #tpu.memory_space<vmem_shared>>) target_semaphore(%arg20 : memref<!tpu.dma_semaphore, #tpu.memory_space<semaphore_mem>>)
    %mul3A_107 = arith.constant 640 : i32
    %mul3A_108 = arith.muli %arg1, %mul3A_107 : i32
    %add3A_109 = arith.constant 0 : i32
    %add3A_110 = arith.addi %mul3A_108, %add3A_109 : i32
    %dma_wait3A = arith.constant 0 : i32
    %dma_wait3A_111 = tpu.memref_slice %arg11[%add3A_110, %dma_wait3A] : memref<10240x64xf32, #tpu.memory_space<vmem_shared>> -> memref<80x64xf32, #tpu.memory_space<vmem_shared>>
    %dma_wait3A_112 = arith.constant 0 : i32
    %dma_wait3A_113 = tpu.memref_slice %arg11[%add3A_110, %dma_wait3A_112] : memref<10240x64xf32, #tpu.memory_space<vmem_shared>> -> memref<80x64xf32, #tpu.memory_space<vmem_shared>>
    tpu.wait_dma2 semaphore(%arg20 : memref<!tpu.dma_semaphore, #tpu.memory_space<semaphore_mem>>) src(%arg7 : memref<80x64xf32, #tpu.memory_space<vmem>>) dst(%dma_wait3A_113 : memref<80x64xf32, #tpu.memory_space<vmem_shared>>)
    %mul3A_114 = arith.constant 640 : i32
    %mul3A_115 = arith.muli %arg1, %mul3A_114 : i32
    %add3A_116 = arith.constant 80 : i32
    %add3A_117 = arith.addi %mul3A_115, %add3A_116 : i32
    %dma_wait3A_118 = arith.constant 0 : i32
    %dma_wait3A_119 = tpu.memref_slice %arg11[%add3A_117, %dma_wait3A_118] : memref<10240x64xf32, #tpu.memory_space<vmem_shared>> -> memref<80x64xf32, #tpu.memory_space<vmem_shared>>
    %dma_wait3A_120 = arith.constant 0 : i32
    %dma_wait3A_121 = tpu.memref_slice %arg11[%add3A_117, %dma_wait3A_120] : memref<10240x64xf32, #tpu.memory_space<vmem_shared>> -> memref<80x64xf32, #tpu.memory_space<vmem_shared>>
    tpu.wait_dma2 semaphore(%arg20 : memref<!tpu.dma_semaphore, #tpu.memory_space<semaphore_mem>>) src(%arg8 : memref<80x64xf32, #tpu.memory_space<vmem>>) dst(%dma_wait3A_121 : memref<80x64xf32, #tpu.memory_space<vmem_shared>>)
    %mul3A_122 = arith.constant 640 : i32
    %mul3A_123 = arith.muli %arg1, %mul3A_122 : i32
    %add3A_124 = arith.constant 160 : i32
    %add3A_125 = arith.addi %mul3A_123, %add3A_124 : i32
    %dma_wait3A_126 = arith.constant 0 : i32
    %dma_wait3A_127 = tpu.memref_slice %arg11[%add3A_125, %dma_wait3A_126] : memref<10240x64xf32, #tpu.memory_space<vmem_shared>> -> memref<80x64xf32, #tpu.memory_space<vmem_shared>>
    %dma_wait3A_128 = arith.constant 0 : i32
    %dma_wait3A_129 = tpu.memref_slice %arg11[%add3A_125, %dma_wait3A_128] : memref<10240x64xf32, #tpu.memory_space<vmem_shared>> -> memref<80x64xf32, #tpu.memory_space<vmem_shared>>
    tpu.wait_dma2 semaphore(%arg20 : memref<!tpu.dma_semaphore, #tpu.memory_space<semaphore_mem>>) src(%arg9 : memref<80x64xf32, #tpu.memory_space<vmem>>) dst(%dma_wait3A_129 : memref<80x64xf32, #tpu.memory_space<vmem_shared>>)
    %mul3A_130 = arith.constant 640 : i32
    %mul3A_131 = arith.muli %arg1, %mul3A_130 : i32
    %add3A_132 = arith.constant 240 : i32
    %add3A_133 = arith.addi %mul3A_131, %add3A_132 : i32
    %dma_wait3A_134 = arith.constant 0 : i32
    %dma_wait3A_135 = tpu.memref_slice %arg11[%add3A_133, %dma_wait3A_134] : memref<10240x64xf32, #tpu.memory_space<vmem_shared>> -> memref<80x64xf32, #tpu.memory_space<vmem_shared>>
    %dma_wait3A_136 = arith.constant 0 : i32
    %dma_wait3A_137 = tpu.memref_slice %arg11[%add3A_133, %dma_wait3A_136] : memref<10240x64xf32, #tpu.memory_space<vmem_shared>> -> memref<80x64xf32, #tpu.memory_space<vmem_shared>>
    tpu.wait_dma2 semaphore(%arg20 : memref<!tpu.dma_semaphore, #tpu.memory_space<semaphore_mem>>) src(%arg10 : memref<80x64xf32, #tpu.memory_space<vmem>>) dst(%dma_wait3A_137 : memref<80x64xf32, #tpu.memory_space<vmem_shared>>)
    %mul3A_138 = arith.constant 640 : i32
    %mul3A_139 = arith.muli %arg1, %mul3A_138 : i32
    %add3A_140 = arith.constant 320 : i32
    %add3A_141 = arith.addi %mul3A_139, %add3A_140 : i32
    %dma_wait3A_142 = arith.constant 0 : i32
    %dma_wait3A_143 = tpu.memref_slice %arg11[%add3A_141, %dma_wait3A_142] : memref<10240x64xf32, #tpu.memory_space<vmem_shared>> -> memref<80x64xf32, #tpu.memory_space<vmem_shared>>
    %dma_wait3A_144 = arith.constant 0 : i32
    %dma_wait3A_145 = tpu.memref_slice %arg11[%add3A_141, %dma_wait3A_144] : memref<10240x64xf32, #tpu.memory_space<vmem_shared>> -> memref<80x64xf32, #tpu.memory_space<vmem_shared>>
    tpu.wait_dma2 semaphore(%arg20 : memref<!tpu.dma_semaphore, #tpu.memory_space<semaphore_mem>>) src(%arg7 : memref<80x64xf32, #tpu.memory_space<vmem>>) dst(%dma_wait3A_145 : memref<80x64xf32, #tpu.memory_space<vmem_shared>>)
    %mul3A_146 = arith.constant 640 : i32
    %mul3A_147 = arith.muli %arg1, %mul3A_146 : i32
    %add3A_148 = arith.constant 400 : i32
    %add3A_149 = arith.addi %mul3A_147, %add3A_148 : i32
    %dma_wait3A_150 = arith.constant 0 : i32
    %dma_wait3A_151 = tpu.memref_slice %arg11[%add3A_149, %dma_wait3A_150] : memref<10240x64xf32, #tpu.memory_space<vmem_shared>> -> memref<80x64xf32, #tpu.memory_space<vmem_shared>>
    %dma_wait3A_152 = arith.constant 0 : i32
    %dma_wait3A_153 = tpu.memref_slice %arg11[%add3A_149, %dma_wait3A_152] : memref<10240x64xf32, #tpu.memory_space<vmem_shared>> -> memref<80x64xf32, #tpu.memory_space<vmem_shared>>
    tpu.wait_dma2 semaphore(%arg20 : memref<!tpu.dma_semaphore, #tpu.memory_space<semaphore_mem>>) src(%arg8 : memref<80x64xf32, #tpu.memory_space<vmem>>) dst(%dma_wait3A_153 : memref<80x64xf32, #tpu.memory_space<vmem_shared>>)
    %mul3A_154 = arith.constant 640 : i32
    %mul3A_155 = arith.muli %arg1, %mul3A_154 : i32
    %add3A_156 = arith.constant 480 : i32
    %add3A_157 = arith.addi %mul3A_155, %add3A_156 : i32
    %dma_wait3A_158 = arith.constant 0 : i32
    %dma_wait3A_159 = tpu.memref_slice %arg11[%add3A_157, %dma_wait3A_158] : memref<10240x64xf32, #tpu.memory_space<vmem_shared>> -> memref<80x64xf32, #tpu.memory_space<vmem_shared>>
    %dma_wait3A_160 = arith.constant 0 : i32
    %dma_wait3A_161 = tpu.memref_slice %arg11[%add3A_157, %dma_wait3A_160] : memref<10240x64xf32, #tpu.memory_space<vmem_shared>> -> memref<80x64xf32, #tpu.memory_space<vmem_shared>>
    tpu.wait_dma2 semaphore(%arg20 : memref<!tpu.dma_semaphore, #tpu.memory_space<semaphore_mem>>) src(%arg9 : memref<80x64xf32, #tpu.memory_space<vmem>>) dst(%dma_wait3A_161 : memref<80x64xf32, #tpu.memory_space<vmem_shared>>)
    %mul3A_162 = arith.constant 640 : i32
    %mul3A_163 = arith.muli %arg1, %mul3A_162 : i32
    %add3A_164 = arith.constant 560 : i32
    %add3A_165 = arith.addi %mul3A_163, %add3A_164 : i32
    %dma_wait3A_166 = arith.constant 0 : i32
    %dma_wait3A_167 = tpu.memref_slice %arg11[%add3A_165, %dma_wait3A_166] : memref<10240x64xf32, #tpu.memory_space<vmem_shared>> -> memref<80x64xf32, #tpu.memory_space<vmem_shared>>
    %dma_wait3A_168 = arith.constant 0 : i32
    %dma_wait3A_169 = tpu.memref_slice %arg11[%add3A_165, %dma_wait3A_168] : memref<10240x64xf32, #tpu.memory_space<vmem_shared>> -> memref<80x64xf32, #tpu.memory_space<vmem_shared>>
    tpu.wait_dma2 semaphore(%arg20 : memref<!tpu.dma_semaphore, #tpu.memory_space<semaphore_mem>>) src(%arg10 : memref<80x64xf32, #tpu.memory_space<vmem>>) dst(%dma_wait3A_169 : memref<80x64xf32, #tpu.memory_space<vmem_shared>>)
    %dma_wait3A_170 = arith.constant 0 : i32
    %dma_wait3A_171 = arith.constant 0 : i32
    %dma_wait3A_172 = arith.constant 0 : i32
    %dma_wait3A_173 = arith.constant 0 : i32
    %dma_wait3A_174 = tpu.memref_slice %arg3[%dma_wait3A_170, %dma_wait3A_171, %dma_wait3A_172, %dma_wait3A_173] : memref<2x32x125x80xi32, #tpu.memory_space<hbm>> -> memref<1x32x125x80xi32, #tpu.memory_space<hbm>>
    %dma_wait3A_175 = tpu.memref_squeeze %dma_wait3A_174 : memref<1x32x125x80xi32, #tpu.memory_space<hbm>> -> memref<32x125x80xi32, #tpu.memory_space<hbm>>
    %dma_wait3A_176 = arith.constant 0 : i32
    %dma_wait3A_177 = arith.constant 0 : i32
    %dma_wait3A_178 = tpu.memref_slice %dma_wait3A_175[%add3A, %dma_wait3A_176, %dma_wait3A_177] : memref<32x125x80xi32, #tpu.memory_space<hbm>> -> memref<1x125x80xi32, #tpu.memory_space<hbm>>
    %dma_wait3A_179 = tpu.memref_squeeze %dma_wait3A_178 : memref<1x125x80xi32, #tpu.memory_space<hbm>> -> memref<125x80xi32, #tpu.memory_space<hbm>>
    %dma_wait3A_180 = arith.constant 0 : i32
    %dma_wait3A_181 = arith.constant 0 : i32
    %dma_wait3A_182 = arith.constant 0 : i32
    %dma_wait3A_183 = tpu.memref_slice %arg3[%dma_wait3A_170, %dma_wait3A_180, %dma_wait3A_181, %dma_wait3A_182] : memref<2x32x125x80xi32, #tpu.memory_space<hbm>> -> memref<1x32x125x80xi32, #tpu.memory_space<hbm>>
    %dma_wait3A_184 = tpu.memref_squeeze %dma_wait3A_183 : memref<1x32x125x80xi32, #tpu.memory_space<hbm>> -> memref<32x125x80xi32, #tpu.memory_space<hbm>>
    %dma_wait3A_185 = arith.constant 0 : i32
    %dma_wait3A_186 = arith.constant 0 : i32
    %dma_wait3A_187 = tpu.memref_slice %dma_wait3A_184[%add3A, %dma_wait3A_185, %dma_wait3A_186] : memref<32x125x80xi32, #tpu.memory_space<hbm>> -> memref<1x125x80xi32, #tpu.memory_space<hbm>>
    %dma_wait3A_188 = tpu.memref_squeeze %dma_wait3A_187 : memref<1x125x80xi32, #tpu.memory_space<hbm>> -> memref<125x80xi32, #tpu.memory_space<hbm>>
    tpu.wait_dma2 semaphore(%arg20 : memref<!tpu.dma_semaphore, #tpu.memory_space<semaphore_mem>>) src(%dma_wait3A_188 : memref<125x80xi32, #tpu.memory_space<hbm>>) dst(%arg5 : memref<125x80xi32, #tpu.memory_space<vmem>>)
    %dma_wait3A_189 = arith.constant 1 : i32
    %dma_wait3A_190 = arith.constant 0 : i32
    %dma_wait3A_191 = arith.constant 0 : i32
    %dma_wait3A_192 = arith.constant 0 : i32
    %dma_wait3A_193 = tpu.memref_slice %arg3[%dma_wait3A_189, %dma_wait3A_190, %dma_wait3A_191, %dma_wait3A_192] : memref<2x32x125x80xi32, #tpu.memory_space<hbm>> -> memref<1x32x125x80xi32, #tpu.memory_space<hbm>>
    %dma_wait3A_194 = tpu.memref_squeeze %dma_wait3A_193 : memref<1x32x125x80xi32, #tpu.memory_space<hbm>> -> memref<32x125x80xi32, #tpu.memory_space<hbm>>
    %dma_wait3A_195 = arith.constant 0 : i32
    %dma_wait3A_196 = arith.constant 0 : i32
    %dma_wait3A_197 = tpu.memref_slice %dma_wait3A_194[%add3A, %dma_wait3A_195, %dma_wait3A_196] : memref<32x125x80xi32, #tpu.memory_space<hbm>> -> memref<1x125x80xi32, #tpu.memory_space<hbm>>
    %dma_wait3A_198 = tpu.memref_squeeze %dma_wait3A_197 : memref<1x125x80xi32, #tpu.memory_space<hbm>> -> memref<125x80xi32, #tpu.memory_space<hbm>>
    %dma_wait3A_199 = arith.constant 0 : i32
    %dma_wait3A_200 = arith.constant 0 : i32
    %dma_wait3A_201 = arith.constant 0 : i32
    %dma_wait3A_202 = tpu.memref_slice %arg3[%dma_wait3A_189, %dma_wait3A_199, %dma_wait3A_200, %dma_wait3A_201] : memref<2x32x125x80xi32, #tpu.memory_space<hbm>> -> memref<1x32x125x80xi32, #tpu.memory_space<hbm>>
    %dma_wait3A_203 = tpu.memref_squeeze %dma_wait3A_202 : memref<1x32x125x80xi32, #tpu.memory_space<hbm>> -> memref<32x125x80xi32, #tpu.memory_space<hbm>>
    %dma_wait3A_204 = arith.constant 0 : i32
    %dma_wait3A_205 = arith.constant 0 : i32
    %dma_wait3A_206 = tpu.memref_slice %dma_wait3A_203[%add3A, %dma_wait3A_204, %dma_wait3A_205] : memref<32x125x80xi32, #tpu.memory_space<hbm>> -> memref<1x125x80xi32, #tpu.memory_space<hbm>>
    %dma_wait3A_207 = tpu.memref_squeeze %dma_wait3A_206 : memref<1x125x80xi32, #tpu.memory_space<hbm>> -> memref<125x80xi32, #tpu.memory_space<hbm>>
    tpu.wait_dma2 semaphore(%arg20 : memref<!tpu.dma_semaphore, #tpu.memory_space<semaphore_mem>>) src(%dma_wait3A_207 : memref<125x80xi32, #tpu.memory_space<hbm>>) dst(%arg6 : memref<125x80xi32, #tpu.memory_space<vmem>>)
    %barrier3A = arith.constant 0 : index
    tpu.barrier barrier_id(%barrier3A)
    %dma_start3A_208 = arith.constant 0 : i32
    %dma_start3A_209 = arith.constant 0 : i32
    %dma_start3A_210 = tpu.memref_slice %arg5[%dma_start3A_208, %dma_start3A_209] : memref<125x80xi32, #tpu.memory_space<vmem>> -> memref<1x80xi32, #tpu.memory_space<vmem>>
    %dma_start3A_211 = tpu.memref_squeeze %dma_start3A_210 : memref<1x80xi32, #tpu.memory_space<vmem>> -> memref<80xi32, #tpu.memory_space<vmem>>
    %dma_start3A_212 = arith.constant 0 : i32
    %dma_start3A_213 = arith.constant 0 : i32
    %dma_start3A_214 = tpu.memref_slice %arg2[%dma_start3A_212, %dma_start3A_213] : memref<10000x64xf32, #tpu.memory_space<hbm>> -> memref<10000x64xf32, #tpu.memory_space<hbm>>
    tpu.enqueue_indirect_dma source(%dma_start3A_214 : memref<10000x64xf32, #tpu.memory_space<hbm>>) target(%arg7 : memref<80x64xf32, #tpu.memory_space<vmem>>) offsets(%dma_start3A_211 : memref<80xi32, #tpu.memory_space<vmem>>) semaphore(%arg12 : memref<!tpu.dma_semaphore, #tpu.memory_space<semaphore_mem>>)
    %dma_start3A_215 = arith.constant 1 : i32
    %dma_start3A_216 = arith.constant 0 : i32
    %dma_start3A_217 = tpu.memref_slice %arg5[%dma_start3A_215, %dma_start3A_216] : memref<125x80xi32, #tpu.memory_space<vmem>> -> memref<1x80xi32, #tpu.memory_space<vmem>>
    %dma_start3A_218 = tpu.memref_squeeze %dma_start3A_217 : memref<1x80xi32, #tpu.memory_space<vmem>> -> memref<80xi32, #tpu.memory_space<vmem>>
    %dma_start3A_219 = arith.constant 0 : i32
    %dma_start3A_220 = arith.constant 0 : i32
    %dma_start3A_221 = tpu.memref_slice %arg2[%dma_start3A_219, %dma_start3A_220] : memref<10000x64xf32, #tpu.memory_space<hbm>> -> memref<10000x64xf32, #tpu.memory_space<hbm>>
    tpu.enqueue_indirect_dma source(%dma_start3A_221 : memref<10000x64xf32, #tpu.memory_space<hbm>>) target(%arg8 : memref<80x64xf32, #tpu.memory_space<vmem>>) offsets(%dma_start3A_218 : memref<80xi32, #tpu.memory_space<vmem>>) semaphore(%arg13 : memref<!tpu.dma_semaphore, #tpu.memory_space<semaphore_mem>>)
    %dma_start3A_222 = arith.constant 2 : i32
    %dma_start3A_223 = arith.constant 0 : i32
    %dma_start3A_224 = tpu.memref_slice %arg5[%dma_start3A_222, %dma_start3A_223] : memref<125x80xi32, #tpu.memory_space<vmem>> -> memref<1x80xi32, #tpu.memory_space<vmem>>
    %dma_start3A_225 = tpu.memref_squeeze %dma_start3A_224 : memref<1x80xi32, #tpu.memory_space<vmem>> -> memref<80xi32, #tpu.memory_space<vmem>>
    %dma_start3A_226 = arith.constant 0 : i32
    %dma_start3A_227 = arith.constant 0 : i32
    %dma_start3A_228 = tpu.memref_slice %arg2[%dma_start3A_226, %dma_start3A_227] : memref<10000x64xf32, #tpu.memory_space<hbm>> -> memref<10000x64xf32, #tpu.memory_space<hbm>>
    tpu.enqueue_indirect_dma source(%dma_start3A_228 : memref<10000x64xf32, #tpu.memory_space<hbm>>) target(%arg9 : memref<80x64xf32, #tpu.memory_space<vmem>>) offsets(%dma_start3A_225 : memref<80xi32, #tpu.memory_space<vmem>>) semaphore(%arg14 : memref<!tpu.dma_semaphore, #tpu.memory_space<semaphore_mem>>)
    %dma_wait3A_229 = arith.constant 0 : i32
    %dma_wait3A_230 = arith.constant 0 : i32
    %dma_wait3A_231 = tpu.memref_slice %arg5[%dma_wait3A_229, %dma_wait3A_230] : memref<125x80xi32, #tpu.memory_space<vmem>> -> memref<1x80xi32, #tpu.memory_space<vmem>>
    %dma_wait3A_232 = tpu.memref_squeeze %dma_wait3A_231 : memref<1x80xi32, #tpu.memory_space<vmem>> -> memref<80xi32, #tpu.memory_space<vmem>>
    %dma_wait3A_233 = arith.constant 0 : i32
    %dma_wait3A_234 = arith.constant 0 : i32
    %dma_wait3A_235 = tpu.memref_slice %arg2[%dma_wait3A_233, %dma_wait3A_234] : memref<10000x64xf32, #tpu.memory_space<hbm>> -> memref<10000x64xf32, #tpu.memory_space<hbm>>
    tpu.wait_indirect_dma semaphore(%arg12 : memref<!tpu.dma_semaphore, #tpu.memory_space<semaphore_mem>>) src(%dma_wait3A_235 : memref<10000x64xf32, #tpu.memory_space<hbm>>) dst(%arg7 : memref<80x64xf32, #tpu.memory_space<vmem>>)
    %dma_start3A_236 = arith.constant 0 : i32
    %dma_start3A_237 = arith.constant 0 : i32
    %dma_start3A_238 = tpu.memref_slice %arg6[%dma_start3A_236, %dma_start3A_237] : memref<125x80xi32, #tpu.memory_space<vmem>> -> memref<1x80xi32, #tpu.memory_space<vmem>>
    %dma_start3A_239 = tpu.memref_squeeze %dma_start3A_238 : memref<1x80xi32, #tpu.memory_space<vmem>> -> memref<80xi32, #tpu.memory_space<vmem>>
    %dma_start3A_240 = arith.constant 0 : i32
    %dma_start3A_241 = arith.constant 0 : i32
    %dma_start3A_242 = tpu.memref_slice %arg11[%dma_start3A_240, %dma_start3A_241] : memref<10240x64xf32, #tpu.memory_space<vmem_shared>> -> memref<10240x64xf32, #tpu.memory_space<vmem_shared>>
    tpu.enqueue_indirect_dma source(%arg7 : memref<80x64xf32, #tpu.memory_space<vmem>>) target(%dma_start3A_242 : memref<10240x64xf32, #tpu.memory_space<vmem_shared>>) offsets(%dma_start3A_239 : memref<80xi32, #tpu.memory_space<vmem>>) semaphore(%arg16 : memref<!tpu.dma_semaphore, #tpu.memory_space<semaphore_mem>>) {add = true}
    %dma_start3A_243 = arith.constant 3 : i32
    %dma_start3A_244 = arith.constant 0 : i32
    %dma_start3A_245 = tpu.memref_slice %arg5[%dma_start3A_243, %dma_start3A_244] : memref<125x80xi32, #tpu.memory_space<vmem>> -> memref<1x80xi32, #tpu.memory_space<vmem>>
    %dma_start3A_246 = tpu.memref_squeeze %dma_start3A_245 : memref<1x80xi32, #tpu.memory_space<vmem>> -> memref<80xi32, #tpu.memory_space<vmem>>
    %dma_start3A_247 = arith.constant 0 : i32
    %dma_start3A_248 = arith.constant 0 : i32
    %dma_start3A_249 = tpu.memref_slice %arg2[%dma_start3A_247, %dma_start3A_248] : memref<10000x64xf32, #tpu.memory_space<hbm>> -> memref<10000x64xf32, #tpu.memory_space<hbm>>
    tpu.enqueue_indirect_dma source(%dma_start3A_249 : memref<10000x64xf32, #tpu.memory_space<hbm>>) target(%arg10 : memref<80x64xf32, #tpu.memory_space<vmem>>) offsets(%dma_start3A_246 : memref<80xi32, #tpu.memory_space<vmem>>) semaphore(%arg15 : memref<!tpu.dma_semaphore, #tpu.memory_space<semaphore_mem>>)
    %scan3A_250 = arith.constant 0 : i32
    %scan3A_251 = arith.constant 30 : i32
    %scan3A_252 = arith.addi %scan3A_250, %scan3A_251 : i32
    %scan3A_253 = arith.constant 1 : i32
    scf.for %scan3A_361 = %scan3A_250 to %scan3A_252 step %scan3A_253  : i32 {
      %mul3A_362 = arith.constant 4 : i32
      %mul3A_363 = arith.muli %scan3A_361, %mul3A_362 : i32
      %add3A_364 = arith.constant 1 : i32
      %add3A_365 = arith.addi %add3A_364, %mul3A_363 : i32
      %add3A_366 = arith.constant 0 : i32
      %add3A_367 = arith.addi %add3A_365, %add3A_366 : i32
      %dma_wait3A_368 = arith.constant 0 : i32
      %dma_wait3A_369 = tpu.memref_slice %arg5[%add3A_367, %dma_wait3A_368] : memref<125x80xi32, #tpu.memory_space<vmem>> -> memref<1x80xi32, #tpu.memory_space<vmem>>
      %dma_wait3A_370 = tpu.memref_squeeze %dma_wait3A_369 : memref<1x80xi32, #tpu.memory_space<vmem>> -> memref<80xi32, #tpu.memory_space<vmem>>
      %dma_wait3A_371 = arith.constant 0 : i32
      %dma_wait3A_372 = arith.constant 0 : i32
      %dma_wait3A_373 = tpu.memref_slice %arg2[%dma_wait3A_371, %dma_wait3A_372] : memref<10000x64xf32, #tpu.memory_space<hbm>> -> memref<10000x64xf32, #tpu.memory_space<hbm>>
      tpu.wait_indirect_dma semaphore(%arg13 : memref<!tpu.dma_semaphore, #tpu.memory_space<semaphore_mem>>) src(%dma_wait3A_373 : memref<10000x64xf32, #tpu.memory_space<hbm>>) dst(%arg8 : memref<80x64xf32, #tpu.memory_space<vmem>>)
      %dma_start3A_374 = arith.constant 0 : i32
      %dma_start3A_375 = tpu.memref_slice %arg6[%add3A_367, %dma_start3A_374] : memref<125x80xi32, #tpu.memory_space<vmem>> -> memref<1x80xi32, #tpu.memory_space<vmem>>
      %dma_start3A_376 = tpu.memref_squeeze %dma_start3A_375 : memref<1x80xi32, #tpu.memory_space<vmem>> -> memref<80xi32, #tpu.memory_space<vmem>>
      %dma_start3A_377 = arith.constant 0 : i32
      %dma_start3A_378 = arith.constant 0 : i32
      %dma_start3A_379 = tpu.memref_slice %arg11[%dma_start3A_377, %dma_start3A_378] : memref<10240x64xf32, #tpu.memory_space<vmem_shared>> -> memref<10240x64xf32, #tpu.memory_space<vmem_shared>>
      tpu.enqueue_indirect_dma source(%arg8 : memref<80x64xf32, #tpu.memory_space<vmem>>) target(%dma_start3A_379 : memref<10240x64xf32, #tpu.memory_space<vmem_shared>>) offsets(%dma_start3A_376 : memref<80xi32, #tpu.memory_space<vmem>>) semaphore(%arg17 : memref<!tpu.dma_semaphore, #tpu.memory_space<semaphore_mem>>) {add = true}
      %sub3A = arith.constant 1 : i32
      %sub3A_380 = arith.subi %add3A_367, %sub3A : i32
      %dma_wait3A_381 = arith.constant 0 : i32
      %dma_wait3A_382 = tpu.memref_slice %arg6[%sub3A_380, %dma_wait3A_381] : memref<125x80xi32, #tpu.memory_space<vmem>> -> memref<1x80xi32, #tpu.memory_space<vmem>>
      %dma_wait3A_383 = tpu.memref_squeeze %dma_wait3A_382 : memref<1x80xi32, #tpu.memory_space<vmem>> -> memref<80xi32, #tpu.memory_space<vmem>>
      %dma_wait3A_384 = arith.constant 0 : i32
      %dma_wait3A_385 = arith.constant 0 : i32
      %dma_wait3A_386 = tpu.memref_slice %arg11[%dma_wait3A_384, %dma_wait3A_385] : memref<10240x64xf32, #tpu.memory_space<vmem_shared>> -> memref<10240x64xf32, #tpu.memory_space<vmem_shared>>
      tpu.wait_indirect_dma semaphore(%arg16 : memref<!tpu.dma_semaphore, #tpu.memory_space<semaphore_mem>>) src(%arg7 : memref<80x64xf32, #tpu.memory_space<vmem>>) dst(%dma_wait3A_386 : memref<10240x64xf32, #tpu.memory_space<vmem_shared>>)
      %add3A_387 = arith.constant 3 : i32
      %add3A_388 = arith.addi %add3A_367, %add3A_387 : i32
      %dma_start3A_389 = arith.constant 0 : i32
      %dma_start3A_390 = tpu.memref_slice %arg5[%add3A_388, %dma_start3A_389] : memref<125x80xi32, #tpu.memory_space<vmem>> -> memref<1x80xi32, #tpu.memory_space<vmem>>
      %dma_start3A_391 = tpu.memref_squeeze %dma_start3A_390 : memref<1x80xi32, #tpu.memory_space<vmem>> -> memref<80xi32, #tpu.memory_space<vmem>>
      %dma_start3A_392 = arith.constant 0 : i32
      %dma_start3A_393 = arith.constant 0 : i32
      %dma_start3A_394 = tpu.memref_slice %arg2[%dma_start3A_392, %dma_start3A_393] : memref<10000x64xf32, #tpu.memory_space<hbm>> -> memref<10000x64xf32, #tpu.memory_space<hbm>>
      tpu.enqueue_indirect_dma source(%dma_start3A_394 : memref<10000x64xf32, #tpu.memory_space<hbm>>) target(%arg7 : memref<80x64xf32, #tpu.memory_space<vmem>>) offsets(%dma_start3A_391 : memref<80xi32, #tpu.memory_space<vmem>>) semaphore(%arg12 : memref<!tpu.dma_semaphore, #tpu.memory_space<semaphore_mem>>)
      %add3A_395 = arith.constant 1 : i32
      %add3A_396 = arith.addi %add3A_365, %add3A_395 : i32
      %dma_wait3A_397 = arith.constant 0 : i32
      %dma_wait3A_398 = tpu.memref_slice %arg5[%add3A_396, %dma_wait3A_397] : memref<125x80xi32, #tpu.memory_space<vmem>> -> memref<1x80xi32, #tpu.memory_space<vmem>>
      %dma_wait3A_399 = tpu.memref_squeeze %dma_wait3A_398 : memref<1x80xi32, #tpu.memory_space<vmem>> -> memref<80xi32, #tpu.memory_space<vmem>>
      %dma_wait3A_400 = arith.constant 0 : i32
      %dma_wait3A_401 = arith.constant 0 : i32
      %dma_wait3A_402 = tpu.memref_slice %arg2[%dma_wait3A_400, %dma_wait3A_401] : memref<10000x64xf32, #tpu.memory_space<hbm>> -> memref<10000x64xf32, #tpu.memory_space<hbm>>
      tpu.wait_indirect_dma semaphore(%arg14 : memref<!tpu.dma_semaphore, #tpu.memory_space<semaphore_mem>>) src(%dma_wait3A_402 : memref<10000x64xf32, #tpu.memory_space<hbm>>) dst(%arg9 : memref<80x64xf32, #tpu.memory_space<vmem>>)
      %dma_start3A_403 = arith.constant 0 : i32
      %dma_start3A_404 = tpu.memref_slice %arg6[%add3A_396, %dma_start3A_403] : memref<125x80xi32, #tpu.memory_space<vmem>> -> memref<1x80xi32, #tpu.memory_space<vmem>>
      %dma_start3A_405 = tpu.memref_squeeze %dma_start3A_404 : memref<1x80xi32, #tpu.memory_space<vmem>> -> memref<80xi32, #tpu.memory_space<vmem>>
      %dma_start3A_406 = arith.constant 0 : i32
      %dma_start3A_407 = arith.constant 0 : i32
      %dma_start3A_408 = tpu.memref_slice %arg11[%dma_start3A_406, %dma_start3A_407] : memref<10240x64xf32, #tpu.memory_space<vmem_shared>> -> memref<10240x64xf32, #tpu.memory_space<vmem_shared>>
      tpu.enqueue_indirect_dma source(%arg9 : memref<80x64xf32, #tpu.memory_space<vmem>>) target(%dma_start3A_408 : memref<10240x64xf32, #tpu.memory_space<vmem_shared>>) offsets(%dma_start3A_405 : memref<80xi32, #tpu.memory_space<vmem>>) semaphore(%arg18 : memref<!tpu.dma_semaphore, #tpu.memory_space<semaphore_mem>>) {add = true}
      %sub3A_409 = arith.constant 1 : i32
      %sub3A_410 = arith.subi %add3A_396, %sub3A_409 : i32
      %dma_wait3A_411 = arith.constant 0 : i32
      %dma_wait3A_412 = tpu.memref_slice %arg6[%sub3A_410, %dma_wait3A_411] : memref<125x80xi32, #tpu.memory_space<vmem>> -> memref<1x80xi32, #tpu.memory_space<vmem>>
      %dma_wait3A_413 = tpu.memref_squeeze %dma_wait3A_412 : memref<1x80xi32, #tpu.memory_space<vmem>> -> memref<80xi32, #tpu.memory_space<vmem>>
      %dma_wait3A_414 = arith.constant 0 : i32
      %dma_wait3A_415 = arith.constant 0 : i32
      %dma_wait3A_416 = tpu.memref_slice %arg11[%dma_wait3A_414, %dma_wait3A_415] : memref<10240x64xf32, #tpu.memory_space<vmem_shared>> -> memref<10240x64xf32, #tpu.memory_space<vmem_shared>>
      tpu.wait_indirect_dma semaphore(%arg17 : memref<!tpu.dma_semaphore, #tpu.memory_space<semaphore_mem>>) src(%arg8 : memref<80x64xf32, #tpu.memory_space<vmem>>) dst(%dma_wait3A_416 : memref<10240x64xf32, #tpu.memory_space<vmem_shared>>)
      %add3A_417 = arith.constant 3 : i32
      %add3A_418 = arith.addi %add3A_396, %add3A_417 : i32
      %dma_start3A_419 = arith.constant 0 : i32
      %dma_start3A_420 = tpu.memref_slice %arg5[%add3A_418, %dma_start3A_419] : memref<125x80xi32, #tpu.memory_space<vmem>> -> memref<1x80xi32, #tpu.memory_space<vmem>>
      %dma_start3A_421 = tpu.memref_squeeze %dma_start3A_420 : memref<1x80xi32, #tpu.memory_space<vmem>> -> memref<80xi32, #tpu.memory_space<vmem>>
      %dma_start3A_422 = arith.constant 0 : i32
      %dma_start3A_423 = arith.constant 0 : i32
      %dma_start3A_424 = tpu.memref_slice %arg2[%dma_start3A_422, %dma_start3A_423] : memref<10000x64xf32, #tpu.memory_space<hbm>> -> memref<10000x64xf32, #tpu.memory_space<hbm>>
      tpu.enqueue_indirect_dma source(%dma_start3A_424 : memref<10000x64xf32, #tpu.memory_space<hbm>>) target(%arg8 : memref<80x64xf32, #tpu.memory_space<vmem>>) offsets(%dma_start3A_421 : memref<80xi32, #tpu.memory_space<vmem>>) semaphore(%arg13 : memref<!tpu.dma_semaphore, #tpu.memory_space<semaphore_mem>>)
      %add3A_425 = arith.constant 2 : i32
      %add3A_426 = arith.addi %add3A_365, %add3A_425 : i32
      %dma_wait3A_427 = arith.constant 0 : i32
      %dma_wait3A_428 = tpu.memref_slice %arg5[%add3A_426, %dma_wait3A_427] : memref<125x80xi32, #tpu.memory_space<vmem>> -> memref<1x80xi32, #tpu.memory_space<vmem>>
      %dma_wait3A_429 = tpu.memref_squeeze %dma_wait3A_428 : memref<1x80xi32, #tpu.memory_space<vmem>> -> memref<80xi32, #tpu.memory_space<vmem>>
      %dma_wait3A_430 = arith.constant 0 : i32
      %dma_wait3A_431 = arith.constant 0 : i32
      %dma_wait3A_432 = tpu.memref_slice %arg2[%dma_wait3A_430, %dma_wait3A_431] : memref<10000x64xf32, #tpu.memory_space<hbm>> -> memref<10000x64xf32, #tpu.memory_space<hbm>>
      tpu.wait_indirect_dma semaphore(%arg15 : memref<!tpu.dma_semaphore, #tpu.memory_space<semaphore_mem>>) src(%dma_wait3A_432 : memref<10000x64xf32, #tpu.memory_space<hbm>>) dst(%arg10 : memref<80x64xf32, #tpu.memory_space<vmem>>)
      %dma_start3A_433 = arith.constant 0 : i32
      %dma_start3A_434 = tpu.memref_slice %arg6[%add3A_426, %dma_start3A_433] : memref<125x80xi32, #tpu.memory_space<vmem>> -> memref<1x80xi32, #tpu.memory_space<vmem>>
      %dma_start3A_435 = tpu.memref_squeeze %dma_start3A_434 : memref<1x80xi32, #tpu.memory_space<vmem>> -> memref<80xi32, #tpu.memory_space<vmem>>
      %dma_start3A_436 = arith.constant 0 : i32
      %dma_start3A_437 = arith.constant 0 : i32
      %dma_start3A_438 = tpu.memref_slice %arg11[%dma_start3A_436, %dma_start3A_437] : memref<10240x64xf32, #tpu.memory_space<vmem_shared>> -> memref<10240x64xf32, #tpu.memory_space<vmem_shared>>
      tpu.enqueue_indirect_dma source(%arg10 : memref<80x64xf32, #tpu.memory_space<vmem>>) target(%dma_start3A_438 : memref<10240x64xf32, #tpu.memory_space<vmem_shared>>) offsets(%dma_start3A_435 : memref<80xi32, #tpu.memory_space<vmem>>) semaphore(%arg19 : memref<!tpu.dma_semaphore, #tpu.memory_space<semaphore_mem>>) {add = true}
      %sub3A_439 = arith.constant 1 : i32
      %sub3A_440 = arith.subi %add3A_426, %sub3A_439 : i32
      %dma_wait3A_441 = arith.constant 0 : i32
      %dma_wait3A_442 = tpu.memref_slice %arg6[%sub3A_440, %dma_wait3A_441] : memref<125x80xi32, #tpu.memory_space<vmem>> -> memref<1x80xi32, #tpu.memory_space<vmem>>
      %dma_wait3A_443 = tpu.memref_squeeze %dma_wait3A_442 : memref<1x80xi32, #tpu.memory_space<vmem>> -> memref<80xi32, #tpu.memory_space<vmem>>
      %dma_wait3A_444 = arith.constant 0 : i32
      %dma_wait3A_445 = arith.constant 0 : i32
      %dma_wait3A_446 = tpu.memref_slice %arg11[%dma_wait3A_444, %dma_wait3A_445] : memref<10240x64xf32, #tpu.memory_space<vmem_shared>> -> memref<10240x64xf32, #tpu.memory_space<vmem_shared>>
      tpu.wait_indirect_dma semaphore(%arg18 : memref<!tpu.dma_semaphore, #tpu.memory_space<semaphore_mem>>) src(%arg9 : memref<80x64xf32, #tpu.memory_space<vmem>>) dst(%dma_wait3A_446 : memref<10240x64xf32, #tpu.memory_space<vmem_shared>>)
      %add3A_447 = arith.constant 3 : i32
      %add3A_448 = arith.addi %add3A_426, %add3A_447 : i32
      %dma_start3A_449 = arith.constant 0 : i32
      %dma_start3A_450 = tpu.memref_slice %arg5[%add3A_448, %dma_start3A_449] : memref<125x80xi32, #tpu.memory_space<vmem>> -> memref<1x80xi32, #tpu.memory_space<vmem>>
      %dma_start3A_451 = tpu.memref_squeeze %dma_start3A_450 : memref<1x80xi32, #tpu.memory_space<vmem>> -> memref<80xi32, #tpu.memory_space<vmem>>
      %dma_start3A_452 = arith.constant 0 : i32
      %dma_start3A_453 = arith.constant 0 : i32
      %dma_start3A_454 = tpu.memref_slice %arg2[%dma_start3A_452, %dma_start3A_453] : memref<10000x64xf32, #tpu.memory_space<hbm>> -> memref<10000x64xf32, #tpu.memory_space<hbm>>
      tpu.enqueue_indirect_dma source(%dma_start3A_454 : memref<10000x64xf32, #tpu.memory_space<hbm>>) target(%arg9 : memref<80x64xf32, #tpu.memory_space<vmem>>) offsets(%dma_start3A_451 : memref<80xi32, #tpu.memory_space<vmem>>) semaphore(%arg14 : memref<!tpu.dma_semaphore, #tpu.memory_space<semaphore_mem>>)
      %add3A_455 = arith.constant 3 : i32
      %add3A_456 = arith.addi %add3A_365, %add3A_455 : i32
      %dma_wait3A_457 = arith.constant 0 : i32
      %dma_wait3A_458 = tpu.memref_slice %arg5[%add3A_456, %dma_wait3A_457] : memref<125x80xi32, #tpu.memory_space<vmem>> -> memref<1x80xi32, #tpu.memory_space<vmem>>
      %dma_wait3A_459 = tpu.memref_squeeze %dma_wait3A_458 : memref<1x80xi32, #tpu.memory_space<vmem>> -> memref<80xi32, #tpu.memory_space<vmem>>
      %dma_wait3A_460 = arith.constant 0 : i32
      %dma_wait3A_461 = arith.constant 0 : i32
      %dma_wait3A_462 = tpu.memref_slice %arg2[%dma_wait3A_460, %dma_wait3A_461] : memref<10000x64xf32, #tpu.memory_space<hbm>> -> memref<10000x64xf32, #tpu.memory_space<hbm>>
      tpu.wait_indirect_dma semaphore(%arg12 : memref<!tpu.dma_semaphore, #tpu.memory_space<semaphore_mem>>) src(%dma_wait3A_462 : memref<10000x64xf32, #tpu.memory_space<hbm>>) dst(%arg7 : memref<80x64xf32, #tpu.memory_space<vmem>>)
      %dma_start3A_463 = arith.constant 0 : i32
      %dma_start3A_464 = tpu.memref_slice %arg6[%add3A_456, %dma_start3A_463] : memref<125x80xi32, #tpu.memory_space<vmem>> -> memref<1x80xi32, #tpu.memory_space<vmem>>
      %dma_start3A_465 = tpu.memref_squeeze %dma_start3A_464 : memref<1x80xi32, #tpu.memory_space<vmem>> -> memref<80xi32, #tpu.memory_space<vmem>>
      %dma_start3A_466 = arith.constant 0 : i32
      %dma_start3A_467 = arith.constant 0 : i32
      %dma_start3A_468 = tpu.memref_slice %arg11[%dma_start3A_466, %dma_start3A_467] : memref<10240x64xf32, #tpu.memory_space<vmem_shared>> -> memref<10240x64xf32, #tpu.memory_space<vmem_shared>>
      tpu.enqueue_indirect_dma source(%arg7 : memref<80x64xf32, #tpu.memory_space<vmem>>) target(%dma_start3A_468 : memref<10240x64xf32, #tpu.memory_space<vmem_shared>>) offsets(%dma_start3A_465 : memref<80xi32, #tpu.memory_space<vmem>>) semaphore(%arg16 : memref<!tpu.dma_semaphore, #tpu.memory_space<semaphore_mem>>) {add = true}
      %sub3A_469 = arith.constant 1 : i32
      %sub3A_470 = arith.subi %add3A_456, %sub3A_469 : i32
      %dma_wait3A_471 = arith.constant 0 : i32
      %dma_wait3A_472 = tpu.memref_slice %arg6[%sub3A_470, %dma_wait3A_471] : memref<125x80xi32, #tpu.memory_space<vmem>> -> memref<1x80xi32, #tpu.memory_space<vmem>>
      %dma_wait3A_473 = tpu.memref_squeeze %dma_wait3A_472 : memref<1x80xi32, #tpu.memory_space<vmem>> -> memref<80xi32, #tpu.memory_space<vmem>>
      %dma_wait3A_474 = arith.constant 0 : i32
      %dma_wait3A_475 = arith.constant 0 : i32
      %dma_wait3A_476 = tpu.memref_slice %arg11[%dma_wait3A_474, %dma_wait3A_475] : memref<10240x64xf32, #tpu.memory_space<vmem_shared>> -> memref<10240x64xf32, #tpu.memory_space<vmem_shared>>
      tpu.wait_indirect_dma semaphore(%arg19 : memref<!tpu.dma_semaphore, #tpu.memory_space<semaphore_mem>>) src(%arg10 : memref<80x64xf32, #tpu.memory_space<vmem>>) dst(%dma_wait3A_476 : memref<10240x64xf32, #tpu.memory_space<vmem_shared>>)
      %add3A_477 = arith.constant 3 : i32
      %add3A_478 = arith.addi %add3A_456, %add3A_477 : i32
      %dma_start3A_479 = arith.constant 0 : i32
      %dma_start3A_480 = tpu.memref_slice %arg5[%add3A_478, %dma_start3A_479] : memref<125x80xi32, #tpu.memory_space<vmem>> -> memref<1x80xi32, #tpu.memory_space<vmem>>
      %dma_start3A_481 = tpu.memref_squeeze %dma_start3A_480 : memref<1x80xi32, #tpu.memory_space<vmem>> -> memref<80xi32, #tpu.memory_space<vmem>>
      %dma_start3A_482 = arith.constant 0 : i32
      %dma_start3A_483 = arith.constant 0 : i32
      %dma_start3A_484 = tpu.memref_slice %arg2[%dma_start3A_482, %dma_start3A_483] : memref<10000x64xf32, #tpu.memory_space<hbm>> -> memref<10000x64xf32, #tpu.memory_space<hbm>>
      tpu.enqueue_indirect_dma source(%dma_start3A_484 : memref<10000x64xf32, #tpu.memory_space<hbm>>) target(%arg10 : memref<80x64xf32, #tpu.memory_space<vmem>>) offsets(%dma_start3A_481 : memref<80xi32, #tpu.memory_space<vmem>>) semaphore(%arg15 : memref<!tpu.dma_semaphore, #tpu.memory_space<semaphore_mem>>)
    }
    %scan3A_254 = arith.constant 30 : i32
    %dma_wait3A_255 = arith.constant 121 : i32
    %dma_wait3A_256 = arith.constant 0 : i32
    %dma_wait3A_257 = tpu.memref_slice %arg5[%dma_wait3A_255, %dma_wait3A_256] : memref<125x80xi32, #tpu.memory_space<vmem>> -> memref<1x80xi32, #tpu.memory_space<vmem>>
    %dma_wait3A_258 = tpu.memref_squeeze %dma_wait3A_257 : memref<1x80xi32, #tpu.memory_space<vmem>> -> memref<80xi32, #tpu.memory_space<vmem>>
    %dma_wait3A_259 = arith.constant 0 : i32
    %dma_wait3A_260 = arith.constant 0 : i32
    %dma_wait3A_261 = tpu.memref_slice %arg2[%dma_wait3A_259, %dma_wait3A_260] : memref<10000x64xf32, #tpu.memory_space<hbm>> -> memref<10000x64xf32, #tpu.memory_space<hbm>>
    tpu.wait_indirect_dma semaphore(%arg13 : memref<!tpu.dma_semaphore, #tpu.memory_space<semaphore_mem>>) src(%dma_wait3A_261 : memref<10000x64xf32, #tpu.memory_space<hbm>>) dst(%arg8 : memref<80x64xf32, #tpu.memory_space<vmem>>)
    %dma_start3A_262 = arith.constant 121 : i32
    %dma_start3A_263 = arith.constant 0 : i32
    %dma_start3A_264 = tpu.memref_slice %arg6[%dma_start3A_262, %dma_start3A_263] : memref<125x80xi32, #tpu.memory_space<vmem>> -> memref<1x80xi32, #tpu.memory_space<vmem>>
    %dma_start3A_265 = tpu.memref_squeeze %dma_start3A_264 : memref<1x80xi32, #tpu.memory_space<vmem>> -> memref<80xi32, #tpu.memory_space<vmem>>
    %dma_start3A_266 = arith.constant 0 : i32
    %dma_start3A_267 = arith.constant 0 : i32
    %dma_start3A_268 = tpu.memref_slice %arg11[%dma_start3A_266, %dma_start3A_267] : memref<10240x64xf32, #tpu.memory_space<vmem_shared>> -> memref<10240x64xf32, #tpu.memory_space<vmem_shared>>
    tpu.enqueue_indirect_dma source(%arg8 : memref<80x64xf32, #tpu.memory_space<vmem>>) target(%dma_start3A_268 : memref<10240x64xf32, #tpu.memory_space<vmem_shared>>) offsets(%dma_start3A_265 : memref<80xi32, #tpu.memory_space<vmem>>) semaphore(%arg17 : memref<!tpu.dma_semaphore, #tpu.memory_space<semaphore_mem>>) {add = true}
    %dma_wait3A_269 = arith.constant 120 : i32
    %dma_wait3A_270 = arith.constant 0 : i32
    %dma_wait3A_271 = tpu.memref_slice %arg6[%dma_wait3A_269, %dma_wait3A_270] : memref<125x80xi32, #tpu.memory_space<vmem>> -> memref<1x80xi32, #tpu.memory_space<vmem>>
    %dma_wait3A_272 = tpu.memref_squeeze %dma_wait3A_271 : memref<1x80xi32, #tpu.memory_space<vmem>> -> memref<80xi32, #tpu.memory_space<vmem>>
    %dma_wait3A_273 = arith.constant 0 : i32
    %dma_wait3A_274 = arith.constant 0 : i32
    %dma_wait3A_275 = tpu.memref_slice %arg11[%dma_wait3A_273, %dma_wait3A_274] : memref<10240x64xf32, #tpu.memory_space<vmem_shared>> -> memref<10240x64xf32, #tpu.memory_space<vmem_shared>>
    tpu.wait_indirect_dma semaphore(%arg16 : memref<!tpu.dma_semaphore, #tpu.memory_space<semaphore_mem>>) src(%arg7 : memref<80x64xf32, #tpu.memory_space<vmem>>) dst(%dma_wait3A_275 : memref<10240x64xf32, #tpu.memory_space<vmem_shared>>)
    %dma_start3A_276 = arith.constant 124 : i32
    %dma_start3A_277 = arith.constant 0 : i32
    %dma_start3A_278 = tpu.memref_slice %arg5[%dma_start3A_276, %dma_start3A_277] : memref<125x80xi32, #tpu.memory_space<vmem>> -> memref<1x80xi32, #tpu.memory_space<vmem>>
    %dma_start3A_279 = tpu.memref_squeeze %dma_start3A_278 : memref<1x80xi32, #tpu.memory_space<vmem>> -> memref<80xi32, #tpu.memory_space<vmem>>
    %dma_start3A_280 = arith.constant 0 : i32
    %dma_start3A_281 = arith.constant 0 : i32
    %dma_start3A_282 = tpu.memref_slice %arg2[%dma_start3A_280, %dma_start3A_281] : memref<10000x64xf32, #tpu.memory_space<hbm>> -> memref<10000x64xf32, #tpu.memory_space<hbm>>
    tpu.enqueue_indirect_dma source(%dma_start3A_282 : memref<10000x64xf32, #tpu.memory_space<hbm>>) target(%arg7 : memref<80x64xf32, #tpu.memory_space<vmem>>) offsets(%dma_start3A_279 : memref<80xi32, #tpu.memory_space<vmem>>) semaphore(%arg12 : memref<!tpu.dma_semaphore, #tpu.memory_space<semaphore_mem>>)
    %dma_wait3A_283 = arith.constant 122 : i32
    %dma_wait3A_284 = arith.constant 0 : i32
    %dma_wait3A_285 = tpu.memref_slice %arg5[%dma_wait3A_283, %dma_wait3A_284] : memref<125x80xi32, #tpu.memory_space<vmem>> -> memref<1x80xi32, #tpu.memory_space<vmem>>
    %dma_wait3A_286 = tpu.memref_squeeze %dma_wait3A_285 : memref<1x80xi32, #tpu.memory_space<vmem>> -> memref<80xi32, #tpu.memory_space<vmem>>
    %dma_wait3A_287 = arith.constant 0 : i32
    %dma_wait3A_288 = arith.constant 0 : i32
    %dma_wait3A_289 = tpu.memref_slice %arg2[%dma_wait3A_287, %dma_wait3A_288] : memref<10000x64xf32, #tpu.memory_space<hbm>> -> memref<10000x64xf32, #tpu.memory_space<hbm>>
    tpu.wait_indirect_dma semaphore(%arg14 : memref<!tpu.dma_semaphore, #tpu.memory_space<semaphore_mem>>) src(%dma_wait3A_289 : memref<10000x64xf32, #tpu.memory_space<hbm>>) dst(%arg9 : memref<80x64xf32, #tpu.memory_space<vmem>>)
    %dma_start3A_290 = arith.constant 122 : i32
    %dma_start3A_291 = arith.constant 0 : i32
    %dma_start3A_292 = tpu.memref_slice %arg6[%dma_start3A_290, %dma_start3A_291] : memref<125x80xi32, #tpu.memory_space<vmem>> -> memref<1x80xi32, #tpu.memory_space<vmem>>
    %dma_start3A_293 = tpu.memref_squeeze %dma_start3A_292 : memref<1x80xi32, #tpu.memory_space<vmem>> -> memref<80xi32, #tpu.memory_space<vmem>>
    %dma_start3A_294 = arith.constant 0 : i32
    %dma_start3A_295 = arith.constant 0 : i32
    %dma_start3A_296 = tpu.memref_slice %arg11[%dma_start3A_294, %dma_start3A_295] : memref<10240x64xf32, #tpu.memory_space<vmem_shared>> -> memref<10240x64xf32, #tpu.memory_space<vmem_shared>>
    tpu.enqueue_indirect_dma source(%arg9 : memref<80x64xf32, #tpu.memory_space<vmem>>) target(%dma_start3A_296 : memref<10240x64xf32, #tpu.memory_space<vmem_shared>>) offsets(%dma_start3A_293 : memref<80xi32, #tpu.memory_space<vmem>>) semaphore(%arg18 : memref<!tpu.dma_semaphore, #tpu.memory_space<semaphore_mem>>) {add = true}
    %dma_wait3A_297 = arith.constant 121 : i32
    %dma_wait3A_298 = arith.constant 0 : i32
    %dma_wait3A_299 = tpu.memref_slice %arg6[%dma_wait3A_297, %dma_wait3A_298] : memref<125x80xi32, #tpu.memory_space<vmem>> -> memref<1x80xi32, #tpu.memory_space<vmem>>
    %dma_wait3A_300 = tpu.memref_squeeze %dma_wait3A_299 : memref<1x80xi32, #tpu.memory_space<vmem>> -> memref<80xi32, #tpu.memory_space<vmem>>
    %dma_wait3A_301 = arith.constant 0 : i32
    %dma_wait3A_302 = arith.constant 0 : i32
    %dma_wait3A_303 = tpu.memref_slice %arg11[%dma_wait3A_301, %dma_wait3A_302] : memref<10240x64xf32, #tpu.memory_space<vmem_shared>> -> memref<10240x64xf32, #tpu.memory_space<vmem_shared>>
    tpu.wait_indirect_dma semaphore(%arg17 : memref<!tpu.dma_semaphore, #tpu.memory_space<semaphore_mem>>) src(%arg8 : memref<80x64xf32, #tpu.memory_space<vmem>>) dst(%dma_wait3A_303 : memref<10240x64xf32, #tpu.memory_space<vmem_shared>>)
    %dma_wait3A_304 = arith.constant 123 : i32
    %dma_wait3A_305 = arith.constant 0 : i32
    %dma_wait3A_306 = tpu.memref_slice %arg5[%dma_wait3A_304, %dma_wait3A_305] : memref<125x80xi32, #tpu.memory_space<vmem>> -> memref<1x80xi32, #tpu.memory_space<vmem>>
    %dma_wait3A_307 = tpu.memref_squeeze %dma_wait3A_306 : memref<1x80xi32, #tpu.memory_space<vmem>> -> memref<80xi32, #tpu.memory_space<vmem>>
    %dma_wait3A_308 = arith.constant 0 : i32
    %dma_wait3A_309 = arith.constant 0 : i32
    %dma_wait3A_310 = tpu.memref_slice %arg2[%dma_wait3A_308, %dma_wait3A_309] : memref<10000x64xf32, #tpu.memory_space<hbm>> -> memref<10000x64xf32, #tpu.memory_space<hbm>>
    tpu.wait_indirect_dma semaphore(%arg15 : memref<!tpu.dma_semaphore, #tpu.memory_space<semaphore_mem>>) src(%dma_wait3A_310 : memref<10000x64xf32, #tpu.memory_space<hbm>>) dst(%arg10 : memref<80x64xf32, #tpu.memory_space<vmem>>)
    %dma_start3A_311 = arith.constant 123 : i32
    %dma_start3A_312 = arith.constant 0 : i32
    %dma_start3A_313 = tpu.memref_slice %arg6[%dma_start3A_311, %dma_start3A_312] : memref<125x80xi32, #tpu.memory_space<vmem>> -> memref<1x80xi32, #tpu.memory_space<vmem>>
    %dma_start3A_314 = tpu.memref_squeeze %dma_start3A_313 : memref<1x80xi32, #tpu.memory_space<vmem>> -> memref<80xi32, #tpu.memory_space<vmem>>
    %dma_start3A_315 = arith.constant 0 : i32
    %dma_start3A_316 = arith.constant 0 : i32
    %dma_start3A_317 = tpu.memref_slice %arg11[%dma_start3A_315, %dma_start3A_316] : memref<10240x64xf32, #tpu.memory_space<vmem_shared>> -> memref<10240x64xf32, #tpu.memory_space<vmem_shared>>
    tpu.enqueue_indirect_dma source(%arg10 : memref<80x64xf32, #tpu.memory_space<vmem>>) target(%dma_start3A_317 : memref<10240x64xf32, #tpu.memory_space<vmem_shared>>) offsets(%dma_start3A_314 : memref<80xi32, #tpu.memory_space<vmem>>) semaphore(%arg19 : memref<!tpu.dma_semaphore, #tpu.memory_space<semaphore_mem>>) {add = true}
    %dma_wait3A_318 = arith.constant 122 : i32
    %dma_wait3A_319 = arith.constant 0 : i32
    %dma_wait3A_320 = tpu.memref_slice %arg6[%dma_wait3A_318, %dma_wait3A_319] : memref<125x80xi32, #tpu.memory_space<vmem>> -> memref<1x80xi32, #tpu.memory_space<vmem>>
    %dma_wait3A_321 = tpu.memref_squeeze %dma_wait3A_320 : memref<1x80xi32, #tpu.memory_space<vmem>> -> memref<80xi32, #tpu.memory_space<vmem>>
    %dma_wait3A_322 = arith.constant 0 : i32
    %dma_wait3A_323 = arith.constant 0 : i32
    %dma_wait3A_324 = tpu.memref_slice %arg11[%dma_wait3A_322, %dma_wait3A_323] : memref<10240x64xf32, #tpu.memory_space<vmem_shared>> -> memref<10240x64xf32, #tpu.memory_space<vmem_shared>>
    tpu.wait_indirect_dma semaphore(%arg18 : memref<!tpu.dma_semaphore, #tpu.memory_space<semaphore_mem>>) src(%arg9 : memref<80x64xf32, #tpu.memory_space<vmem>>) dst(%dma_wait3A_324 : memref<10240x64xf32, #tpu.memory_space<vmem_shared>>)
    %dma_wait3A_325 = arith.constant 124 : i32
    %dma_wait3A_326 = arith.constant 0 : i32
    %dma_wait3A_327 = tpu.memref_slice %arg5[%dma_wait3A_325, %dma_wait3A_326] : memref<125x80xi32, #tpu.memory_space<vmem>> -> memref<1x80xi32, #tpu.memory_space<vmem>>
    %dma_wait3A_328 = tpu.memref_squeeze %dma_wait3A_327 : memref<1x80xi32, #tpu.memory_space<vmem>> -> memref<80xi32, #tpu.memory_space<vmem>>
    %dma_wait3A_329 = arith.constant 0 : i32
    %dma_wait3A_330 = arith.constant 0 : i32
    %dma_wait3A_331 = tpu.memref_slice %arg2[%dma_wait3A_329, %dma_wait3A_330] : memref<10000x64xf32, #tpu.memory_space<hbm>> -> memref<10000x64xf32, #tpu.memory_space<hbm>>
    tpu.wait_indirect_dma semaphore(%arg12 : memref<!tpu.dma_semaphore, #tpu.memory_space<semaphore_mem>>) src(%dma_wait3A_331 : memref<10000x64xf32, #tpu.memory_space<hbm>>) dst(%arg7 : memref<80x64xf32, #tpu.memory_space<vmem>>)
    %dma_start3A_332 = arith.constant 124 : i32
    %dma_start3A_333 = arith.constant 0 : i32
    %dma_start3A_334 = tpu.memref_slice %arg6[%dma_start3A_332, %dma_start3A_333] : memref<125x80xi32, #tpu.memory_space<vmem>> -> memref<1x80xi32, #tpu.memory_space<vmem>>
    %dma_start3A_335 = tpu.memref_squeeze %dma_start3A_334 : memref<1x80xi32, #tpu.memory_space<vmem>> -> memref<80xi32, #tpu.memory_space<vmem>>
    %dma_start3A_336 = arith.constant 0 : i32
    %dma_start3A_337 = arith.constant 0 : i32
    %dma_start3A_338 = tpu.memref_slice %arg11[%dma_start3A_336, %dma_start3A_337] : memref<10240x64xf32, #tpu.memory_space<vmem_shared>> -> memref<10240x64xf32, #tpu.memory_space<vmem_shared>>
    tpu.enqueue_indirect_dma source(%arg7 : memref<80x64xf32, #tpu.memory_space<vmem>>) target(%dma_start3A_338 : memref<10240x64xf32, #tpu.memory_space<vmem_shared>>) offsets(%dma_start3A_335 : memref<80xi32, #tpu.memory_space<vmem>>) semaphore(%arg16 : memref<!tpu.dma_semaphore, #tpu.memory_space<semaphore_mem>>) {add = true}
    %dma_wait3A_339 = arith.constant 123 : i32
    %dma_wait3A_340 = arith.constant 0 : i32
    %dma_wait3A_341 = tpu.memref_slice %arg6[%dma_wait3A_339, %dma_wait3A_340] : memref<125x80xi32, #tpu.memory_space<vmem>> -> memref<1x80xi32, #tpu.memory_space<vmem>>
    %dma_wait3A_342 = tpu.memref_squeeze %dma_wait3A_341 : memref<1x80xi32, #tpu.memory_space<vmem>> -> memref<80xi32, #tpu.memory_space<vmem>>
    %dma_wait3A_343 = arith.constant 0 : i32
    %dma_wait3A_344 = arith.constant 0 : i32
    %dma_wait3A_345 = tpu.memref_slice %arg11[%dma_wait3A_343, %dma_wait3A_344] : memref<10240x64xf32, #tpu.memory_space<vmem_shared>> -> memref<10240x64xf32, #tpu.memory_space<vmem_shared>>
    tpu.wait_indirect_dma semaphore(%arg19 : memref<!tpu.dma_semaphore, #tpu.memory_space<semaphore_mem>>) src(%arg10 : memref<80x64xf32, #tpu.memory_space<vmem>>) dst(%dma_wait3A_345 : memref<10240x64xf32, #tpu.memory_space<vmem_shared>>)
    %dma_wait3A_346 = arith.constant 124 : i32
    %dma_wait3A_347 = arith.constant 0 : i32
    %dma_wait3A_348 = tpu.memref_slice %arg6[%dma_wait3A_346, %dma_wait3A_347] : memref<125x80xi32, #tpu.memory_space<vmem>> -> memref<1x80xi32, #tpu.memory_space<vmem>>
    %dma_wait3A_349 = tpu.memref_squeeze %dma_wait3A_348 : memref<1x80xi32, #tpu.memory_space<vmem>> -> memref<80xi32, #tpu.memory_space<vmem>>
    %dma_wait3A_350 = arith.constant 0 : i32
    %dma_wait3A_351 = arith.constant 0 : i32
    %dma_wait3A_352 = tpu.memref_slice %arg11[%dma_wait3A_350, %dma_wait3A_351] : memref<10240x64xf32, #tpu.memory_space<vmem_shared>> -> memref<10240x64xf32, #tpu.memory_space<vmem_shared>>
    tpu.wait_indirect_dma semaphore(%arg16 : memref<!tpu.dma_semaphore, #tpu.memory_space<semaphore_mem>>) src(%arg7 : memref<80x64xf32, #tpu.memory_space<vmem>>) dst(%dma_wait3A_352 : memref<10240x64xf32, #tpu.memory_space<vmem_shared>>)
    %barrier3A_353 = arith.constant 0 : index
    tpu.barrier barrier_id(%barrier3A_353)
    %mul3A_354 = arith.constant 640 : i32
    %mul3A_355 = arith.muli %arg1, %mul3A_354 : i32
    %mul3A_356 = arith.constant 10240 : i32
    %mul3A_357 = arith.muli %arg0, %mul3A_356 : i32
    %mul3A_358 = arith.constant 640 : i32
    %mul3A_359 = arith.muli %arg1, %mul3A_358 : i32
    %add3A_360 = arith.addi %mul3A_357, %mul3A_359 : i32
    "tpu.region"() ({
      %run_scoped3A = tpu.sem_alloc : memref<!tpu.dma_semaphore, #tpu.memory_space<semaphore_mem>>
      %dma_start3A_361 = arith.constant 0 : i32
      %dma_start3A_362 = tpu.memref_slice %arg4[%add3A_360, %dma_start3A_361] : memref<20480x64xf32, #tpu.memory_space<hbm>> -> memref<640x64xf32, #tpu.memory_space<hbm>>
      %dma_start3A_363 = arith.constant 0 : i32
      %dma_start3A_364 = tpu.memref_slice %arg11[%mul3A_355, %dma_start3A_363] : memref<10240x64xf32, #tpu.memory_space<vmem_shared>> -> memref<640x64xf32, #tpu.memory_space<vmem_shared>>
      tpu.enqueue_dma source(%dma_start3A_364 : memref<640x64xf32, #tpu.memory_space<vmem_shared>>) target(%dma_start3A_362 : memref<640x64xf32, #tpu.memory_space<hbm>>) target_semaphore(%run_scoped3A : memref<!tpu.dma_semaphore, #tpu.memory_space<semaphore_mem>>)
      %dma_wait3A_365 = arith.constant 0 : i32
      %dma_wait3A_366 = tpu.memref_slice %arg4[%add3A_360, %dma_wait3A_365] : memref<20480x64xf32, #tpu.memory_space<hbm>> -> memref<640x64xf32, #tpu.memory_space<hbm>>
      %dma_wait3A_367 = arith.constant 0 : i32
      %dma_wait3A_368 = tpu.memref_slice %arg11[%mul3A_355, %dma_wait3A_367] : memref<10240x64xf32, #tpu.memory_space<vmem_shared>> -> memref<640x64xf32, #tpu.memory_space<vmem_shared>>
      tpu.wait_dma2 semaphore(%run_scoped3A : memref<!tpu.dma_semaphore, #tpu.memory_space<semaphore_mem>>) src(%dma_wait3A_368 : memref<640x64xf32, #tpu.memory_space<vmem_shared>>) dst(%dma_wait3A_366 : memref<640x64xf32, #tpu.memory_space<hbm>>)
      tpu.yield
    }) : () -> ()
    return
  }
}

module attributes {stable_mosaic.version = 14 : i64} {
  func.func @_tc_mm1_body(%arg0: memref<5000x256xf32, #tpu.memory_space<vmem>>, %arg1: memref<256x128xf32, #tpu.memory_space<vmem>>, %arg2: memref<5000x128xf32, #tpu.memory_space<vmem>>) attributes {dimension_semantics = [], scalar_prefetch = 0 : i64, scratch_operands = 0 : i64, tpu.core_type = #tpu.core_type<tc>} {
    %get3A = arith.constant 0 : index
    %get3A_0 = arith.constant 0 : index
    %get3A_1 = vector.load %arg0[%get3A, %get3A_0] : memref<5000x256xf32, #tpu.memory_space<vmem>>, vector<5000x256xf32>
    %get3A_2 = arith.constant 0 : index
    %get3A_3 = arith.constant 0 : index
    %get3A_4 = vector.load %arg1[%get3A_2, %get3A_3] : memref<256x128xf32, #tpu.memory_space<vmem>>, vector<256x128xf32>
    %dot_general3A = arith.constant dense<0.000000e+00> : vector<5000x128xf32>
    %dot_general3A_5 = tpu.matmul %get3A_1, %get3A_4, %dot_general3A {dimension_numbers = #tpu.dot_dimension_numbers<[1], [0], [0], [1], [0, 0, 1, 1], [], []>, transpose_lhs_hint = false} : vector<5000x256xf32>, vector<256x128xf32>, vector<5000x128xf32> -> vector<5000x128xf32>
    %swap3A = arith.constant 0 : index
    %swap3A_6 = arith.constant 0 : index
    %swap3A_7 = vector.load %arg2[%swap3A, %swap3A_6] : memref<5000x128xf32, #tpu.memory_space<vmem>>, vector<5000x128xf32>
    tpu.vector_store %arg2[%swap3A, %swap3A_6], %dot_general3A_5 {strides = array<i32>} : memref<5000x128xf32, #tpu.memory_space<vmem>>, vector<5000x128xf32>,
    return
  }
}

module attributes {stable_mosaic.version = 14 : i64} {
  func.func @_tc_scale_body(%arg0: memref<5000x128xf32, #tpu.memory_space<vmem>>, %arg1: memref<10240x128xf32, #tpu.memory_space<vmem>>, %arg2: memref<5000x128xf32, #tpu.memory_space<vmem>>, %arg3: memref<5000x128xf32, #tpu.memory_space<vmem>>) attributes {dimension_semantics = [], scalar_prefetch = 0 : i64, scratch_operands = 0 : i64, tpu.core_type = #tpu.core_type<tc>} {
    %get3A = arith.constant 0 : index
    %get3A_0 = arith.constant 0 : index
    %get3A_1 = vector.load %arg1[%get3A, %get3A_0] : memref<10240x128xf32, #tpu.memory_space<vmem>>, vector<5000x128xf32>
    %get3A_2 = arith.constant 5120 : index
    %get3A_3 = arith.constant 0 : index
    %get3A_4 = vector.load %arg1[%get3A_2, %get3A_3] : memref<10240x128xf32, #tpu.memory_space<vmem>>, vector<5000x128xf32>
    %add3A = arith.addf %get3A_1, %get3A_4 : vector<5000x128xf32>
    %add3A_5 = arith.constant 1.000000e+00 : f32
    %add3A_6 = vector.broadcast %add3A_5 : f32 to vector<5000x128xf32>
    %add3A_7 = arith.addf %add3A, %add3A_6 : vector<5000x128xf32>
    %rsqrt3A = math.rsqrt %add3A_7 : vector<5000x128xf32>
    %get3A_8 = arith.constant 0 : index
    %get3A_9 = arith.constant 0 : index
    %get3A_10 = vector.load %arg0[%get3A_8, %get3A_9] : memref<5000x128xf32, #tpu.memory_space<vmem>>, vector<5000x128xf32>
    %mul3A = arith.mulf %get3A_10, %rsqrt3A : vector<5000x128xf32>
    %swap3A = arith.constant 0 : index
    %swap3A_11 = arith.constant 0 : index
    %swap3A_12 = vector.load %arg2[%swap3A, %swap3A_11] : memref<5000x128xf32, #tpu.memory_space<vmem>>, vector<5000x128xf32>
    tpu.vector_store %arg2[%swap3A, %swap3A_11], %mul3A {strides = array<i32>} : memref<5000x128xf32, #tpu.memory_space<vmem>>, vector<5000x128xf32>,
    %swap3A_13 = arith.constant 0 : index
    %swap3A_14 = arith.constant 0 : index
    %swap3A_15 = vector.load %arg3[%swap3A_13, %swap3A_14] : memref<5000x128xf32, #tpu.memory_space<vmem>>, vector<5000x128xf32>
    tpu.vector_store %arg3[%swap3A_13, %swap3A_14], %rsqrt3A {strides = array<i32>} : memref<5000x128xf32, #tpu.memory_space<vmem>>, vector<5000x128xf32>,
    return
  }
}

module attributes {stable_mosaic.version = 14 : i64} {
  func.func @_tc_mid_body(%arg0: memref<10240x128xf32, #tpu.memory_space<vmem>>, %arg1: memref<5000x128xf32, #tpu.memory_space<vmem>>, %arg2: memref<5000x128xf32, #tpu.memory_space<vmem>>, %arg3: memref<1x128xf32, #tpu.memory_space<vmem>>, %arg4: memref<128x128xf32, #tpu.memory_space<vmem>>, %arg5: memref<5000x128xf32, #tpu.memory_space<vmem>>) attributes {dimension_semantics = [], scalar_prefetch = 0 : i64, scratch_operands = 0 : i64, tpu.core_type = #tpu.core_type<tc>} {
    %get3A = arith.constant 0 : index
    %get3A_0 = arith.constant 0 : index
    %get3A_1 = vector.load %arg0[%get3A, %get3A_0] : memref<10240x128xf32, #tpu.memory_space<vmem>>, vector<5000x128xf32>
    %get3A_2 = arith.constant 5120 : index
    %get3A_3 = arith.constant 0 : index
    %get3A_4 = vector.load %arg0[%get3A_2, %get3A_3] : memref<10240x128xf32, #tpu.memory_space<vmem>>, vector<5000x128xf32>
    %add3A = arith.addf %get3A_1, %get3A_4 : vector<5000x128xf32>
    %get3A_5 = arith.constant 0 : index
    %get3A_6 = arith.constant 0 : index
    %get3A_7 = vector.load %arg1[%get3A_5, %get3A_6] : memref<5000x128xf32, #tpu.memory_space<vmem>>, vector<5000x128xf32>
    %add3A_8 = arith.addf %add3A, %get3A_7 : vector<5000x128xf32>
    %get3A_9 = arith.constant 0 : index
    %get3A_10 = arith.constant 0 : index
    %get3A_11 = vector.load %arg2[%get3A_9, %get3A_10] : memref<5000x128xf32, #tpu.memory_space<vmem>>, vector<5000x128xf32>
    %mul3A = arith.mulf %get3A_11, %add3A_8 : vector<5000x128xf32>
    %get3A_12 = arith.constant 0 : index
    %get3A_13 = arith.constant 0 : index
    %get3A_14 = vector.load %arg3[%get3A_12, %get3A_13] : memref<1x128xf32, #tpu.memory_space<vmem>>, vector<1x128xf32>
    %add3A_15 = vector.broadcast %get3A_14 : vector<1x128xf32> to vector<5000x128xf32>
    %add3A_16 = arith.addf %mul3A, %add3A_15 : vector<5000x128xf32>
    %max3A = arith.constant 0.000000e+00 : f32
    %max3A_17 = vector.broadcast %max3A : f32 to vector<5000x128xf32>
    %max3A_18 = arith.maximumf %add3A_16, %max3A_17 : vector<5000x128xf32>
    %get3A_19 = arith.constant 0 : index
    %get3A_20 = arith.constant 0 : index
    %get3A_21 = vector.load %arg4[%get3A_19, %get3A_20] : memref<128x128xf32, #tpu.memory_space<vmem>>, vector<128x128xf32>
    %dot_general3A = arith.constant dense<0.000000e+00> : vector<5000x128xf32>
    %dot_general3A_22 = tpu.matmul %max3A_18, %get3A_21, %dot_general3A {dimension_numbers = #tpu.dot_dimension_numbers<[1], [0], [0], [1], [0, 0, 1, 1], [], []>, transpose_lhs_hint = false} : vector<5000x128xf32>, vector<128x128xf32>, vector<5000x128xf32> -> vector<5000x128xf32>
    %get3A_23 = arith.constant 0 : index
    %get3A_24 = arith.constant 0 : index
    %get3A_25 = vector.load %arg2[%get3A_23, %get3A_24] : memref<5000x128xf32, #tpu.memory_space<vmem>>, vector<5000x128xf32>
    %mul3A_26 = arith.mulf %dot_general3A_22, %get3A_25 : vector<5000x128xf32>
    %swap3A = arith.constant 0 : index
    %swap3A_27 = arith.constant 0 : index
    %swap3A_28 = vector.load %arg5[%swap3A, %swap3A_27] : memref<5000x128xf32, #tpu.memory_space<vmem>>, vector<5000x128xf32>
    tpu.vector_store %arg5[%swap3A, %swap3A_27], %mul3A_26 {strides = array<i32>} : memref<5000x128xf32, #tpu.memory_space<vmem>>, vector<5000x128xf32>,
    return
  }
}

module attributes {stable_mosaic.version = 14 : i64} {
  func.func @_tc_final_body(%arg0: memref<10240x128xf32, #tpu.memory_space<vmem>>, %arg1: memref<5000x128xf32, #tpu.memory_space<vmem>>, %arg2: memref<5000x128xf32, #tpu.memory_space<vmem>>, %arg3: memref<1x128xf32, #tpu.memory_space<vmem>>, %arg4: memref<1x5000xi32, #tpu.memory_space<vmem>>, %arg5: memref<1x5000xi32, #tpu.memory_space<vmem>>, %arg6: memref<64x6xf32, #tpu.memory_space<vmem>>, %arg7: memref<1x6xf32, #tpu.memory_space<vmem>>, %arg8: memref<64x6xf32, #tpu.memory_space<vmem>>) attributes {dimension_semantics = [], scalar_prefetch = 0 : i64, scratch_operands = 0 : i64, tpu.core_type = #tpu.core_type<tc>} {
    %get3A = arith.constant 0 : index
    %get3A_0 = arith.constant 0 : index
    %get3A_1 = vector.load %arg0[%get3A, %get3A_0] : memref<10240x128xf32, #tpu.memory_space<vmem>>, vector<5000x128xf32>
    %get3A_2 = arith.constant 5120 : index
    %get3A_3 = arith.constant 0 : index
    %get3A_4 = vector.load %arg0[%get3A_2, %get3A_3] : memref<10240x128xf32, #tpu.memory_space<vmem>>, vector<5000x128xf32>
    %add3A = arith.addf %get3A_1, %get3A_4 : vector<5000x128xf32>
    %get3A_5 = arith.constant 0 : index
    %get3A_6 = arith.constant 0 : index
    %get3A_7 = vector.load %arg1[%get3A_5, %get3A_6] : memref<5000x128xf32, #tpu.memory_space<vmem>>, vector<5000x128xf32>
    %add3A_8 = arith.addf %add3A, %get3A_7 : vector<5000x128xf32>
    %get3A_9 = arith.constant 0 : index
    %get3A_10 = arith.constant 0 : index
    %get3A_11 = vector.load %arg2[%get3A_9, %get3A_10] : memref<5000x128xf32, #tpu.memory_space<vmem>>, vector<5000x128xf32>
    %mul3A = arith.mulf %get3A_11, %add3A_8 : vector<5000x128xf32>
    %get3A_12 = arith.constant 0 : index
    %get3A_13 = arith.constant 0 : index
    %get3A_14 = vector.load %arg3[%get3A_12, %get3A_13] : memref<1x128xf32, #tpu.memory_space<vmem>>, vector<1x128xf32>
    %add3A_15 = vector.broadcast %get3A_14 : vector<1x128xf32> to vector<5000x128xf32>
    %add3A_16 = arith.addf %mul3A, %add3A_15 : vector<5000x128xf32>
    %max3A = arith.constant 0.000000e+00 : f32
    %max3A_17 = vector.broadcast %max3A : f32 to vector<5000x128xf32>
    %max3A_18 = arith.maximumf %add3A_16, %max3A_17 : vector<5000x128xf32>
    %iota3A = tpu.iota {dimensions = array<i32: 0>} : vector<64x5000xi32>
    %get3A_19 = arith.constant 0 : index
    %get3A_20 = arith.constant 0 : index
    %get3A_21 = vector.load %arg4[%get3A_19, %get3A_20] : memref<1x5000xi32, #tpu.memory_space<vmem>>, vector<1x5000xi32>
    %eq3A = vector.broadcast %get3A_21 : vector<1x5000xi32> to vector<64x5000xi32>
    %eq3A_22 = arith.cmpi eq, %eq3A, %iota3A : vector<64x5000xi32>
    %convert_element_type3A = arith.extui %eq3A_22 : vector<64x5000xi1> to vector<64x5000xi32>
    %convert_element_type3A_23 = arith.sitofp %convert_element_type3A : vector<64x5000xi32> to vector<64x5000xf32>
    %get3A_24 = arith.constant 0 : index
    %get3A_25 = arith.constant 0 : index
    %get3A_26 = vector.load %arg5[%get3A_24, %get3A_25] : memref<1x5000xi32, #tpu.memory_space<vmem>>, vector<1x5000xi32>
    %eq3A_27 = vector.broadcast %get3A_26 : vector<1x5000xi32> to vector<64x5000xi32>
    %eq3A_28 = arith.cmpi eq, %eq3A_27, %iota3A : vector<64x5000xi32>
    %convert_element_type3A_29 = arith.extui %eq3A_28 : vector<64x5000xi1> to vector<64x5000xi32>
    %convert_element_type3A_30 = arith.sitofp %convert_element_type3A_29 : vector<64x5000xi32> to vector<64x5000xf32>
    %slice3A = vector.extract_strided_slice %max3A_18 {offsets = [0, 0], sizes = [5000, 64], strides = [1, 1]} : vector<5000x128xf32> to vector<5000x64xf32>
    %dot_general3A = arith.constant dense<0.000000e+00> : vector<64x64xf32>
    %dot_general3A_31 = tpu.matmul %convert_element_type3A_23, %slice3A, %dot_general3A {dimension_numbers = #tpu.dot_dimension_numbers<[1], [0], [0], [1], [0, 0, 1, 1], [], []>, transpose_lhs_hint = false} : vector<64x5000xf32>, vector<5000x64xf32>, vector<64x64xf32> -> vector<64x64xf32>
    %slice3A_32 = vector.extract_strided_slice %max3A_18 {offsets = [0, 64], sizes = [5000, 64], strides = [1, 1]} : vector<5000x128xf32> to vector<5000x64xf32>
    %dot_general3A_33 = arith.constant dense<0.000000e+00> : vector<64x64xf32>
    %dot_general3A_34 = tpu.matmul %convert_element_type3A_30, %slice3A_32, %dot_general3A_33 {dimension_numbers = #tpu.dot_dimension_numbers<[1], [0], [0], [1], [0, 0, 1, 1], [], []>, transpose_lhs_hint = false} : vector<64x5000xf32>, vector<5000x64xf32>, vector<64x64xf32> -> vector<64x64xf32>
    %add3A_35 = arith.addf %dot_general3A_31, %dot_general3A_34 : vector<64x64xf32>
    %add3A_36 = arith.addf %convert_element_type3A_23, %convert_element_type3A_30 : vector<64x5000xf32>
    %reduce_sum3A = arith.constant dense<0.000000e+00> : vector<64xf32>
    %reduce_sum3A_37 = vector.multi_reduction <add>, %add3A_36, %reduce_sum3A [1] : vector<64x5000xf32> to vector<64xf32>
    %broadcast_in_dim3A = vector.shape_cast %reduce_sum3A_37 : vector<64xf32> to vector<64x1xf32>
    %max3A_38 = arith.constant 1.000000e+00 : f32
    %max3A_39 = vector.broadcast %max3A_38 : f32 to vector<64x1xf32>
    %max3A_40 = arith.maximumf %broadcast_in_dim3A, %max3A_39 : vector<64x1xf32>
    %div3A = vector.broadcast %max3A_40 : vector<64x1xf32> to vector<64x64xf32>
    %div3A_41 = arith.divf %add3A_35, %div3A : vector<64x64xf32>
    %get3A_42 = arith.constant 0 : index
    %get3A_43 = arith.constant 0 : index
    %get3A_44 = vector.load %arg6[%get3A_42, %get3A_43] : memref<64x6xf32, #tpu.memory_space<vmem>>, vector<64x6xf32>
    %dot_general3A_45 = arith.constant dense<0.000000e+00> : vector<64x6xf32>
    %dot_general3A_46 = tpu.matmul %div3A_41, %get3A_44, %dot_general3A_45 {dimension_numbers = #tpu.dot_dimension_numbers<[1], [0], [0], [1], [0, 0, 1, 1], [], []>, transpose_lhs_hint = false} : vector<64x64xf32>, vector<64x6xf32>, vector<64x6xf32> -> vector<64x6xf32>
    %get3A_47 = arith.constant 0 : index
    %get3A_48 = arith.constant 0 : index
    %get3A_49 = vector.load %arg7[%get3A_47, %get3A_48] : memref<1x6xf32, #tpu.memory_space<vmem>>, vector<1x6xf32>
    %add3A_50 = vector.broadcast %get3A_49 : vector<1x6xf32> to vector<64x6xf32>
    %add3A_51 = arith.addf %dot_general3A_46, %add3A_50 : vector<64x6xf32>
    %reduce_max3A = arith.constant dense<0xFF800000> : vector<64xf32>
    %reduce_max3A_52 = vector.multi_reduction <maximumf>, %add3A_51, %reduce_max3A [1] : vector<64x6xf32> to vector<64xf32>
    %broadcast_in_dim3A_53 = vector.shape_cast %reduce_max3A_52 : vector<64xf32> to vector<64x1xf32>
    %sub3A = vector.broadcast %broadcast_in_dim3A_53 : vector<64x1xf32> to vector<64x6xf32>
    %sub3A_54 = arith.subf %add3A_51, %sub3A : vector<64x6xf32>
    %exp3A = math.exp %sub3A_54 : vector<64x6xf32>
    %reduce_sum3A_55 = arith.constant dense<0.000000e+00> : vector<64xf32>
    %reduce_sum3A_56 = vector.multi_reduction <add>, %exp3A, %reduce_sum3A_55 [1] : vector<64x6xf32> to vector<64xf32>
    %broadcast_in_dim3A_57 = vector.shape_cast %reduce_sum3A_56 : vector<64xf32> to vector<64x1xf32>
    %log3A = math.log %broadcast_in_dim3A_57 : vector<64x1xf32>
    %sub3A_58 = vector.broadcast %log3A : vector<64x1xf32> to vector<64x6xf32>
    %sub3A_59 = arith.subf %sub3A_54, %sub3A_58 : vector<64x6xf32>
    %swap3A = arith.constant 0 : index
    %swap3A_60 = arith.constant 0 : index
    %swap3A_61 = vector.load %arg8[%swap3A, %swap3A_60] : memref<64x6xf32, #tpu.memory_space<vmem>>, vector<64x6xf32>
    tpu.vector_store %arg8[%swap3A, %swap3A_60], %sub3A_59 {strides = array<i32>} : memref<64x6xf32, #tpu.memory_space<vmem>>, vector<64x6xf32>,
    return
  }
}

</mosaic_0001>

<sc_bundles>
// kernel: kernel.12.cloned.1.call-start
scs
__scs_entry_jumppad:
0x0: {  	(pc) =	sbr.rel $0x88, $3  }
0x1: {  	(tag) =	ssettag $0x0;
	lr =	simm.s32 $0x1  }
0x2: {  	[smem:$0x3F98] =	sst lr;
	_ =	strace $0xD0000000  }
0x3: {  	_ = 	snop  }
0x4: {  	_ = 	snop  }
0x5: {  	_ = 	snop  }
0x6: {  	_ = 	snop  }
0x7: {  	_ = 	snop  }
__scs_overlays_trampoline_lowered:
0x8: {  	[smem:$0x3FA7] =	sst s0  }
0x9: {  	[smem:$0x3FA8] =	sst s1  }
0xa: {  	[smem:$0x3FA9] =	sst s2  }
0xb: {  	[smem:$0x3FAA] =	sst s3  }
0xc: {  	[smem:$0x3FAB] =	sst s4  }
0xd: {  	[smem:$0x3FAC] =	sst s5  }
0xe: {  	[smem:$0x3FAD] =	sst s6  }
0xf: {  	[smem:$0x3FAE] =	sst s7  }
0x10: {  	[smem:$0x3FAF] =	sst s8  }
0x11: {  	[smem:$0x3FB0] =	sst s9;
	s0 =	simm.s32 @!p0 $0x0  }
0x12: {  	s1 =	sld [smem:$0x3F96];
	s0 =	simm.s32 @p0 $0x1  }
0x13: {  	[smem:$0x3FB1] =	sst s0;
	s0 =	simm.s32 @!p1 $0x0  }
0x14: {  	s2 =	sld [smem:$0x3F95];
	s0 =	simm.s32 @p1 $0x1  }
0x15: {  	[smem:$0x3FB2] =	sst s0;
	s0 =	simm.s32 @!p2 $0x0  }
0x16: {  	s3 =	sld [smem:$0x3FDB];
	s0 =	simm.s32 @p2 $0x1  }
0x17: {  	s4 =	simm.s32 $0x1BF5;
	[smem:$0x3FB4] =	sst s0  }
0x18: {  	s0 =	sld [smem:$0x3F97];
	_ =	swait.ge [sflag:s4], $0x0  }
0x19: {  	s7 =	sld [smem:$0x3F98]  }
0x1a: {  	s8 =	sadd.s32 $0xFFFFE003, lr  }
0x1b: {  	s9 =	sadd.s32 $0xFFFFFEF7, lr;
	s5 =	simm.s32 $0xFFFFFFFF;
	p2 =	slt.u32 s8, $0xFFFFF086  }
0x1c: {  	p1 =	slt.u32 s9, $0xF7A;
	s5 =	simm.s32 @!p2 $0x0  }
0x1d: {  	s5 =	simm.s32 @p1 $0x1;
	p0 =	seq.s32 s7, s2  }
0x1e: {  	s7 =	smul.u32 @!p0 $0xF7A, s2;
	p2 =	seq.s32 @!p0 s5, $0x0  }
0x1f: {  	s9 =	smul.u32 $0xF7A, s1;
	s8 =	simm.s32 @!p0 $0x1BF5;
	p2 =	por !p2, p0  }
0x20: {  	[sflag:s8] =	ssyncset.s32 @!p0 $0xFFFFF086;
	s6 =	sadd.s32 @!p0 s3, s7;
	s7 =	simm.s32 @!p0 $0x108  }
0x21: {  	s3 =	sadd.s32 s3, s9;
	s6 =	sadd.s32 @!p0 $0x88, s6;
	s7 =	simm.s32 @p2 $0x1082  }
0x22: {  	[simem:s7], [sflag:s8] =	dma.local @!p0 [hbm:s6], $0xF7A  }
0x23: {  	s9 =	sor.u32 $0xD0000000, s2;
	s6 =	simm.s32 $0x108;
	_ =	swait.ge @!p0 [sflag:s8], $0x0  }
0x24: {  	s3 =	sadd.s32 $0x88, s3;
	s6 =	simm.s32 @!p1 $0x1082;
	[sflag:s4] =	ssyncset.s32 $0xFFFFF086  }
0x25: {  	[simem:s6], [sflag:s4] =	dma.local [hbm:s3], $0xF7A  }
0x26: {  	[smem:$0x3F98] =	sst s1;
	(tag) =	ssettag s2;
	_ =	strace s9  }
0x27: {  	s1 =	sld [smem:$0x3FA8]  }
0x28: {  	s2 =	sld [smem:$0x3FA9]  }
0x29: {  	s4 =	sld [smem:$0x3FAB]  }
0x2a: {  	p0 =	seq.s32 s5, $0x0;
	s5 =	sld [smem:$0x3FAC]  }
0x2b: {  	s6 =	sld [smem:$0x3FAD]  }
0x2c: {  	s7 =	sld [smem:$0x3FAE]  }
0x2d: {  	s3 =	simm.s32 $0x108;
	s8 =	sld [smem:$0x3FAF]  }
0x2e: {  	s3 =	simm.s32 @!p0 $0x1082;
	s9 =	sld [smem:$0x3FB0]  }
0x2f: {  	lr =	sadd.s32 s0, s3;
	s0 =	sld [smem:$0x3FA7]  }
0x30: {  	s3 =	sld [smem:$0x3FAA]  }
0x31: {  	[smem:$0x3FB3] =	sst s10  }
0x32: {  	s10 =	sld [smem:$0x3FB1];
	_ =	sdelay $0x3  }
0x33: {  	p0 =	seq.s32 s10, $0x1;
	s10 =	sld [smem:$0x3FB3];
	_ =	sdelay $0x3  }
0x34: {  	[smem:$0x3FB3] =	sst s10  }
0x35: {  	s10 =	sld [smem:$0x3FB2];
	_ =	sdelay $0x3  }
0x36: {  	p1 =	seq.s32 s10, $0x1;
	s10 =	sld [smem:$0x3FB3];
	_ =	sdelay $0x3  }
0x37: {  	[smem:$0x3FB3] =	sst s10  }
0x38: {  	s10 =	sld [smem:$0x3FB4]  }
0x39: {  	_ = 	snop;
	(pc) =	sbr.ind lr, $3  }
0x3a: {  	_ = 	snop  }
0x3b: {  	_ = 	snop  }
0x3c: {  	p2 =	seq.s32 s10, $0x1;
	s10 =	sld [smem:$0x3FB3]  }
0x3d: {  	_ =	shalt  }
0x3e: {  	_ =	shalt  }
0x3f: {  	_ =	shalt  }
0x40: {  	_ =	shalt  }
0x41: {  	_ =	shalt  }
0x42: {  	_ =	shalt  }
0x43: {  	_ =	shalt  }
0x44: {  	_ =	shalt  }
0x45: {  	_ =	shalt  }
0x46: {  	_ =	shalt  }
0x47: {  	_ =	shalt  }
0x48: {  	_ =	shalt  }
0x49: {  	_ =	shalt  }
0x4a: {  	_ =	shalt  }
0x4b: {  	_ =	shalt  }
0x4c: {  	_ =	shalt  }
0x4d: {  	_ =	shalt  }
0x4e: {  	_ =	shalt  }
0x4f: {  	_ =	shalt  }
0x50: {  	_ =	shalt  }
0x51: {  	_ =	shalt  }
0x52: {  	_ =	shalt  }
0x53: {  	_ =	shalt  }
0x54: {  	_ =	shalt  }
0x55: {  	_ =	shalt  }
0x56: {  	_ =	shalt  }
0x57: {  	_ =	shalt  }
0x58: {  	_ =	shalt  }
0x59: {  	_ =	shalt  }
0x5a: {  	_ =	shalt  }
0x5b: {  	_ =	shalt  }
0x5c: {  	_ =	shalt  }
0x5d: {  	_ =	shalt  }
0x5e: {  	_ =	shalt  }
0x5f: {  	_ =	shalt  }
0x60: {  	_ =	shalt  }
0x61: {  	_ =	shalt  }
0x62: {  	_ =	shalt  }
0x63: {  	_ =	shalt  }
0x64: {  	_ =	shalt  }
0x65: {  	_ =	shalt  }
0x66: {  	_ =	shalt  }
0x67: {  	_ =	shalt  }
0x68: {  	_ =	shalt  }
0x69: {  	_ =	shalt  }
0x6a: {  	_ =	shalt  }
0x6b: {  	_ =	shalt  }
0x6c: {  	_ =	shalt  }
0x6d: {  	_ =	shalt  }
0x6e: {  	_ =	shalt  }
0x6f: {  	_ =	shalt  }
0x70: {  	_ =	shalt  }
0x71: {  	_ =	shalt  }
0x72: {  	_ =	shalt  }
0x73: {  	_ =	shalt  }
0x74: {  	_ =	shalt  }
0x75: {  	_ =	shalt  }
0x76: {  	_ =	shalt  }
0x77: {  	_ =	shalt  }
0x78: {  	_ =	shalt  }
0x79: {  	_ =	shalt  }
0x7a: {  	_ =	shalt  }
0x7b: {  	_ =	shalt  }
0x7c: {  	_ =	shalt  }
0x7d: {  	_ =	shalt  }
0x7e: {  	_ =	shalt  }
0x7f: {  	_ =	shalt  }
0x80: {  	_ =	shalt  }
0x81: {  	_ =	shalt  }
0x82: {  	_ =	shalt  }
0x83: {  	_ =	shalt  }
0x84: {  	_ =	shalt  }
0x85: {  	_ =	shalt  }
0x86: {  	_ =	shalt  }
0x87: {  	_ =	shalt  }
.Lfunc_end0:
.L_simem_size_0:
called_computation.1_lowered:
.L_overlay_start_0:
0x88: {  	s2 =	sld [smem:$0x3FD9]  }
0x89: {  	s3 =	sld [smem:$0x3FFE];
	_ =	sdelay $0x1  }
0x8a: {  	s1 =	srdreg.scid  }
0x8b: {  	s0 =	sand.u32 $0x1, s1  }
0x8c: {  	s16 =	sshll.u32 s0, $0xA;
	s2 =	sadd.s32 s3, s2  }
0x8d: {  	s2 =	sadd.s32 s2, s16  }
0x8e: {  	[smem:$0x3FBF] =	sst s2  }
0x8f: {  	_ = 	snop  }
0x90: {  	(tm) =	ssettm $0x1  }
0x91: {  	s17 =	sld [smem:$0x3FFB];
	_ =	sdelay $0x3  }
0x92: {  	_ =	strace s17  }
0x93: {  	s2 =	sld [smem:$0x3FFC];
	_ =	sdelay $0x3  }
0x94: {  	_ =	strace s2  }
0x95: {  	s2 =	sld [smem:$0x3FFD];
	_ =	sdelay $0x3  }
0x96: {  	_ =	strace s2  }
0x97: {  	_ =	strace $0x8FFFFFFF  }
0x98: {  	s18 =	sld [smem:$0x3FDB];
	_ =	sdelay $0x1  }
0x99: {  	s19 =	simm.s32 $_scs_section_size  }
0x9a: {  	s4 =	simm.s32 $_size__tile_overlayer_lowered;
	s5 =	simm.s32 $_tile_overlayer_lowered  }
0x9b: {  	s22 =	simm.s32 $0x1BFF;
	s21 =	sshll.u32 s5, $0x1;
	s2 =	sadd.s32 s19, s18  }
0x9c: {  	s6 =	simm.s32 $0x0;
	s20 =	sshll.u32 s4, $0x1;
	s4 =	sadd.s32 s21, s2  }
0x9d: {  	[timem:s6], [sflag:s22] =	dma.local [hbm:s4], s20  }
0x9e: {  	_ =	swait.ge [sflag:s22], s20  }
0x9f: {  	s3 =	ssub.s32 $0x0, s20;
	[sflag:s22] =	ssyncset.done $0x0  }
0xa0: {  	[sflag:s22] =	ssyncadd.s32 s3;
	_ =	sdelay $0x1  }
0xa1: {  	s23 =	simm.s32 $0x1B8B  }
0xa2: {  	_ =	swait.ge [sflag:s23], $0x1  }
0xa3: {  	[sflag:s23] =	ssyncset.done $0x0  }
0xa4: {  	s25 =	simm.s32 $0x1B8E;
	s24 =	sld [smem:$0x3FFE];
	[sflag:s23] =	ssyncadd.s32 $0xFFFFFFFF  }
0xa5: {  	s26 =	simm.s32 $execute0_lowered;
	[smem:$0x3FD2] =	sst s25  }
0xa6: {  	s4 =	sshll.u32 s26, $0x1;
	_ =	strace $0x80000049;
	[dreg:$0x1] =	wrdreg $0xFFFFFFFF  }
0xa7: {  	s28 =	simm.s32 $_size_execute0_lowered;
	s2 =	sadd.s32 s2, s4;
	[dreg:$0x0] =	wrdreg $0x0  }
0xa8: {  	s4 =	sshll.u32 s28, $0x1;
	[dreg:$0x2] =	wrdreg s2  }
0xa9: {  	[dreg:$0x3] =	wrdreg s4  }
0xaa: {  	[dreg:$0x4] =	wrdreg $0xC0  }
0xab: {  	_ =	task [dreg:s6], $0x5FFFF  }
0xac: {  	[dreg:$0x1] =	wrdreg $0xFFFFFFFF  }
0xad: {  	[dreg:$0x0] =	wrdreg $0x60  }
0xae: {  	[dreg:$0x2] =	wrdreg s24  }
0xaf: {  	[dreg:$0x3] =	wrdreg $0x9E200  }
0xb0: {  	[dreg:$0x4] =	wrdreg $0x9  }
0xb1: {  	_ =	task.clear_ibuf [dreg:s6], $0x5FFFF;
	_ =	strace $0x90000049  }
0xb2: {  	s29 =	simm.s32 $0x9;
	_ =	strace $0x8000004B  }
0xb3: {  	_ =	swait.ge [sflag:s29], $0x1  }
0xb4: {  	[sflag:s29] =	ssyncadd.s32 $0xFFFFFFFF  }
0xb5: {  	_ =	strace $0x9000004B  }
0xb6: {  	_ =	sfence  }
0xb7: {  	s30 =	sld [smem:$0x0];
	_ =	sdelay $0x2  }
0xb8: {  	s31 =	sshll.u32 s1, $0xD;
	s1 =	sshrl.u32 s1, $0x2  }
0xb9: {  	s3 =	sand.u32 $0x4000, s31;
	s1 =	sadd.s32 s1, s30  }
0xba: {  	s0 =	sor.u32 s3, s0;
	s1 =	sshll.u32 s1, $0x11  }
0xbb: {  	s0 =	sor.u32 s1, s0  }
0xbc: {  	s0 =	sadd.s32 $0x8F2B, s0  }
0xbd: {  	[sflag:s0] =	ssyncadd.remote.s32 $0x1  }
0xbe: {  	_ =	sfence.sel $0xFFFF  }
0xbf: {  	[dreg:$0x0] =	wrdreg $0xFFFFFFFF;
	(pc) =	sbr.abs _section_cstart, $3  }
0xc0: {  	[dreg:$0x1] =	wrdreg $0xFFFFFFFF  }
0xc1: {  	_ =	task.clear_ibuf [dreg:s6], $0x2FFFF;
	_ =	strace $0x9FFFFFFF  }
0xc2: {  	(tm) =	ssettm $0x7FFFFFFF  }
0xc3: {  	_ =	shalt  }
tec
execute0_lowered:
.L_overlay_start_1:
0x0: {  	(tag) =	ssettag $0x1  }
0x1: {  	s0 =	srdreg.scid  }
0x2: {  	s7 =	stileid.u32;
	s1 =	rddreg [dreg:$0x0]  }
0x3: {  	s2 =	rddreg [dreg:$0x1];
	s4 =	simm.s32 $0x0;
	s17 =	simm.s32 $0x2710  }
0x4: {  	s18 =	simm.s32 $0x4E20;
	s19 =	simm.s32 $0x6220;
	s20 =	simm.s32 $0x7620  }
0x5: {  	s21 =	simm.s32 $0x8A20;
	s22 =	simm.s32 $0x9;
	s28 =	simm.s32 $0x2  }
0x6: {  	s29 =	simm.s32 $0x5;
	s30 =	simm.s32 $0x3;
	s31 =	simm.s32 $0x6  }
0x7: {  	s0 =	sand.u32 $0x1, s0;
	s3 =	sshll.u32 s7, $0x1;
	s5 =	smul.u32 $0x1400, s7  }
0x8: {  	[smem:$0x7FF] =	sst s4;
	s4 =	sadd.s32 $0x16600, s1;
	s7 =	smul.u32 $0x28000, s7  }
0x9: {  	s3 =	sor.u32 s0, s3;
	s6 =	smul.u32 $0x14000, s0;
	s0 =	ssub.s32 $0x2, s0  }
0xa: {  	_ =	strace $0x8000004A;
	s3 =	smul.u32 $0x4E2, s3;
	s23 =	sshrl.u32 s0, $0x1  }
0xb: {  	s24 =	sshrl.u32 s7, $0x2;
	s5 =	sadd.s32 s5, s6;
	s0 =	ssub.s32 s0, s23  }
0xc: {  	s7 =	sadd.s32 s24, s2;
	s23 =	simm.s32 $0x50;
	s24 =	simm.s32 $0x8  }
0xd: {  	s3 =	sadd.s32 s3, s1;
	s1 =	sadd.s32 s5, s1;
	s26 =	sadd.s32 $0x1400, s7  }
0xe: {  	s9 =	sadd.s32 $0x2800, s7;
	s10 =	sadd.s32 $0x3C00, s7;
	s11 =	sadd.s32 $0x5000, s7  }
0xf: {  	s12 =	sadd.s32 $0x6400, s7;
	s13 =	sadd.s32 $0x7800, s7;
	s14 =	sadd.s32 $0x8C00, s7  }
0x10: {  	s16 =	smax.u32 s0, $0x1;
	s0 =	simm.s32 $0x7;
	s25 =	sadd.s32 $0x2C00, s3  }
0x11: {  	s3 =	sadd.s32 $0xC840, s3;
	[dreg:$0x5] =	wrdreg s26;
	s15 =	sadd.s32 $0x2A000, s1  }
0x12: {  	s1 =	simm.s32 $0x4;
	s26 =	simm.s32 $0xA;
	[dreg:$0x3] =	wrdreg s25  }
0x13: {  	v0 =	vimm.f32 $0.0e+00;
	[dreg:$0x4] =	wrdreg s3;
	s25 =	simm.s32 $0x1;
	s3 =	simm.s32 $0x0  }
.LBB2_1:
0x14: {  	s5 =	simm.s32 $0x0;
	s6 =	rddreg [dreg:$0x3]  }
0x15: {  	[tilespmem:s5], [sflag:$0x9] =	stream.linear.gather [hbm4b:s6+s5], $0x2710, $0x38;
	[tilespmem:$0x13E20] =	vst v63  }
0x16: {  	s8 =	rddreg [dreg:$0x4]  }
0x17: {  	[tilespmem:s17], [sflag:$0x9] =	stream.linear.gather [hbm4b:s8+s5], $0x2710, $0x38;
	[tilespmem:$0x13E20] =	vst v63  }
0x18: {  	s6 =	simm.s32 $0x100;
	s5 =	simm.s32 $0x0  }
.LBB2_2:
0x19: {  	p0 =	sne.s32 s6, $0x4F00;
	[tilespmem:s5+$0x8A50] =	vst v0  }
0x1a: {  	[tilespmem:s5+$0x4E20] =	vst v0  }
0x1b: {  	[tilespmem:s5+$0x4E30] =	vst v0  }
0x1c: {  	[tilespmem:s5+$0x4E40] =	vst v0  }
0x1d: {  	[tilespmem:s5+$0x4E50] =	vst v0  }
0x1e: {  	[tilespmem:s5+$0x6220] =	vst v0  }
0x1f: {  	[tilespmem:s5+$0x6230] =	vst v0  }
0x20: {  	[tilespmem:s5+$0x6240] =	vst v0  }
0x21: {  	[tilespmem:s5+$0x6250] =	vst v0  }
0x22: {  	[tilespmem:s5+$0x7620] =	vst v0  }
0x23: {  	[tilespmem:s5+$0x7630] =	vst v0  }
.Ltmp0:
0x24: {  	[tilespmem:s5+$0x7640] =	vst v0;
	(pc) =	sbr.rel @p0 .LBB2_2-.Ltmp0, $4  }
0x25: {  	[tilespmem:s5+$0x7650] =	vst v0  }
0x26: {  	[tilespmem:s5+$0x8A20] =	vst v0  }
0x27: {  	[tilespmem:s5+$0x8A30] =	vst v0  }
0x28: {  	[tilespmem:s5+$0x8A40] =	vst v0;
	s5 =	sshra.s32 s6, $0x2;
	s6 =	sadd.s32 $0x100, s6  }
0x29: {  	[tilespmem:s5+$0x8A50] =	vst v0  }
0x2a: {  	[tilespmem:s5+$0x4E20] =	vst v0  }
0x2b: {  	[tilespmem:s5+$0x4E30] =	vst v0  }
0x2c: {  	[tilespmem:s5+$0x4E40] =	vst v0  }
0x2d: {  	[tilespmem:s5+$0x4E50] =	vst v0  }
0x2e: {  	[tilespmem:s5+$0x6220] =	vst v0  }
0x2f: {  	[tilespmem:s5+$0x6230] =	vst v0  }
0x30: {  	[tilespmem:s5+$0x6240] =	vst v0  }
0x31: {  	[tilespmem:s5+$0x6250] =	vst v0  }
0x32: {  	[tilespmem:s5+$0x7620] =	vst v0  }
0x33: {  	[tilespmem:s5+$0x7630] =	vst v0  }
0x34: {  	[tilespmem:s5+$0x7640] =	vst v0  }
0x35: {  	[tilespmem:s5+$0x7650] =	vst v0  }
0x36: {  	[tilespmem:s5+$0x8A20] =	vst v0  }
0x37: {  	[tilespmem:s5+$0x8A30] =	vst v0  }
0x38: {  	[tilespmem:s5+$0x8A40] =	vst v0  }
0x39: {  	[spmem:s7] =	stream.linear.scatter [tilespmem:s18], [sflag:$0x9], $0x1400, $0x38;
	[tilespmem:$0x13E20] =	vst v63  }
0x3a: {  	s8 =	rddreg [dreg:$0x5]  }
0x3b: {  	[spmem:s8] =	stream.linear.scatter [tilespmem:s19], [sflag:$0x9], $0x1400, $0x38;
	[tilespmem:$0x13E20] =	vst v63  }
0x3c: {  	_ = 	snop  }
0x3d: {  	[spmem:s9] =	stream.linear.scatter [tilespmem:s20], [sflag:$0x9], $0x1400, $0x38;
	[tilespmem:$0x13E20] =	vst v63  }
0x3e: {  	_ = 	snop  }
0x3f: {  	[spmem:s10] =	stream.linear.scatter [tilespmem:s21], [sflag:$0x9], $0x1400, $0x38;
	[tilespmem:$0x13E20] =	vst v63  }
0x40: {  	_ = 	snop  }
0x41: {  	[spmem:s11] =	stream.linear.scatter [tilespmem:s18], [sflag:$0x9], $0x1400, $0x38;
	[tilespmem:$0x13E20] =	vst v63  }
0x42: {  	_ = 	snop  }
0x43: {  	[spmem:s12] =	stream.linear.scatter [tilespmem:s19], [sflag:$0x9], $0x1400, $0x38;
	[tilespmem:$0x13E20] =	vst v63  }
0x44: {  	_ = 	snop  }
0x45: {  	[spmem:s13] =	stream.linear.scatter [tilespmem:s20], [sflag:$0x9], $0x1400, $0x38;
	[tilespmem:$0x13E20] =	vst v63  }
0x46: {  	_ = 	snop  }
0x47: {  	[spmem:s14] =	stream.linear.scatter [tilespmem:s21], [sflag:$0x9], $0x1400, $0x38;
	[tilespmem:$0x13E20] =	vst v63  }
0x48: {  	_ =	swait.ge [sflag:s22], $0x1400  }
0x49: {  	[sflag:s22] =	ssyncset.done $0x0  }
0x4a: {  	[sflag:s22] =	ssyncadd.s32 $0xFFFFEC00  }
0x4b: {  	_ =	swait.ge [sflag:s22], $0x1400  }
0x4c: {  	[sflag:s22] =	ssyncset.done $0x0  }
0x4d: {  	[sflag:s22] =	ssyncadd.s32 $0xFFFFEC00  }
0x4e: {  	_ =	swait.ge [sflag:s22], $0x1400  }
0x4f: {  	[sflag:s22] =	ssyncset.done $0x0  }
0x50: {  	[sflag:s22] =	ssyncadd.s32 $0xFFFFEC00  }
0x51: {  	_ =	swait.ge [sflag:s22], $0x1400  }
0x52: {  	[sflag:s22] =	ssyncset.done $0x0  }
0x53: {  	[sflag:s22] =	ssyncadd.s32 $0xFFFFEC00  }
0x54: {  	_ =	swait.ge [sflag:s22], $0x1400  }
0x55: {  	[sflag:s22] =	ssyncset.done $0x0  }
0x56: {  	[sflag:s22] =	ssyncadd.s32 $0xFFFFEC00  }
0x57: {  	_ =	swait.ge [sflag:s22], $0x1400  }
0x58: {  	[sflag:s22] =	ssyncset.done $0x0  }
0x59: {  	[sflag:s22] =	ssyncadd.s32 $0xFFFFEC00  }
0x5a: {  	_ =	swait.ge [sflag:s22], $0x1400  }
0x5b: {  	[sflag:s22] =	ssyncset.done $0x0  }
0x5c: {  	[sflag:s22] =	ssyncadd.s32 $0xFFFFEC00  }
0x5d: {  	_ =	swait.ge [sflag:s22], $0x1400  }
0x5e: {  	[sflag:s22] =	ssyncset.done $0x0  }
0x5f: {  	[sflag:s22] =	ssyncadd.s32 $0xFFFFEC00  }
0x60: {  	_ =	swait.ge [sflag:s22], $0x2710  }
0x61: {  	[sflag:s22] =	ssyncset.done $0x0  }
0x62: {  	[sflag:s22] =	ssyncadd.s32 $0xFFFFD8F0  }
0x63: {  	_ =	swait.ge [sflag:s22], $0x2710  }
0x64: {  	[sflag:s22] =	ssyncset.done $0x0  }
0x65: {  	[sflag:s22] =	ssyncadd.s32 $0xFFFFD8F0  }
0x66: {  	s6 =	simm.s32 $0x0;
	[bflag:$0x0] =	sbarrier.arrive $0xFFFF  }
0x67: {  	[tilespmem:s18], [sflag:$0x1] =	stream.indirect.gather [hbm4b:s4+s23], $0x40, s6, s23, $0xb8;
	[tilespmem:$0x13E20] =	vst v63  }
0x68: {  	_ = 	snop  }
0x69: {  	[tilespmem:s19], [sflag:$0x2] =	stream.indirect.gather [hbm4b:s4+s23], $0x40, s23, s23, $0xb8;
	[tilespmem:$0x13E20] =	vst v63  }
0x6a: {  	s8 =	simm.s32 $0xA0  }
0x6b: {  	[tilespmem:s20], [sflag:$0x3] =	stream.indirect.gather [hbm4b:s4+s23], $0x40, s8, s23, $0xb8;
	[tilespmem:$0x13E20] =	vst v63  }
0x6c: {  	_ =	swait.ge [sflag:s25], $0x1400  }
0x6d: {  	[sflag:s25] =	ssyncset.done $0x0  }
0x6e: {  	[sflag:s25] =	ssyncadd.s32 $0xFFFFEC00  }
0x6f: {  	[spmem:s2] =	stream.indirect.scatter.add.f32 [tilespmem:s18], [sflag:$0x5], $0x40, s17, s23, $0xb8;
	[tilespmem:$0x13E20] =	vst v63  }
0x70: {  	s6 =	simm.s32 $0xF0  }
0x71: {  	[tilespmem:s21], [sflag:$0x4] =	stream.indirect.gather [hbm4b:s4+s23], $0x40, s6, s23, $0xb8;
	[tilespmem:$0x13E20] =	vst v63  }
0x72: {  	_ =	swait.ge [sflag:s28], $0x1400  }
0x73: {  	[sflag:s28] =	ssyncset.done $0x0  }
0x74: {  	s8 =	simm.s32 $0x2760;
	[sflag:s28] =	ssyncadd.s32 $0xFFFFEC00  }
0x75: {  	[spmem:s2] =	stream.indirect.scatter.add.f32 [tilespmem:s19], [sflag:$0x6], $0x40, s8, s23, $0xb8;
	[tilespmem:$0x13E20] =	vst v63  }
0x76: {  	_ =	swait.ge [sflag:s29], $0x1400  }
0x77: {  	[sflag:s29] =	ssyncset.done $0x0  }
0x78: {  	s6 =	simm.s32 $0x140;
	[sflag:s29] =	ssyncadd.s32 $0xFFFFEC00  }
0x79: {  	[tilespmem:s18], [sflag:$0x1] =	stream.indirect.gather [hbm4b:s4+s23], $0x40, s6, s23, $0xb8;
	[tilespmem:$0x13E20] =	vst v63  }
0x7a: {  	_ =	swait.ge [sflag:s30], $0x1400  }
0x7b: {  	[sflag:s30] =	ssyncset.done $0x0  }
0x7c: {  	s8 =	simm.s32 $0x27B0;
	[sflag:s30] =	ssyncadd.s32 $0xFFFFEC00  }
0x7d: {  	[spmem:s2] =	stream.indirect.scatter.add.f32 [tilespmem:s20], [sflag:$0x7], $0x40, s8, s23, $0xb8;
	[tilespmem:$0x13E20] =	vst v63  }
0x7e: {  	_ =	swait.ge [sflag:s31], $0x1400  }
0x7f: {  	[sflag:s31] =	ssyncset.done $0x0  }
0x80: {  	s6 =	simm.s32 $0x190;
	[sflag:s31] =	ssyncadd.s32 $0xFFFFEC00  }
0x81: {  	[tilespmem:s19], [sflag:$0x2] =	stream.indirect.gather [hbm4b:s4+s23], $0x40, s6, s23, $0xb8;
	[tilespmem:$0x13E20] =	vst v63  }
0x82: {  	_ =	swait.ge [sflag:s1], $0x1400  }
0x83: {  	[sflag:s1] =	ssyncset.done $0x0  }
0x84: {  	s8 =	simm.s32 $0x2800;
	[sflag:s1] =	ssyncadd.s32 $0xFFFFEC00  }
0x85: {  	[spmem:s2] =	stream.indirect.scatter.add.f32 [tilespmem:s21], [sflag:$0x8], $0x40, s8, s23, $0xb8;
	[tilespmem:$0x13E20] =	vst v63  }
0x86: {  	_ =	swait.ge [sflag:s0], $0x1400  }
0x87: {  	[sflag:s0] =	ssyncset.done $0x0  }
0x88: {  	s6 =	simm.s32 $0x1E0;
	[sflag:s0] =	ssyncadd.s32 $0xFFFFEC00  }
0x89: {  	[tilespmem:s20], [sflag:$0x3] =	stream.indirect.gather [hbm4b:s4+s23], $0x40, s6, s23, $0xb8;
	[tilespmem:$0x13E20] =	vst v63  }
0x8a: {  	_ =	swait.ge [sflag:s25], $0x1400  }
0x8b: {  	[sflag:s25] =	ssyncset.done $0x0  }
0x8c: {  	s8 =	simm.s32 $0x2850;
	[sflag:s25] =	ssyncadd.s32 $0xFFFFEC00  }
0x8d: {  	[spmem:s2] =	stream.indirect.scatter.add.f32 [tilespmem:s18], [sflag:$0x5], $0x40, s8, s23, $0xb8;
	[tilespmem:$0x13E20] =	vst v63  }
0x8e: {  	_ =	swait.ge [sflag:s24], $0x1400  }
0x8f: {  	[sflag:s24] =	ssyncset.done $0x0  }
0x90: {  	s5 =	simm.s32 $0x500;
	s6 =	simm.s32 $0x230;
	[sflag:s24] =	ssyncadd.s32 $0xFFFFEC00  }
.LBB2_4:
0x91: {  	[tilespmem:s21], [sflag:$0x4] =	stream.indirect.gather [hbm4b:s4+s23], $0x40, s6, s23, $0xb8;
	[tilespmem:$0x13E20] =	vst v63  }
0x92: {  	s6 =	smov.u32 s5  }
0x93: {  	p0 =	sne.s32 s5, $0x9100;
	s5 =	sadd.s32 $0x500, s5;
	_ =	swait.ge [sflag:s28], $0x1400  }
0x94: {  	s6 =	sshra.s32 s6, $0x2;
	[sflag:s28] =	ssyncset.done $0x0  }
0x95: {  	s8 =	sadd.s32 $0x2760, s6;
	[sflag:s28] =	ssyncadd.s32 $0xFFFFEC00  }
0x96: {  	[spmem:s2] =	stream.indirect.scatter.add.f32 [tilespmem:s19], [sflag:$0x6], $0x40, s8, s23, $0xb8;
	[tilespmem:$0x13E20] =	vst v63  }
0x97: {  	_ =	swait.ge [sflag:s29], $0x1400  }
0x98: {  	[sflag:s29] =	ssyncset.done $0x0  }
0x99: {  	s8 =	sadd.s32 $0x140, s6;
	[sflag:s29] =	ssyncadd.s32 $0xFFFFEC00  }
0x9a: {  	[tilespmem:s18], [sflag:$0x1] =	stream.indirect.gather [hbm4b:s4+s23], $0x40, s8, s23, $0xb8;
	[tilespmem:$0x13E20] =	vst v63  }
0x9b: {  	_ =	swait.ge [sflag:s30], $0x1400  }
0x9c: {  	[sflag:s30] =	ssyncset.done $0x0  }
0x9d: {  	s8 =	sadd.s32 $0x27B0, s6;
	[sflag:s30] =	ssyncadd.s32 $0xFFFFEC00  }
0x9e: {  	[spmem:s2] =	stream.indirect.scatter.add.f32 [tilespmem:s20], [sflag:$0x7], $0x40, s8, s23, $0xb8;
	[tilespmem:$0x13E20] =	vst v63  }
0x9f: {  	_ =	swait.ge [sflag:s31], $0x1400  }
0xa0: {  	[sflag:s31] =	ssyncset.done $0x0  }
0xa1: {  	s8 =	sadd.s32 $0x190, s6;
	[sflag:s31] =	ssyncadd.s32 $0xFFFFEC00  }
0xa2: {  	[tilespmem:s19], [sflag:$0x2] =	stream.indirect.gather [hbm4b:s4+s23], $0x40, s8, s23, $0xb8;
	[tilespmem:$0x13E20] =	vst v63  }
0xa3: {  	_ =	swait.ge [sflag:s1], $0x1400  }
0xa4: {  	[sflag:s1] =	ssyncset.done $0x0  }
0xa5: {  	s8 =	sadd.s32 $0x2800, s6;
	[sflag:s1] =	ssyncadd.s32 $0xFFFFEC00  }
0xa6: {  	[spmem:s2] =	stream.indirect.scatter.add.f32 [tilespmem:s21], [sflag:$0x8], $0x40, s8, s23, $0xb8;
	[tilespmem:$0x13E20] =	vst v63  }
0xa7: {  	_ =	swait.ge [sflag:s0], $0x1400  }
0xa8: {  	[sflag:s0] =	ssyncset.done $0x0  }
0xa9: {  	s8 =	sadd.s32 $0x1E0, s6;
	[sflag:s0] =	ssyncadd.s32 $0xFFFFEC00  }
0xaa: {  	[tilespmem:s20], [sflag:$0x3] =	stream.indirect.gather [hbm4b:s4+s23], $0x40, s8, s23, $0xb8;
	[tilespmem:$0x13E20] =	vst v63  }
0xab: {  	_ =	swait.ge [sflag:s25], $0x1400  }
0xac: {  	[sflag:s25] =	ssyncset.done $0x0  }
.Ltmp1:
0xad: {  	s8 =	sadd.s32 $0x2850, s6;
	[sflag:s25] =	ssyncadd.s32 $0xFFFFEC00;
	(pc) =	sbr.rel @p0 .LBB2_4-.Ltmp1, $4  }
0xae: {  	[spmem:s2] =	stream.indirect.scatter.add.f32 [tilespmem:s18], [sflag:$0x5], $0x40, s8, s23, $0xb8;
	[tilespmem:$0x13E20] =	vst v63  }
0xaf: {  	_ =	swait.ge [sflag:s24], $0x1400  }
0xb0: {  	[sflag:s24] =	ssyncset.done $0x0  }
0xb1: {  	s6 =	sadd.s32 $0x230, s6;
	[sflag:s24] =	ssyncadd.s32 $0xFFFFEC00  }
0xb2: {  	[tilespmem:s21], [sflag:$0x4] =	stream.indirect.gather [hbm4b:s4+s23], $0x40, s6, s23, $0xb8;
	[tilespmem:$0x13E20] =	vst v63  }
0xb3: {  	_ =	swait.ge [sflag:s28], $0x1400  }
0xb4: {  	[sflag:s28] =	ssyncset.done $0x0  }
0xb5: {  	s5 =	simm.s32 $0x4CE0;
	[sflag:s28] =	ssyncadd.s32 $0xFFFFEC00  }
0xb6: {  	[spmem:s2] =	stream.indirect.scatter.add.f32 [tilespmem:s19], [sflag:$0x6], $0x40, s5, s23, $0xb8;
	[tilespmem:$0x13E20] =	vst v63  }
0xb7: {  	_ =	swait.ge [sflag:s29], $0x1400  }
0xb8: {  	[sflag:s29] =	ssyncset.done $0x0  }
0xb9: {  	s6 =	simm.s32 $0x26C0;
	[sflag:s29] =	ssyncadd.s32 $0xFFFFEC00  }
0xba: {  	[tilespmem:s18], [sflag:$0x1] =	stream.indirect.gather [hbm4b:s4+s23], $0x40, s6, s23, $0xb8;
	[tilespmem:$0x13E20] =	vst v63  }
0xbb: {  	_ =	swait.ge [sflag:s30], $0x1400  }
0xbc: {  	[sflag:s30] =	ssyncset.done $0x0  }
0xbd: {  	s8 =	simm.s32 $0x4D30;
	[sflag:s30] =	ssyncadd.s32 $0xFFFFEC00  }
0xbe: {  	[spmem:s2] =	stream.indirect.scatter.add.f32 [tilespmem:s20], [sflag:$0x7], $0x40, s8, s23, $0xb8;
	[tilespmem:$0x13E20] =	vst v63  }
0xbf: {  	_ =	swait.ge [sflag:s31], $0x1400  }
0xc0: {  	[sflag:s31] =	ssyncset.done $0x0  }
0xc1: {  	[sflag:s31] =	ssyncadd.s32 $0xFFFFEC00  }
0xc2: {  	_ =	swait.ge [sflag:s1], $0x1400  }
0xc3: {  	[sflag:s1] =	ssyncset.done $0x0  }
0xc4: {  	s6 =	simm.s32 $0x4D80;
	[sflag:s1] =	ssyncadd.s32 $0xFFFFEC00  }
0xc5: {  	[spmem:s2] =	stream.indirect.scatter.add.f32 [tilespmem:s21], [sflag:$0x8], $0x40, s6, s23, $0xb8;
	[tilespmem:$0x13E20] =	vst v63  }
0xc6: {  	_ =	swait.ge [sflag:s0], $0x1400  }
0xc7: {  	[sflag:s0] =	ssyncset.done $0x0  }
0xc8: {  	[sflag:s0] =	ssyncadd.s32 $0xFFFFEC00  }
0xc9: {  	_ =	swait.ge [sflag:s25], $0x1400  }
0xca: {  	[sflag:s25] =	ssyncset.done $0x0  }
0xcb: {  	s8 =	simm.s32 $0x4DD0;
	[sflag:s25] =	ssyncadd.s32 $0xFFFFEC00  }
0xcc: {  	[spmem:s2] =	stream.indirect.scatter.add.f32 [tilespmem:s18], [sflag:$0x5], $0x40, s8, s23, $0xb8;
	[tilespmem:$0x13E20] =	vst v63  }
0xcd: {  	_ =	swait.ge [sflag:s24], $0x1400  }
0xce: {  	[sflag:s24] =	ssyncset.done $0x0  }
0xcf: {  	[sflag:s24] =	ssyncadd.s32 $0xFFFFEC00  }
0xd0: {  	s6 =	stileid.u32;
	_ =	swait.ge [sflag:s29], $0x1400  }
0xd1: {  	s3 =	sadd.s32 $0x1, s3;
	s5 =	sshll.u32 s6, $0x6;
	[sflag:s29] =	ssyncset.done $0x0  }
0xd2: {  	p0 =	sne.s32 s3, s16;
	s5 =	sor.u32 $0x1C0A, s5;
	[sflag:s29] =	ssyncadd.s32 $0xFFFFEC00  }
.Ltmp2:
0xd3: {  	s8 =	sshrl.u32 s7, $0x3;
	[bflag:$0x0] =	sbarrier.arrive $0xFFFF;
	(pc) =	sbr.rel @p0 .LBB2_1-.Ltmp2, $4  }
0xd4: {  	[hbm:s15], [sflag:s5] =	dma.local [spmem:s8], $0x1400  }
0xd5: {  	_ =	swait.ge [sflag:s26], $0x1400  }
0xd6: {  	[sflag:s26] =	ssyncset.done $0x0  }
0xd7: {  	[sflag:s26] =	ssyncadd.s32 $0xFFFFEC00  }
0xd8: {  	_ =	sfence.sel $0x180000  }
0xd9: {  	[bflag:$0x0] =	sbarrier.arrive $0xFFFF  }
0xda: {  	_ =	strace $0x9000004A  }
0xdb: {  	s0 =	stileid.u32;
	[bflag:$0x2] =	sbarrier.arrive $0xFFFF  }
0xdc: {  	p0 =	sne.s32 s0, $0x0;
	s0 =	rddreg [dreg:$0x2]  }
0xdd: {  	s0 =	sadd.s32 @!p0 $0x100000, s0  }
0xde: {  	[sflag:s0] =	ssyncadd.tile.s32 @!p0 $0x1;
	_ =	shalt  }
.Lfunc_end2:
_tile_overlayer_lowered:
.L_overlay_start_2:
0xdf: {  	(tag) =	ssettag $0x2  }
0xe0: {  	s0 =	rddreg [dreg:$0x0];
	s2 =	stileid.u32  }
0xe1: {  	s1 =	rddreg [dreg:$0x1];
	p0 =	sne.s32 s2, $0x0  }
0xe2: {  	s3 =	rddreg [dreg:$0x2];
	[bflag:$0x3] =	sbarrier.arrive $0xFFFF;
	s2 =	simm.s32 @!p0 $0x1C0A  }
0xe3: {  	[timem:s3], [sflag:s2] =	dma.local @!p0 [hbm:s0], s1  }
0xe4: {  	s0 =	simm.s32 @!p0 $0xA  }
0xe5: {  	_ =	swait.ge @!p0 [sflag:s0], s1  }
0xe6: {  	s1 =	ssub.s32 @!p0 $0x0, s1;
	[sflag:s0] =	ssyncset.done @!p0 $0x0  }
0xe7: {  	[sflag:s0] =	ssyncadd.s32 @!p0 s1  }
0xe8: {  	[bflag:$0x3] =	sbarrier.arrive $0xFFFF  }
0xe9: {  	_ =	shalt  }

// kernel: kernel.15.cloned.1.call-start
scs
__scs_entry_jumppad:
0x0: {  	(pc) =	sbr.rel $0x88, $3  }
0x1: {  	(tag) =	ssettag $0x0;
	lr =	simm.s32 $0x1  }
0x2: {  	[smem:$0x3F98] =	sst lr;
	_ =	strace $0xD0000000  }
0x3: {  	_ = 	snop  }
0x4: {  	_ = 	snop  }
0x5: {  	_ = 	snop  }
0x6: {  	_ = 	snop  }
0x7: {  	_ = 	snop  }
__scs_overlays_trampoline_lowered:
0x8: {  	[smem:$0x3FA7] =	sst s0  }
0x9: {  	[smem:$0x3FA8] =	sst s1  }
0xa: {  	[smem:$0x3FA9] =	sst s2  }
0xb: {  	[smem:$0x3FAA] =	sst s3  }
0xc: {  	[smem:$0x3FAB] =	sst s4  }
0xd: {  	[smem:$0x3FAC] =	sst s5  }
0xe: {  	[smem:$0x3FAD] =	sst s6  }
0xf: {  	[smem:$0x3FAE] =	sst s7  }
0x10: {  	[smem:$0x3FAF] =	sst s8  }
0x11: {  	[smem:$0x3FB0] =	sst s9;
	s0 =	simm.s32 @!p0 $0x0  }
0x12: {  	s1 =	sld [smem:$0x3F96];
	s0 =	simm.s32 @p0 $0x1  }
0x13: {  	[smem:$0x3FB1] =	sst s0;
	s0 =	simm.s32 @!p1 $0x0  }
0x14: {  	s2 =	sld [smem:$0x3F95];
	s0 =	simm.s32 @p1 $0x1  }
0x15: {  	[smem:$0x3FB2] =	sst s0;
	s0 =	simm.s32 @!p2 $0x0  }
0x16: {  	s3 =	sld [smem:$0x3FDB];
	s0 =	simm.s32 @p2 $0x1  }
0x17: {  	s4 =	simm.s32 $0x1BF5;
	[smem:$0x3FB4] =	sst s0  }
0x18: {  	s0 =	sld [smem:$0x3F97];
	_ =	swait.ge [sflag:s4], $0x0  }
0x19: {  	s7 =	sld [smem:$0x3F98]  }
0x1a: {  	s8 =	sadd.s32 $0xFFFFE003, lr  }
0x1b: {  	s9 =	sadd.s32 $0xFFFFFEF7, lr;
	s5 =	simm.s32 $0xFFFFFFFF;
	p2 =	slt.u32 s8, $0xFFFFF086  }
0x1c: {  	p1 =	slt.u32 s9, $0xF7A;
	s5 =	simm.s32 @!p2 $0x0  }
0x1d: {  	s5 =	simm.s32 @p1 $0x1;
	p0 =	seq.s32 s7, s2  }
0x1e: {  	s7 =	smul.u32 @!p0 $0xF7A, s2;
	p2 =	seq.s32 @!p0 s5, $0x0  }
0x1f: {  	s9 =	smul.u32 $0xF7A, s1;
	s8 =	simm.s32 @!p0 $0x1BF5;
	p2 =	por !p2, p0  }
0x20: {  	[sflag:s8] =	ssyncset.s32 @!p0 $0xFFFFF086;
	s6 =	sadd.s32 @!p0 s3, s7;
	s7 =	simm.s32 @!p0 $0x108  }
0x21: {  	s3 =	sadd.s32 s3, s9;
	s6 =	sadd.s32 @!p0 $0x88, s6;
	s7 =	simm.s32 @p2 $0x1082  }
0x22: {  	[simem:s7], [sflag:s8] =	dma.local @!p0 [hbm:s6], $0xF7A  }
0x23: {  	s9 =	sor.u32 $0xD0000000, s2;
	s6 =	simm.s32 $0x108;
	_ =	swait.ge @!p0 [sflag:s8], $0x0  }
0x24: {  	s3 =	sadd.s32 $0x88, s3;
	s6 =	simm.s32 @!p1 $0x1082;
	[sflag:s4] =	ssyncset.s32 $0xFFFFF086  }
0x25: {  	[simem:s6], [sflag:s4] =	dma.local [hbm:s3], $0xF7A  }
0x26: {  	[smem:$0x3F98] =	sst s1;
	(tag) =	ssettag s2;
	_ =	strace s9  }
0x27: {  	s1 =	sld [smem:$0x3FA8]  }
0x28: {  	s2 =	sld [smem:$0x3FA9]  }
0x29: {  	s4 =	sld [smem:$0x3FAB]  }
0x2a: {  	p0 =	seq.s32 s5, $0x0;
	s5 =	sld [smem:$0x3FAC]  }
0x2b: {  	s6 =	sld [smem:$0x3FAD]  }
0x2c: {  	s7 =	sld [smem:$0x3FAE]  }
0x2d: {  	s3 =	simm.s32 $0x108;
	s8 =	sld [smem:$0x3FAF]  }
0x2e: {  	s3 =	simm.s32 @!p0 $0x1082;
	s9 =	sld [smem:$0x3FB0]  }
0x2f: {  	lr =	sadd.s32 s0, s3;
	s0 =	sld [smem:$0x3FA7]  }
0x30: {  	s3 =	sld [smem:$0x3FAA]  }
0x31: {  	[smem:$0x3FB3] =	sst s10  }
0x32: {  	s10 =	sld [smem:$0x3FB1];
	_ =	sdelay $0x3  }
0x33: {  	p0 =	seq.s32 s10, $0x1;
	s10 =	sld [smem:$0x3FB3];
	_ =	sdelay $0x3  }
0x34: {  	[smem:$0x3FB3] =	sst s10  }
0x35: {  	s10 =	sld [smem:$0x3FB2];
	_ =	sdelay $0x3  }
0x36: {  	p1 =	seq.s32 s10, $0x1;
	s10 =	sld [smem:$0x3FB3];
	_ =	sdelay $0x3  }
0x37: {  	[smem:$0x3FB3] =	sst s10  }
0x38: {  	s10 =	sld [smem:$0x3FB4]  }
0x39: {  	_ = 	snop;
	(pc) =	sbr.ind lr, $3  }
0x3a: {  	_ = 	snop  }
0x3b: {  	_ = 	snop  }
0x3c: {  	p2 =	seq.s32 s10, $0x1;
	s10 =	sld [smem:$0x3FB3]  }
0x3d: {  	_ =	shalt  }
0x3e: {  	_ =	shalt  }
0x3f: {  	_ =	shalt  }
0x40: {  	_ =	shalt  }
0x41: {  	_ =	shalt  }
0x42: {  	_ =	shalt  }
0x43: {  	_ =	shalt  }
0x44: {  	_ =	shalt  }
0x45: {  	_ =	shalt  }
0x46: {  	_ =	shalt  }
0x47: {  	_ =	shalt  }
0x48: {  	_ =	shalt  }
0x49: {  	_ =	shalt  }
0x4a: {  	_ =	shalt  }
0x4b: {  	_ =	shalt  }
0x4c: {  	_ =	shalt  }
0x4d: {  	_ =	shalt  }
0x4e: {  	_ =	shalt  }
0x4f: {  	_ =	shalt  }
0x50: {  	_ =	shalt  }
0x51: {  	_ =	shalt  }
0x52: {  	_ =	shalt  }
0x53: {  	_ =	shalt  }
0x54: {  	_ =	shalt  }
0x55: {  	_ =	shalt  }
0x56: {  	_ =	shalt  }
0x57: {  	_ =	shalt  }
0x58: {  	_ =	shalt  }
0x59: {  	_ =	shalt  }
0x5a: {  	_ =	shalt  }
0x5b: {  	_ =	shalt  }
0x5c: {  	_ =	shalt  }
0x5d: {  	_ =	shalt  }
0x5e: {  	_ =	shalt  }
0x5f: {  	_ =	shalt  }
0x60: {  	_ =	shalt  }
0x61: {  	_ =	shalt  }
0x62: {  	_ =	shalt  }
0x63: {  	_ =	shalt  }
0x64: {  	_ =	shalt  }
0x65: {  	_ =	shalt  }
0x66: {  	_ =	shalt  }
0x67: {  	_ =	shalt  }
0x68: {  	_ =	shalt  }
0x69: {  	_ =	shalt  }
0x6a: {  	_ =	shalt  }
0x6b: {  	_ =	shalt  }
0x6c: {  	_ =	shalt  }
0x6d: {  	_ =	shalt  }
0x6e: {  	_ =	shalt  }
0x6f: {  	_ =	shalt  }
0x70: {  	_ =	shalt  }
0x71: {  	_ =	shalt  }
0x72: {  	_ =	shalt  }
0x73: {  	_ =	shalt  }
0x74: {  	_ =	shalt  }
0x75: {  	_ =	shalt  }
0x76: {  	_ =	shalt  }
0x77: {  	_ =	shalt  }
0x78: {  	_ =	shalt  }
0x79: {  	_ =	shalt  }
0x7a: {  	_ =	shalt  }
0x7b: {  	_ =	shalt  }
0x7c: {  	_ =	shalt  }
0x7d: {  	_ =	shalt  }
0x7e: {  	_ =	shalt  }
0x7f: {  	_ =	shalt  }
0x80: {  	_ =	shalt  }
0x81: {  	_ =	shalt  }
0x82: {  	_ =	shalt  }
0x83: {  	_ =	shalt  }
0x84: {  	_ =	shalt  }
0x85: {  	_ =	shalt  }
0x86: {  	_ =	shalt  }
0x87: {  	_ =	shalt  }
.Lfunc_end0:
.L_simem_size_0:
called_computation.2_lowered:
.L_overlay_start_0:
0x88: {  	s2 =	sld [smem:$0x3FD9]  }
0x89: {  	s3 =	sld [smem:$0x3FFE];
	_ =	sdelay $0x1  }
0x8a: {  	s1 =	srdreg.scid  }
0x8b: {  	s0 =	sand.u32 $0x1, s1  }
0x8c: {  	s16 =	sshll.u32 s0, $0xA;
	s2 =	sadd.s32 s3, s2  }
0x8d: {  	s2 =	sadd.s32 s2, s16  }
0x8e: {  	[smem:$0x3FBF] =	sst s2  }
0x8f: {  	_ = 	snop  }
0x90: {  	(tm) =	ssettm $0x1  }
0x91: {  	s17 =	sld [smem:$0x3FFB];
	_ =	sdelay $0x3  }
0x92: {  	_ =	strace s17  }
0x93: {  	s2 =	sld [smem:$0x3FFC];
	_ =	sdelay $0x3  }
0x94: {  	_ =	strace s2  }
0x95: {  	s2 =	sld [smem:$0x3FFD];
	_ =	sdelay $0x3  }
0x96: {  	_ =	strace s2  }
0x97: {  	_ =	strace $0x8FFFFFFF  }
0x98: {  	s18 =	sld [smem:$0x3FDB];
	_ =	sdelay $0x1  }
0x99: {  	s19 =	simm.s32 $_scs_section_size  }
0x9a: {  	s4 =	simm.s32 $_size__tile_overlayer_lowered;
	s5 =	simm.s32 $_tile_overlayer_lowered  }
0x9b: {  	s22 =	simm.s32 $0x1BFF;
	s21 =	sshll.u32 s5, $0x1;
	s2 =	sadd.s32 s19, s18  }
0x9c: {  	s6 =	simm.s32 $0x0;
	s20 =	sshll.u32 s4, $0x1;
	s4 =	sadd.s32 s21, s2  }
0x9d: {  	[timem:s6], [sflag:s22] =	dma.local [hbm:s4], s20  }
0x9e: {  	_ =	swait.ge [sflag:s22], s20  }
0x9f: {  	s3 =	ssub.s32 $0x0, s20;
	[sflag:s22] =	ssyncset.done $0x0  }
0xa0: {  	[sflag:s22] =	ssyncadd.s32 s3;
	_ =	sdelay $0x1  }
0xa1: {  	s23 =	simm.s32 $0x1B8B  }
0xa2: {  	_ =	swait.ge [sflag:s23], $0x1  }
0xa3: {  	[sflag:s23] =	ssyncset.done $0x0  }
0xa4: {  	s25 =	simm.s32 $0x1B8E;
	s24 =	sld [smem:$0x3FFE];
	[sflag:s23] =	ssyncadd.s32 $0xFFFFFFFF  }
0xa5: {  	s26 =	simm.s32 $execute0_lowered;
	[smem:$0x3FD2] =	sst s25  }
0xa6: {  	s4 =	sshll.u32 s26, $0x1;
	_ =	strace $0x8000004C;
	[dreg:$0x1] =	wrdreg $0xFFFFFFFF  }
0xa7: {  	s28 =	simm.s32 $_size_execute0_lowered;
	s2 =	sadd.s32 s2, s4;
	[dreg:$0x0] =	wrdreg $0x0  }
0xa8: {  	s4 =	sshll.u32 s28, $0x1;
	[dreg:$0x2] =	wrdreg s2  }
0xa9: {  	[dreg:$0x3] =	wrdreg s4  }
0xaa: {  	[dreg:$0x4] =	wrdreg $0xC0  }
0xab: {  	_ =	task [dreg:s6], $0x5FFFF  }
0xac: {  	[dreg:$0x1] =	wrdreg $0xFFFFFFFF  }
0xad: {  	[dreg:$0x0] =	wrdreg $0x60  }
0xae: {  	[dreg:$0x2] =	wrdreg s24  }
0xaf: {  	[dreg:$0x3] =	wrdreg $0x9E200  }
0xb0: {  	[dreg:$0x4] =	wrdreg $0x9  }
0xb1: {  	_ =	task.clear_ibuf [dreg:s6], $0x5FFFF;
	_ =	strace $0x9000004C  }
0xb2: {  	s29 =	simm.s32 $0x9;
	_ =	strace $0x8000004E  }
0xb3: {  	_ =	swait.ge [sflag:s29], $0x1  }
0xb4: {  	[sflag:s29] =	ssyncadd.s32 $0xFFFFFFFF  }
0xb5: {  	_ =	strace $0x9000004E  }
0xb6: {  	_ =	sfence  }
0xb7: {  	s30 =	sld [smem:$0x0];
	_ =	sdelay $0x2  }
0xb8: {  	s31 =	sshll.u32 s1, $0xD;
	s1 =	sshrl.u32 s1, $0x2  }
0xb9: {  	s3 =	sand.u32 $0x4000, s31;
	s1 =	sadd.s32 s1, s30  }
0xba: {  	s0 =	sor.u32 s3, s0;
	s1 =	sshll.u32 s1, $0x11  }
0xbb: {  	s0 =	sor.u32 s1, s0  }
0xbc: {  	s0 =	sadd.s32 $0x8F2B, s0  }
0xbd: {  	[sflag:s0] =	ssyncadd.remote.s32 $0x1  }
0xbe: {  	_ =	sfence.sel $0xFFFF  }
0xbf: {  	[dreg:$0x0] =	wrdreg $0xFFFFFFFF;
	(pc) =	sbr.abs _section_cstart, $3  }
0xc0: {  	[dreg:$0x1] =	wrdreg $0xFFFFFFFF  }
0xc1: {  	_ =	task.clear_ibuf [dreg:s6], $0x2FFFF;
	_ =	strace $0x9FFFFFFF  }
0xc2: {  	(tm) =	ssettm $0x7FFFFFFF  }
0xc3: {  	_ =	shalt  }
tec
execute0_lowered:
.L_overlay_start_1:
0x0: {  	(tag) =	ssettag $0x1  }
0x1: {  	s0 =	srdreg.scid  }
0x2: {  	s7 =	stileid.u32;
	s1 =	rddreg [dreg:$0x0]  }
0x3: {  	s2 =	rddreg [dreg:$0x1];
	s4 =	simm.s32 $0x0;
	s17 =	simm.s32 $0x2710  }
0x4: {  	s18 =	simm.s32 $0x4E20;
	s19 =	simm.s32 $0x6220;
	s20 =	simm.s32 $0x7620  }
0x5: {  	s21 =	simm.s32 $0x8A20;
	s22 =	simm.s32 $0x9;
	s28 =	simm.s32 $0x2  }
0x6: {  	s29 =	simm.s32 $0x5;
	s30 =	simm.s32 $0x3;
	s31 =	simm.s32 $0x6  }
0x7: {  	s0 =	sand.u32 $0x1, s0;
	s3 =	sshll.u32 s7, $0x1;
	s5 =	smul.u32 $0x1400, s7  }
0x8: {  	[smem:$0x7FF] =	sst s4;
	s4 =	sadd.s32 $0x16600, s1;
	s7 =	smul.u32 $0x28000, s7  }
0x9: {  	s3 =	sor.u32 s0, s3;
	s6 =	smul.u32 $0x14000, s0;
	s0 =	ssub.s32 $0x2, s0  }
0xa: {  	_ =	strace $0x8000004D;
	s3 =	smul.u32 $0x4E2, s3;
	s23 =	sshrl.u32 s0, $0x1  }
0xb: {  	s24 =	sshrl.u32 s7, $0x2;
	s5 =	sadd.s32 s5, s6;
	s0 =	ssub.s32 s0, s23  }
0xc: {  	s7 =	sadd.s32 s24, s2;
	s23 =	simm.s32 $0x50;
	s24 =	simm.s32 $0x8  }
0xd: {  	s3 =	sadd.s32 s3, s1;
	s1 =	sadd.s32 s5, s1;
	s26 =	sadd.s32 $0x1400, s7  }
0xe: {  	s9 =	sadd.s32 $0x2800, s7;
	s10 =	sadd.s32 $0x3C00, s7;
	s11 =	sadd.s32 $0x5000, s7  }
0xf: {  	s12 =	sadd.s32 $0x6400, s7;
	s13 =	sadd.s32 $0x7800, s7;
	s14 =	sadd.s32 $0x8C00, s7  }
0x10: {  	s16 =	smax.u32 s0, $0x1;
	s0 =	simm.s32 $0x7;
	s25 =	sadd.s32 $0x2C00, s3  }
0x11: {  	s3 =	sadd.s32 $0xC840, s3;
	[dreg:$0x5] =	wrdreg s26;
	s15 =	sadd.s32 $0x2A000, s1  }
0x12: {  	s1 =	simm.s32 $0x4;
	s26 =	simm.s32 $0xA;
	[dreg:$0x3] =	wrdreg s25  }
0x13: {  	v0 =	vimm.f32 $0.0e+00;
	[dreg:$0x4] =	wrdreg s3;
	s25 =	simm.s32 $0x1;
	s3 =	simm.s32 $0x0  }
.LBB2_1:
0x14: {  	s5 =	simm.s32 $0x0;
	s6 =	rddreg [dreg:$0x3]  }
0x15: {  	[tilespmem:s5], [sflag:$0x9] =	stream.linear.gather [hbm4b:s6+s5], $0x2710, $0x38;
	[tilespmem:$0x13E20] =	vst v63  }
0x16: {  	s8 =	rddreg [dreg:$0x4]  }
0x17: {  	[tilespmem:s17], [sflag:$0x9] =	stream.linear.gather [hbm4b:s8+s5], $0x2710, $0x38;
	[tilespmem:$0x13E20] =	vst v63  }
0x18: {  	s6 =	simm.s32 $0x100;
	s5 =	simm.s32 $0x0  }
.LBB2_2:
0x19: {  	p0 =	sne.s32 s6, $0x4F00;
	[tilespmem:s5+$0x8A50] =	vst v0  }
0x1a: {  	[tilespmem:s5+$0x4E20] =	vst v0  }
0x1b: {  	[tilespmem:s5+$0x4E30] =	vst v0  }
0x1c: {  	[tilespmem:s5+$0x4E40] =	vst v0  }
0x1d: {  	[tilespmem:s5+$0x4E50] =	vst v0  }
0x1e: {  	[tilespmem:s5+$0x6220] =	vst v0  }
0x1f: {  	[tilespmem:s5+$0x6230] =	vst v0  }
0x20: {  	[tilespmem:s5+$0x6240] =	vst v0  }
0x21: {  	[tilespmem:s5+$0x6250] =	vst v0  }
0x22: {  	[tilespmem:s5+$0x7620] =	vst v0  }
0x23: {  	[tilespmem:s5+$0x7630] =	vst v0  }
.Ltmp0:
0x24: {  	[tilespmem:s5+$0x7640] =	vst v0;
	(pc) =	sbr.rel @p0 .LBB2_2-.Ltmp0, $4  }
0x25: {  	[tilespmem:s5+$0x7650] =	vst v0  }
0x26: {  	[tilespmem:s5+$0x8A20] =	vst v0  }
0x27: {  	[tilespmem:s5+$0x8A30] =	vst v0  }
0x28: {  	[tilespmem:s5+$0x8A40] =	vst v0;
	s5 =	sshra.s32 s6, $0x2;
	s6 =	sadd.s32 $0x100, s6  }
0x29: {  	[tilespmem:s5+$0x8A50] =	vst v0  }
0x2a: {  	[tilespmem:s5+$0x4E20] =	vst v0  }
0x2b: {  	[tilespmem:s5+$0x4E30] =	vst v0  }
0x2c: {  	[tilespmem:s5+$0x4E40] =	vst v0  }
0x2d: {  	[tilespmem:s5+$0x4E50] =	vst v0  }
0x2e: {  	[tilespmem:s5+$0x6220] =	vst v0  }
0x2f: {  	[tilespmem:s5+$0x6230] =	vst v0  }
0x30: {  	[tilespmem:s5+$0x6240] =	vst v0  }
0x31: {  	[tilespmem:s5+$0x6250] =	vst v0  }
0x32: {  	[tilespmem:s5+$0x7620] =	vst v0  }
0x33: {  	[tilespmem:s5+$0x7630] =	vst v0  }
0x34: {  	[tilespmem:s5+$0x7640] =	vst v0  }
0x35: {  	[tilespmem:s5+$0x7650] =	vst v0  }
0x36: {  	[tilespmem:s5+$0x8A20] =	vst v0  }
0x37: {  	[tilespmem:s5+$0x8A30] =	vst v0  }
0x38: {  	[tilespmem:s5+$0x8A40] =	vst v0  }
0x39: {  	[spmem:s7] =	stream.linear.scatter [tilespmem:s18], [sflag:$0x9], $0x1400, $0x38;
	[tilespmem:$0x13E20] =	vst v63  }
0x3a: {  	s8 =	rddreg [dreg:$0x5]  }
0x3b: {  	[spmem:s8] =	stream.linear.scatter [tilespmem:s19], [sflag:$0x9], $0x1400, $0x38;
	[tilespmem:$0x13E20] =	vst v63  }
0x3c: {  	_ = 	snop  }
0x3d: {  	[spmem:s9] =	stream.linear.scatter [tilespmem:s20], [sflag:$0x9], $0x1400, $0x38;
	[tilespmem:$0x13E20] =	vst v63  }
0x3e: {  	_ = 	snop  }
0x3f: {  	[spmem:s10] =	stream.linear.scatter [tilespmem:s21], [sflag:$0x9], $0x1400, $0x38;
	[tilespmem:$0x13E20] =	vst v63  }
0x40: {  	_ = 	snop  }
0x41: {  	[spmem:s11] =	stream.linear.scatter [tilespmem:s18], [sflag:$0x9], $0x1400, $0x38;
	[tilespmem:$0x13E20] =	vst v63  }
0x42: {  	_ = 	snop  }
0x43: {  	[spmem:s12] =	stream.linear.scatter [tilespmem:s19], [sflag:$0x9], $0x1400, $0x38;
	[tilespmem:$0x13E20] =	vst v63  }
0x44: {  	_ = 	snop  }
0x45: {  	[spmem:s13] =	stream.linear.scatter [tilespmem:s20], [sflag:$0x9], $0x1400, $0x38;
	[tilespmem:$0x13E20] =	vst v63  }
0x46: {  	_ = 	snop  }
0x47: {  	[spmem:s14] =	stream.linear.scatter [tilespmem:s21], [sflag:$0x9], $0x1400, $0x38;
	[tilespmem:$0x13E20] =	vst v63  }
0x48: {  	_ =	swait.ge [sflag:s22], $0x1400  }
0x49: {  	[sflag:s22] =	ssyncset.done $0x0  }
0x4a: {  	[sflag:s22] =	ssyncadd.s32 $0xFFFFEC00  }
0x4b: {  	_ =	swait.ge [sflag:s22], $0x1400  }
0x4c: {  	[sflag:s22] =	ssyncset.done $0x0  }
0x4d: {  	[sflag:s22] =	ssyncadd.s32 $0xFFFFEC00  }
0x4e: {  	_ =	swait.ge [sflag:s22], $0x1400  }
0x4f: {  	[sflag:s22] =	ssyncset.done $0x0  }
0x50: {  	[sflag:s22] =	ssyncadd.s32 $0xFFFFEC00  }
0x51: {  	_ =	swait.ge [sflag:s22], $0x1400  }
0x52: {  	[sflag:s22] =	ssyncset.done $0x0  }
0x53: {  	[sflag:s22] =	ssyncadd.s32 $0xFFFFEC00  }
0x54: {  	_ =	swait.ge [sflag:s22], $0x1400  }
0x55: {  	[sflag:s22] =	ssyncset.done $0x0  }
0x56: {  	[sflag:s22] =	ssyncadd.s32 $0xFFFFEC00  }
0x57: {  	_ =	swait.ge [sflag:s22], $0x1400  }
0x58: {  	[sflag:s22] =	ssyncset.done $0x0  }
0x59: {  	[sflag:s22] =	ssyncadd.s32 $0xFFFFEC00  }
0x5a: {  	_ =	swait.ge [sflag:s22], $0x1400  }
0x5b: {  	[sflag:s22] =	ssyncset.done $0x0  }
0x5c: {  	[sflag:s22] =	ssyncadd.s32 $0xFFFFEC00  }
0x5d: {  	_ =	swait.ge [sflag:s22], $0x1400  }
0x5e: {  	[sflag:s22] =	ssyncset.done $0x0  }
0x5f: {  	[sflag:s22] =	ssyncadd.s32 $0xFFFFEC00  }
0x60: {  	_ =	swait.ge [sflag:s22], $0x2710  }
0x61: {  	[sflag:s22] =	ssyncset.done $0x0  }
0x62: {  	[sflag:s22] =	ssyncadd.s32 $0xFFFFD8F0  }
0x63: {  	_ =	swait.ge [sflag:s22], $0x2710  }
0x64: {  	[sflag:s22] =	ssyncset.done $0x0  }
0x65: {  	[sflag:s22] =	ssyncadd.s32 $0xFFFFD8F0  }
0x66: {  	s6 =	simm.s32 $0x0;
	[bflag:$0x0] =	sbarrier.arrive $0xFFFF  }
0x67: {  	[tilespmem:s18], [sflag:$0x1] =	stream.indirect.gather [hbm4b:s4+s23], $0x40, s6, s23, $0xb8;
	[tilespmem:$0x13E20] =	vst v63  }
0x68: {  	_ = 	snop  }
0x69: {  	[tilespmem:s19], [sflag:$0x2] =	stream.indirect.gather [hbm4b:s4+s23], $0x40, s23, s23, $0xb8;
	[tilespmem:$0x13E20] =	vst v63  }
0x6a: {  	s8 =	simm.s32 $0xA0  }
0x6b: {  	[tilespmem:s20], [sflag:$0x3] =	stream.indirect.gather [hbm4b:s4+s23], $0x40, s8, s23, $0xb8;
	[tilespmem:$0x13E20] =	vst v63  }
0x6c: {  	_ =	swait.ge [sflag:s25], $0x1400  }
0x6d: {  	[sflag:s25] =	ssyncset.done $0x0  }
0x6e: {  	[sflag:s25] =	ssyncadd.s32 $0xFFFFEC00  }
0x6f: {  	[spmem:s2] =	stream.indirect.scatter.add.f32 [tilespmem:s18], [sflag:$0x5], $0x40, s17, s23, $0xb8;
	[tilespmem:$0x13E20] =	vst v63  }
0x70: {  	s6 =	simm.s32 $0xF0  }
0x71: {  	[tilespmem:s21], [sflag:$0x4] =	stream.indirect.gather [hbm4b:s4+s23], $0x40, s6, s23, $0xb8;
	[tilespmem:$0x13E20] =	vst v63  }
0x72: {  	_ =	swait.ge [sflag:s28], $0x1400  }
0x73: {  	[sflag:s28] =	ssyncset.done $0x0  }
0x74: {  	s8 =	simm.s32 $0x2760;
	[sflag:s28] =	ssyncadd.s32 $0xFFFFEC00  }
0x75: {  	[spmem:s2] =	stream.indirect.scatter.add.f32 [tilespmem:s19], [sflag:$0x6], $0x40, s8, s23, $0xb8;
	[tilespmem:$0x13E20] =	vst v63  }
0x76: {  	_ =	swait.ge [sflag:s29], $0x1400  }
0x77: {  	[sflag:s29] =	ssyncset.done $0x0  }
0x78: {  	s6 =	simm.s32 $0x140;
	[sflag:s29] =	ssyncadd.s32 $0xFFFFEC00  }
0x79: {  	[tilespmem:s18], [sflag:$0x1] =	stream.indirect.gather [hbm4b:s4+s23], $0x40, s6, s23, $0xb8;
	[tilespmem:$0x13E20] =	vst v63  }
0x7a: {  	_ =	swait.ge [sflag:s30], $0x1400  }
0x7b: {  	[sflag:s30] =	ssyncset.done $0x0  }
0x7c: {  	s8 =	simm.s32 $0x27B0;
	[sflag:s30] =	ssyncadd.s32 $0xFFFFEC00  }
0x7d: {  	[spmem:s2] =	stream.indirect.scatter.add.f32 [tilespmem:s20], [sflag:$0x7], $0x40, s8, s23, $0xb8;
	[tilespmem:$0x13E20] =	vst v63  }
0x7e: {  	_ =	swait.ge [sflag:s31], $0x1400  }
0x7f: {  	[sflag:s31] =	ssyncset.done $0x0  }
0x80: {  	s6 =	simm.s32 $0x190;
	[sflag:s31] =	ssyncadd.s32 $0xFFFFEC00  }
0x81: {  	[tilespmem:s19], [sflag:$0x2] =	stream.indirect.gather [hbm4b:s4+s23], $0x40, s6, s23, $0xb8;
	[tilespmem:$0x13E20] =	vst v63  }
0x82: {  	_ =	swait.ge [sflag:s1], $0x1400  }
0x83: {  	[sflag:s1] =	ssyncset.done $0x0  }
0x84: {  	s8 =	simm.s32 $0x2800;
	[sflag:s1] =	ssyncadd.s32 $0xFFFFEC00  }
0x85: {  	[spmem:s2] =	stream.indirect.scatter.add.f32 [tilespmem:s21], [sflag:$0x8], $0x40, s8, s23, $0xb8;
	[tilespmem:$0x13E20] =	vst v63  }
0x86: {  	_ =	swait.ge [sflag:s0], $0x1400  }
0x87: {  	[sflag:s0] =	ssyncset.done $0x0  }
0x88: {  	s6 =	simm.s32 $0x1E0;
	[sflag:s0] =	ssyncadd.s32 $0xFFFFEC00  }
0x89: {  	[tilespmem:s20], [sflag:$0x3] =	stream.indirect.gather [hbm4b:s4+s23], $0x40, s6, s23, $0xb8;
	[tilespmem:$0x13E20] =	vst v63  }
0x8a: {  	_ =	swait.ge [sflag:s25], $0x1400  }
0x8b: {  	[sflag:s25] =	ssyncset.done $0x0  }
0x8c: {  	s8 =	simm.s32 $0x2850;
	[sflag:s25] =	ssyncadd.s32 $0xFFFFEC00  }
0x8d: {  	[spmem:s2] =	stream.indirect.scatter.add.f32 [tilespmem:s18], [sflag:$0x5], $0x40, s8, s23, $0xb8;
	[tilespmem:$0x13E20] =	vst v63  }
0x8e: {  	_ =	swait.ge [sflag:s24], $0x1400  }
0x8f: {  	[sflag:s24] =	ssyncset.done $0x0  }
0x90: {  	s5 =	simm.s32 $0x500;
	s6 =	simm.s32 $0x230;
	[sflag:s24] =	ssyncadd.s32 $0xFFFFEC00  }
.LBB2_4:
0x91: {  	[tilespmem:s21], [sflag:$0x4] =	stream.indirect.gather [hbm4b:s4+s23], $0x40, s6, s23, $0xb8;
	[tilespmem:$0x13E20] =	vst v63  }
0x92: {  	s6 =	smov.u32 s5  }
0x93: {  	p0 =	sne.s32 s5, $0x9100;
	s5 =	sadd.s32 $0x500, s5;
	_ =	swait.ge [sflag:s28], $0x1400  }
0x94: {  	s6 =	sshra.s32 s6, $0x2;
	[sflag:s28] =	ssyncset.done $0x0  }
0x95: {  	s8 =	sadd.s32 $0x2760, s6;
	[sflag:s28] =	ssyncadd.s32 $0xFFFFEC00  }
0x96: {  	[spmem:s2] =	stream.indirect.scatter.add.f32 [tilespmem:s19], [sflag:$0x6], $0x40, s8, s23, $0xb8;
	[tilespmem:$0x13E20] =	vst v63  }
0x97: {  	_ =	swait.ge [sflag:s29], $0x1400  }
0x98: {  	[sflag:s29] =	ssyncset.done $0x0  }
0x99: {  	s8 =	sadd.s32 $0x140, s6;
	[sflag:s29] =	ssyncadd.s32 $0xFFFFEC00  }
0x9a: {  	[tilespmem:s18], [sflag:$0x1] =	stream.indirect.gather [hbm4b:s4+s23], $0x40, s8, s23, $0xb8;
	[tilespmem:$0x13E20] =	vst v63  }
0x9b: {  	_ =	swait.ge [sflag:s30], $0x1400  }
0x9c: {  	[sflag:s30] =	ssyncset.done $0x0  }
0x9d: {  	s8 =	sadd.s32 $0x27B0, s6;
	[sflag:s30] =	ssyncadd.s32 $0xFFFFEC00  }
0x9e: {  	[spmem:s2] =	stream.indirect.scatter.add.f32 [tilespmem:s20], [sflag:$0x7], $0x40, s8, s23, $0xb8;
	[tilespmem:$0x13E20] =	vst v63  }
0x9f: {  	_ =	swait.ge [sflag:s31], $0x1400  }
0xa0: {  	[sflag:s31] =	ssyncset.done $0x0  }
0xa1: {  	s8 =	sadd.s32 $0x190, s6;
	[sflag:s31] =	ssyncadd.s32 $0xFFFFEC00  }
0xa2: {  	[tilespmem:s19], [sflag:$0x2] =	stream.indirect.gather [hbm4b:s4+s23], $0x40, s8, s23, $0xb8;
	[tilespmem:$0x13E20] =	vst v63  }
0xa3: {  	_ =	swait.ge [sflag:s1], $0x1400  }
0xa4: {  	[sflag:s1] =	ssyncset.done $0x0  }
0xa5: {  	s8 =	sadd.s32 $0x2800, s6;
	[sflag:s1] =	ssyncadd.s32 $0xFFFFEC00  }
0xa6: {  	[spmem:s2] =	stream.indirect.scatter.add.f32 [tilespmem:s21], [sflag:$0x8], $0x40, s8, s23, $0xb8;
	[tilespmem:$0x13E20] =	vst v63  }
0xa7: {  	_ =	swait.ge [sflag:s0], $0x1400  }
0xa8: {  	[sflag:s0] =	ssyncset.done $0x0  }
0xa9: {  	s8 =	sadd.s32 $0x1E0, s6;
	[sflag:s0] =	ssyncadd.s32 $0xFFFFEC00  }
0xaa: {  	[tilespmem:s20], [sflag:$0x3] =	stream.indirect.gather [hbm4b:s4+s23], $0x40, s8, s23, $0xb8;
	[tilespmem:$0x13E20] =	vst v63  }
0xab: {  	_ =	swait.ge [sflag:s25], $0x1400  }
0xac: {  	[sflag:s25] =	ssyncset.done $0x0  }
.Ltmp1:
0xad: {  	s8 =	sadd.s32 $0x2850, s6;
	[sflag:s25] =	ssyncadd.s32 $0xFFFFEC00;
	(pc) =	sbr.rel @p0 .LBB2_4-.Ltmp1, $4  }
0xae: {  	[spmem:s2] =	stream.indirect.scatter.add.f32 [tilespmem:s18], [sflag:$0x5], $0x40, s8, s23, $0xb8;
	[tilespmem:$0x13E20] =	vst v63  }
0xaf: {  	_ =	swait.ge [sflag:s24], $0x1400  }
0xb0: {  	[sflag:s24] =	ssyncset.done $0x0  }
0xb1: {  	s6 =	sadd.s32 $0x230, s6;
	[sflag:s24] =	ssyncadd.s32 $0xFFFFEC00  }
0xb2: {  	[tilespmem:s21], [sflag:$0x4] =	stream.indirect.gather [hbm4b:s4+s23], $0x40, s6, s23, $0xb8;
	[tilespmem:$0x13E20] =	vst v63  }
0xb3: {  	_ =	swait.ge [sflag:s28], $0x1400  }
0xb4: {  	[sflag:s28] =	ssyncset.done $0x0  }
0xb5: {  	s5 =	simm.s32 $0x4CE0;
	[sflag:s28] =	ssyncadd.s32 $0xFFFFEC00  }
0xb6: {  	[spmem:s2] =	stream.indirect.scatter.add.f32 [tilespmem:s19], [sflag:$0x6], $0x40, s5, s23, $0xb8;
	[tilespmem:$0x13E20] =	vst v63  }
0xb7: {  	_ =	swait.ge [sflag:s29], $0x1400  }
0xb8: {  	[sflag:s29] =	ssyncset.done $0x0  }
0xb9: {  	s6 =	simm.s32 $0x26C0;
	[sflag:s29] =	ssyncadd.s32 $0xFFFFEC00  }
0xba: {  	[tilespmem:s18], [sflag:$0x1] =	stream.indirect.gather [hbm4b:s4+s23], $0x40, s6, s23, $0xb8;
	[tilespmem:$0x13E20] =	vst v63  }
0xbb: {  	_ =	swait.ge [sflag:s30], $0x1400  }
0xbc: {  	[sflag:s30] =	ssyncset.done $0x0  }
0xbd: {  	s8 =	simm.s32 $0x4D30;
	[sflag:s30] =	ssyncadd.s32 $0xFFFFEC00  }
0xbe: {  	[spmem:s2] =	stream.indirect.scatter.add.f32 [tilespmem:s20], [sflag:$0x7], $0x40, s8, s23, $0xb8;
	[tilespmem:$0x13E20] =	vst v63  }
0xbf: {  	_ =	swait.ge [sflag:s31], $0x1400  }
0xc0: {  	[sflag:s31] =	ssyncset.done $0x0  }
0xc1: {  	[sflag:s31] =	ssyncadd.s32 $0xFFFFEC00  }
0xc2: {  	_ =	swait.ge [sflag:s1], $0x1400  }
0xc3: {  	[sflag:s1] =	ssyncset.done $0x0  }
0xc4: {  	s6 =	simm.s32 $0x4D80;
	[sflag:s1] =	ssyncadd.s32 $0xFFFFEC00  }
0xc5: {  	[spmem:s2] =	stream.indirect.scatter.add.f32 [tilespmem:s21], [sflag:$0x8], $0x40, s6, s23, $0xb8;
	[tilespmem:$0x13E20] =	vst v63  }
0xc6: {  	_ =	swait.ge [sflag:s0], $0x1400  }
0xc7: {  	[sflag:s0] =	ssyncset.done $0x0  }
0xc8: {  	[sflag:s0] =	ssyncadd.s32 $0xFFFFEC00  }
0xc9: {  	_ =	swait.ge [sflag:s25], $0x1400  }
0xca: {  	[sflag:s25] =	ssyncset.done $0x0  }
0xcb: {  	s8 =	simm.s32 $0x4DD0;
	[sflag:s25] =	ssyncadd.s32 $0xFFFFEC00  }
0xcc: {  	[spmem:s2] =	stream.indirect.scatter.add.f32 [tilespmem:s18], [sflag:$0x5], $0x40, s8, s23, $0xb8;
	[tilespmem:$0x13E20] =	vst v63  }
0xcd: {  	_ =	swait.ge [sflag:s24], $0x1400  }
0xce: {  	[sflag:s24] =	ssyncset.done $0x0  }
0xcf: {  	[sflag:s24] =	ssyncadd.s32 $0xFFFFEC00  }
0xd0: {  	s6 =	stileid.u32;
	_ =	swait.ge [sflag:s29], $0x1400  }
0xd1: {  	s3 =	sadd.s32 $0x1, s3;
	s5 =	sshll.u32 s6, $0x6;
	[sflag:s29] =	ssyncset.done $0x0  }
0xd2: {  	p0 =	sne.s32 s3, s16;
	s5 =	sor.u32 $0x1C0A, s5;
	[sflag:s29] =	ssyncadd.s32 $0xFFFFEC00  }
.Ltmp2:
0xd3: {  	s8 =	sshrl.u32 s7, $0x3;
	[bflag:$0x0] =	sbarrier.arrive $0xFFFF;
	(pc) =	sbr.rel @p0 .LBB2_1-.Ltmp2, $4  }
0xd4: {  	[hbm:s15], [sflag:s5] =	dma.local [spmem:s8], $0x1400  }
0xd5: {  	_ =	swait.ge [sflag:s26], $0x1400  }
0xd6: {  	[sflag:s26] =	ssyncset.done $0x0  }
0xd7: {  	[sflag:s26] =	ssyncadd.s32 $0xFFFFEC00  }
0xd8: {  	_ =	sfence.sel $0x180000  }
0xd9: {  	[bflag:$0x0] =	sbarrier.arrive $0xFFFF  }
0xda: {  	_ =	strace $0x9000004D  }
0xdb: {  	s0 =	stileid.u32;
	[bflag:$0x2] =	sbarrier.arrive $0xFFFF  }
0xdc: {  	p0 =	sne.s32 s0, $0x0;
	s0 =	rddreg [dreg:$0x2]  }
0xdd: {  	s0 =	sadd.s32 @!p0 $0x100000, s0  }
0xde: {  	[sflag:s0] =	ssyncadd.tile.s32 @!p0 $0x1;
	_ =	shalt  }
.Lfunc_end2:
_tile_overlayer_lowered:
.L_overlay_start_2:
0xdf: {  	(tag) =	ssettag $0x2  }
0xe0: {  	s0 =	rddreg [dreg:$0x0];
	s2 =	stileid.u32  }
0xe1: {  	s1 =	rddreg [dreg:$0x1];
	p0 =	sne.s32 s2, $0x0  }
0xe2: {  	s3 =	rddreg [dreg:$0x2];
	[bflag:$0x3] =	sbarrier.arrive $0xFFFF;
	s2 =	simm.s32 @!p0 $0x1C0A  }
0xe3: {  	[timem:s3], [sflag:s2] =	dma.local @!p0 [hbm:s0], s1  }
0xe4: {  	s0 =	simm.s32 @!p0 $0xA  }
0xe5: {  	_ =	swait.ge @!p0 [sflag:s0], s1  }
0xe6: {  	s1 =	ssub.s32 @!p0 $0x0, s1;
	[sflag:s0] =	ssyncset.done @!p0 $0x0  }
0xe7: {  	[sflag:s0] =	ssyncadd.s32 @!p0 s1  }
0xe8: {  	[bflag:$0x3] =	sbarrier.arrive $0xFFFF  }
0xe9: {  	_ =	shalt  }

// kernel: kernel.9.cloned.1.call-start
scs
__scs_entry_jumppad:
0x0: {  	(pc) =	sbr.rel $0x88, $3  }
0x1: {  	(tag) =	ssettag $0x0;
	lr =	simm.s32 $0x1  }
0x2: {  	[smem:$0x3F98] =	sst lr;
	_ =	strace $0xD0000000  }
0x3: {  	_ = 	snop  }
0x4: {  	_ = 	snop  }
0x5: {  	_ = 	snop  }
0x6: {  	_ = 	snop  }
0x7: {  	_ = 	snop  }
__scs_overlays_trampoline_lowered:
0x8: {  	[smem:$0x3FA7] =	sst s0  }
0x9: {  	[smem:$0x3FA8] =	sst s1  }
0xa: {  	[smem:$0x3FA9] =	sst s2  }
0xb: {  	[smem:$0x3FAA] =	sst s3  }
0xc: {  	[smem:$0x3FAB] =	sst s4  }
0xd: {  	[smem:$0x3FAC] =	sst s5  }
0xe: {  	[smem:$0x3FAD] =	sst s6  }
0xf: {  	[smem:$0x3FAE] =	sst s7  }
0x10: {  	[smem:$0x3FAF] =	sst s8  }
0x11: {  	[smem:$0x3FB0] =	sst s9;
	s0 =	simm.s32 @!p0 $0x0  }
0x12: {  	s1 =	sld [smem:$0x3F96];
	s0 =	simm.s32 @p0 $0x1  }
0x13: {  	[smem:$0x3FB1] =	sst s0;
	s0 =	simm.s32 @!p1 $0x0  }
0x14: {  	s2 =	sld [smem:$0x3F95];
	s0 =	simm.s32 @p1 $0x1  }
0x15: {  	[smem:$0x3FB2] =	sst s0;
	s0 =	simm.s32 @!p2 $0x0  }
0x16: {  	s3 =	sld [smem:$0x3FDB];
	s0 =	simm.s32 @p2 $0x1  }
0x17: {  	s4 =	simm.s32 $0x1BF5;
	[smem:$0x3FB4] =	sst s0  }
0x18: {  	s0 =	sld [smem:$0x3F97];
	_ =	swait.ge [sflag:s4], $0x0  }
0x19: {  	s7 =	sld [smem:$0x3F98]  }
0x1a: {  	s8 =	sadd.s32 $0xFFFFE003, lr  }
0x1b: {  	s9 =	sadd.s32 $0xFFFFFEF7, lr;
	s5 =	simm.s32 $0xFFFFFFFF;
	p2 =	slt.u32 s8, $0xFFFFF086  }
0x1c: {  	p1 =	slt.u32 s9, $0xF7A;
	s5 =	simm.s32 @!p2 $0x0  }
0x1d: {  	s5 =	simm.s32 @p1 $0x1;
	p0 =	seq.s32 s7, s2  }
0x1e: {  	s7 =	smul.u32 @!p0 $0xF7A, s2;
	p2 =	seq.s32 @!p0 s5, $0x0  }
0x1f: {  	s9 =	smul.u32 $0xF7A, s1;
	s8 =	simm.s32 @!p0 $0x1BF5;
	p2 =	por !p2, p0  }
0x20: {  	[sflag:s8] =	ssyncset.s32 @!p0 $0xFFFFF086;
	s6 =	sadd.s32 @!p0 s3, s7;
	s7 =	simm.s32 @!p0 $0x108  }
0x21: {  	s3 =	sadd.s32 s3, s9;
	s6 =	sadd.s32 @!p0 $0x88, s6;
	s7 =	simm.s32 @p2 $0x1082  }
0x22: {  	[simem:s7], [sflag:s8] =	dma.local @!p0 [hbm:s6], $0xF7A  }
0x23: {  	s9 =	sor.u32 $0xD0000000, s2;
	s6 =	simm.s32 $0x108;
	_ =	swait.ge @!p0 [sflag:s8], $0x0  }
0x24: {  	s3 =	sadd.s32 $0x88, s3;
	s6 =	simm.s32 @!p1 $0x1082;
	[sflag:s4] =	ssyncset.s32 $0xFFFFF086  }
0x25: {  	[simem:s6], [sflag:s4] =	dma.local [hbm:s3], $0xF7A  }
0x26: {  	[smem:$0x3F98] =	sst s1;
	(tag) =	ssettag s2;
	_ =	strace s9  }
0x27: {  	s1 =	sld [smem:$0x3FA8]  }
0x28: {  	s2 =	sld [smem:$0x3FA9]  }
0x29: {  	s4 =	sld [smem:$0x3FAB]  }
0x2a: {  	p0 =	seq.s32 s5, $0x0;
	s5 =	sld [smem:$0x3FAC]  }
0x2b: {  	s6 =	sld [smem:$0x3FAD]  }
0x2c: {  	s7 =	sld [smem:$0x3FAE]  }
0x2d: {  	s3 =	simm.s32 $0x108;
	s8 =	sld [smem:$0x3FAF]  }
0x2e: {  	s3 =	simm.s32 @!p0 $0x1082;
	s9 =	sld [smem:$0x3FB0]  }
0x2f: {  	lr =	sadd.s32 s0, s3;
	s0 =	sld [smem:$0x3FA7]  }
0x30: {  	s3 =	sld [smem:$0x3FAA]  }
0x31: {  	[smem:$0x3FB3] =	sst s10  }
0x32: {  	s10 =	sld [smem:$0x3FB1];
	_ =	sdelay $0x3  }
0x33: {  	p0 =	seq.s32 s10, $0x1;
	s10 =	sld [smem:$0x3FB3];
	_ =	sdelay $0x3  }
0x34: {  	[smem:$0x3FB3] =	sst s10  }
0x35: {  	s10 =	sld [smem:$0x3FB2];
	_ =	sdelay $0x3  }
0x36: {  	p1 =	seq.s32 s10, $0x1;
	s10 =	sld [smem:$0x3FB3];
	_ =	sdelay $0x3  }
0x37: {  	[smem:$0x3FB3] =	sst s10  }
0x38: {  	s10 =	sld [smem:$0x3FB4]  }
0x39: {  	_ = 	snop;
	(pc) =	sbr.ind lr, $3  }
0x3a: {  	_ = 	snop  }
0x3b: {  	_ = 	snop  }
0x3c: {  	p2 =	seq.s32 s10, $0x1;
	s10 =	sld [smem:$0x3FB3]  }
0x3d: {  	_ =	shalt  }
0x3e: {  	_ =	shalt  }
0x3f: {  	_ =	shalt  }
0x40: {  	_ =	shalt  }
0x41: {  	_ =	shalt  }
0x42: {  	_ =	shalt  }
0x43: {  	_ =	shalt  }
0x44: {  	_ =	shalt  }
0x45: {  	_ =	shalt  }
0x46: {  	_ =	shalt  }
0x47: {  	_ =	shalt  }
0x48: {  	_ =	shalt  }
0x49: {  	_ =	shalt  }
0x4a: {  	_ =	shalt  }
0x4b: {  	_ =	shalt  }
0x4c: {  	_ =	shalt  }
0x4d: {  	_ =	shalt  }
0x4e: {  	_ =	shalt  }
0x4f: {  	_ =	shalt  }
0x50: {  	_ =	shalt  }
0x51: {  	_ =	shalt  }
0x52: {  	_ =	shalt  }
0x53: {  	_ =	shalt  }
0x54: {  	_ =	shalt  }
0x55: {  	_ =	shalt  }
0x56: {  	_ =	shalt  }
0x57: {  	_ =	shalt  }
0x58: {  	_ =	shalt  }
0x59: {  	_ =	shalt  }
0x5a: {  	_ =	shalt  }
0x5b: {  	_ =	shalt  }
0x5c: {  	_ =	shalt  }
0x5d: {  	_ =	shalt  }
0x5e: {  	_ =	shalt  }
0x5f: {  	_ =	shalt  }
0x60: {  	_ =	shalt  }
0x61: {  	_ =	shalt  }
0x62: {  	_ =	shalt  }
0x63: {  	_ =	shalt  }
0x64: {  	_ =	shalt  }
0x65: {  	_ =	shalt  }
0x66: {  	_ =	shalt  }
0x67: {  	_ =	shalt  }
0x68: {  	_ =	shalt  }
0x69: {  	_ =	shalt  }
0x6a: {  	_ =	shalt  }
0x6b: {  	_ =	shalt  }
0x6c: {  	_ =	shalt  }
0x6d: {  	_ =	shalt  }
0x6e: {  	_ =	shalt  }
0x6f: {  	_ =	shalt  }
0x70: {  	_ =	shalt  }
0x71: {  	_ =	shalt  }
0x72: {  	_ =	shalt  }
0x73: {  	_ =	shalt  }
0x74: {  	_ =	shalt  }
0x75: {  	_ =	shalt  }
0x76: {  	_ =	shalt  }
0x77: {  	_ =	shalt  }
0x78: {  	_ =	shalt  }
0x79: {  	_ =	shalt  }
0x7a: {  	_ =	shalt  }
0x7b: {  	_ =	shalt  }
0x7c: {  	_ =	shalt  }
0x7d: {  	_ =	shalt  }
0x7e: {  	_ =	shalt  }
0x7f: {  	_ =	shalt  }
0x80: {  	_ =	shalt  }
0x81: {  	_ =	shalt  }
0x82: {  	_ =	shalt  }
0x83: {  	_ =	shalt  }
0x84: {  	_ =	shalt  }
0x85: {  	_ =	shalt  }
0x86: {  	_ =	shalt  }
0x87: {  	_ =	shalt  }
.Lfunc_end0:
.L_simem_size_0:
called_computation_lowered:
.L_overlay_start_0:
0x88: {  	s2 =	sld [smem:$0x3FD9]  }
0x89: {  	s3 =	sld [smem:$0x3FFE];
	_ =	sdelay $0x1  }
0x8a: {  	s1 =	srdreg.scid  }
0x8b: {  	s0 =	sand.u32 $0x1, s1  }
0x8c: {  	s16 =	sshll.u32 s0, $0xA;
	s2 =	sadd.s32 s3, s2  }
0x8d: {  	s2 =	sadd.s32 s2, s16  }
0x8e: {  	[smem:$0x3FBF] =	sst s2  }
0x8f: {  	_ = 	snop  }
0x90: {  	(tm) =	ssettm $0x1  }
0x91: {  	s17 =	sld [smem:$0x3FFB];
	_ =	sdelay $0x3  }
0x92: {  	_ =	strace s17  }
0x93: {  	s2 =	sld [smem:$0x3FFC];
	_ =	sdelay $0x3  }
0x94: {  	_ =	strace s2  }
0x95: {  	s2 =	sld [smem:$0x3FFD];
	_ =	sdelay $0x3  }
0x96: {  	_ =	strace s2  }
0x97: {  	_ =	strace $0x8FFFFFFF  }
0x98: {  	s18 =	sld [smem:$0x3FDB];
	_ =	sdelay $0x1  }
0x99: {  	s19 =	simm.s32 $_scs_section_size  }
0x9a: {  	s4 =	simm.s32 $_size__tile_overlayer_lowered;
	s5 =	simm.s32 $_tile_overlayer_lowered  }
0x9b: {  	s22 =	simm.s32 $0x1BFF;
	s21 =	sshll.u32 s5, $0x1;
	s2 =	sadd.s32 s19, s18  }
0x9c: {  	s6 =	simm.s32 $0x0;
	s20 =	sshll.u32 s4, $0x1;
	s4 =	sadd.s32 s21, s2  }
0x9d: {  	[timem:s6], [sflag:s22] =	dma.local [hbm:s4], s20  }
0x9e: {  	_ =	swait.ge [sflag:s22], s20  }
0x9f: {  	s3 =	ssub.s32 $0x0, s20;
	[sflag:s22] =	ssyncset.done $0x0  }
0xa0: {  	[sflag:s22] =	ssyncadd.s32 s3;
	_ =	sdelay $0x1  }
0xa1: {  	s23 =	simm.s32 $0x1B8B  }
0xa2: {  	_ =	swait.ge [sflag:s23], $0x1  }
0xa3: {  	[sflag:s23] =	ssyncset.done $0x0  }
0xa4: {  	s25 =	simm.s32 $0x1B8E;
	s24 =	sld [smem:$0x3FFE];
	[sflag:s23] =	ssyncadd.s32 $0xFFFFFFFF  }
0xa5: {  	s26 =	simm.s32 $execute0_lowered;
	[smem:$0x3FD2] =	sst s25  }
0xa6: {  	s4 =	sshll.u32 s26, $0x1;
	_ =	strace $0x80000046;
	[dreg:$0x1] =	wrdreg $0xFFFFFFFF  }
0xa7: {  	s28 =	simm.s32 $_size_execute0_lowered;
	s2 =	sadd.s32 s2, s4;
	[dreg:$0x0] =	wrdreg $0x0  }
0xa8: {  	s4 =	sshll.u32 s28, $0x1;
	[dreg:$0x2] =	wrdreg s2  }
0xa9: {  	[dreg:$0x3] =	wrdreg s4  }
0xaa: {  	[dreg:$0x4] =	wrdreg $0xC0  }
0xab: {  	_ =	task [dreg:s6], $0x5FFFF  }
0xac: {  	[dreg:$0x1] =	wrdreg $0xFFFFFFFF  }
0xad: {  	[dreg:$0x0] =	wrdreg $0x60  }
0xae: {  	[dreg:$0x2] =	wrdreg s24  }
0xaf: {  	[dreg:$0x3] =	wrdreg $0xF4100  }
0xb0: {  	[dreg:$0x4] =	wrdreg $0x9  }
0xb1: {  	_ =	task.clear_ibuf [dreg:s6], $0x5FFFF;
	_ =	strace $0x90000046  }
0xb2: {  	s29 =	simm.s32 $0x9;
	_ =	strace $0x80000048  }
0xb3: {  	_ =	swait.ge [sflag:s29], $0x1  }
0xb4: {  	[sflag:s29] =	ssyncadd.s32 $0xFFFFFFFF  }
0xb5: {  	_ =	strace $0x90000048  }
0xb6: {  	_ =	sfence  }
0xb7: {  	s30 =	sld [smem:$0x0];
	_ =	sdelay $0x2  }
0xb8: {  	s31 =	sshll.u32 s1, $0xD;
	s1 =	sshrl.u32 s1, $0x2  }
0xb9: {  	s3 =	sand.u32 $0x4000, s31;
	s1 =	sadd.s32 s1, s30  }
0xba: {  	s0 =	sor.u32 s3, s0;
	s1 =	sshll.u32 s1, $0x11  }
0xbb: {  	s0 =	sor.u32 s1, s0  }
0xbc: {  	s0 =	sadd.s32 $0x8F2B, s0  }
0xbd: {  	[sflag:s0] =	ssyncadd.remote.s32 $0x1  }
0xbe: {  	_ =	sfence.sel $0xFFFF  }
0xbf: {  	[dreg:$0x0] =	wrdreg $0xFFFFFFFF;
	(pc) =	sbr.abs _section_cstart, $3  }
0xc0: {  	[dreg:$0x1] =	wrdreg $0xFFFFFFFF  }
0xc1: {  	_ =	task.clear_ibuf [dreg:s6], $0x2FFFF;
	_ =	strace $0x9FFFFFFF  }
0xc2: {  	(tm) =	ssettm $0x7FFFFFFF  }
0xc3: {  	_ =	shalt  }
tec
execute0_lowered:
.L_overlay_start_1:
0x0: {  	(tag) =	ssettag $0x1  }
0x1: {  	s1 =	srdreg.scid;
	s5 =	rddreg [dreg:$0x0]  }
0x2: {  	s0 =	stileid.u32;
	s2 =	rddreg [dreg:$0x1]  }
0x3: {  	s3 =	simm.s32 $0x0;
	s10 =	simm.s32 $0x1;
	s11 =	simm.s32 $0x50  }
0x4: {  	s12 =	simm.s32 $0x2710;
	s13 =	simm.s32 $0x2;
	s14 =	simm.s32 $0x5410  }
0x5: {  	s15 =	simm.s32 $0x0;
	s4 =	sand.u32 $0x1, s1;
	s7 =	smul.u32 $0x1400, s0  }
0x6: {  	s29 =	sshll.u32 s0, $0x1;
	[smem:$0x7FF] =	sst s3;
	s9 =	smul.u32 $0xA000, s0  }
0x7: {  	s1 =	sor.u32 s4, s29;
	s8 =	smul.u32 $0x14000, s4;
	s4 =	ssub.s32 $0x2, s4  }
0x8: {  	s6 =	smul.u32 $0x4E2, s1;
	s1 =	rddreg [dreg:$0x2];
	_ =	strace $0x80000047  }
0x9: {  	s30 =	sshrl.u32 s4, $0x1;
	s31 =	sshrl.u32 s9, $0x2;
	s9 =	simm.s32 $0x3  }
0xa: {  	s7 =	sadd.s32 s7, s8;
	s8 =	ssub.s32 s4, s30;
	s6 =	sadd.s32 s6, s5  }
0xb: {  	s7 =	sadd.s32 s7, s5;
	s5 =	sadd.s32 s31, s2;
	s4 =	sadd.s32 $0xC840, s6  }
0xc: {  	v0 =	vimm.f32 $1.000000000e+00;
	v1 =	vimm.f32 $0.0e+00;
	s6 =	sadd.s32 $0x16600, s7;
	s7 =	smax.u32 s8, $0x1;
	s8 =	simm.s32 $0x2C10  }
.LBB2_1:
0xd: {  	[tilespmem:s3], [sflag:$0x1] =	stream.linear.gather [hbm4b:s4+s3], $0x2710, $0x38;
	[tilespmem:$0x11C10] =	vst v63  }
0xe: {  	s16 =	simm.s32 $0x0  }
.LBB2_2:
0xf: {  	p0 =	sne.s32 s16, $0x13C0  }
.Ltmp0:
0x10: {  	_ = 	snop;
	(pc) =	sbr.rel @p0 .LBB2_2-.Ltmp0, $3  }
0x11: {  	_ =	sdelay $0x1  }
0x12: {  	s17 =	sshra.s32 s16, $0x2  }
0x13: {  	s16 =	sadd.s32 $0x40, s16;
	[tilespmem:s17+$0x2710] =	vst v0  }
0x14: {  	s16 =	simm.s32 $0x40;
	s17 =	simm.s32 $0x0  }
.LBB2_4:
0x15: {  	p0 =	sne.s32 s16, $0x9FC0;
	[tilespmem:s17+$0x2C10] =	vst v1;
	s17 =	smov.u32 s16;
	s16 =	sadd.s32 $0x40, s16  }
.Ltmp1:
0x16: {  	(pc) =	sbr.rel @p0 .LBB2_4-.Ltmp1, $2  }
0x17: {  	_ =	sdelay $0x2  }
0x18: {  	s17 =	sshra.s32 s17, $0x2  }
0x19: {  	[tilespmem:s17+$0x2C10] =	vst v1  }
0x1a: {  	[spmem:s5] =	stream.linear.scatter [tilespmem:s8], [sflag:$0x3], $0x2800, $0x38;
	[tilespmem:$0x11C10] =	vst v63  }
0x1b: {  	_ =	swait.ge [sflag:s9], $0x2800  }
0x1c: {  	[sflag:s9] =	ssyncset.done $0x0  }
0x1d: {  	[sflag:s9] =	ssyncadd.s32 $0xFFFFD800  }
0x1e: {  	_ =	swait.ge [sflag:s10], $0x2710  }
0x1f: {  	[sflag:s10] =	ssyncset.done $0x0  }
0x20: {  	[sflag:s10] =	ssyncadd.s32 $0xFFFFD8F0  }
0x21: {  	s16 =	simm.s32 $0x0;
	[bflag:$0x0] =	sbarrier.arrive $0xFFFF  }
.LBB2_6:
0x22: {  	p0 =	sne.s32 s16, $0x9B00  }
.Ltmp2:
0x23: {  	_ = 	snop;
	(pc) =	sbr.rel @p0 .LBB2_6-.Ltmp2, $3  }
0x24: {  	_ =	sdelay $0x1  }
0x25: {  	s17 =	sshra.s32 s16, $0x2;
	s16 =	sadd.s32 $0x140, s16  }
0x26: {  	[spmem:s2] =	stream.indirect.scatter.add.f32 [tilespmem:s12], [sflag:$0x2], $0x10, s17, s11, $0xb8;
	[tilespmem:$0x11C10] =	vst v63  }
0x27: {  	_ =	swait.ge [sflag:s13], $0x500  }
0x28: {  	s16 =	simm.s32 $0x7C;
	[sflag:s13] =	ssyncset.done $0x0  }
.LBB2_8:
0x29: {  	p0 =	sne.s32 s16, $0x1;
	s16 =	sadd.s32 $0xFFFFFFFF, s16;
	[sflag:s13] =	ssyncadd.s32 $0xFFFFFB00  }
.Ltmp3:
0x2a: {  	(pc) =	sbr.rel @p0 .LBB2_8-.Ltmp3, $3  }
0x2b: {  	_ =	sdelay $0x1  }
0x2c: {  	_ =	swait.ge [sflag:s13], $0x500  }
0x2d: {  	[sflag:s13] =	ssyncset.done $0x0  }
0x2e: {  	[sflag:s13] =	ssyncadd.s32 $0xFFFFFB00  }
0x2f: {  	[bflag:$0x0] =	sbarrier.arrive $0xFFFF  }
0x30: {  	[tilespmem:s8], [sflag:$0x3] =	stream.linear.gather [spmem:s5], $0x2800, $0x38;
	[tilespmem:$0x11C10] =	vst v63  }
0x31: {  	_ =	swait.ge [sflag:s9], $0x2800  }
0x32: {  	[sflag:s9] =	ssyncset.done $0x0  }
0x33: {  	s16 =	simm.s32 $0x0;
	[sflag:s9] =	ssyncadd.s32 $0xFFFFD800  }
0x34: {  	v2 =	vld [tilespmem:s16+$0x2C10];
	_ =	sdelay $0x3  }
0x35: {  	s16 =	simm.s32 $0x5430  }
0x36: {  	[tilespmem:s16+$0xFFFFFFE0] =	vst v2  }
0x37: {  	[tilespmem:s16+$0xFFFFFFF0] =	vst v2  }
0x38: {  	[tilespmem:s16+$0x0] =	vst v2  }
0x39: {  	s18 =	simm.s32 $0x10;
	s17 =	simm.s32 $0x80;
	[tilespmem:s16+$0x10] =	vst v2  }
.LBB2_10:
0x3a: {  	p0 =	sne.s32 s17, $0x9FC0;
	v2 =	vld [tilespmem:s18+$0x2C10];
	_ =	sdelay $0x3  }
.Ltmp4:
0x3b: {  	s16 =	sadd.s32 $0x40, s16;
	(pc) =	sbr.rel @p0 .LBB2_10-.Ltmp4, $4  }
0x3c: {  	[tilespmem:s16+$0xFFFFFFE0] =	vst v2  }
0x3d: {  	[tilespmem:s16+$0xFFFFFFF0] =	vst v2  }
0x3e: {  	[tilespmem:s16+$0x0] =	vst v2  }
0x3f: {  	s18 =	sshra.s32 s17, $0x2;
	s17 =	sadd.s32 $0x40, s17;
	[tilespmem:s16+$0x10] =	vst v2  }
0x40: {  	v2 =	vld [tilespmem:s18+$0x2C10];
	_ =	sdelay $0x3  }
0x41: {  	s16 =	sadd.s32 $0x40, s16  }
0x42: {  	[tilespmem:s16+$0xFFFFFFE0] =	vst v2  }
0x43: {  	s15 =	sadd.s32 $0x1, s15;
	[tilespmem:s16+$0xFFFFFFF0] =	vst v2  }
0x44: {  	p0 =	sne.s32 s15, s7;
	[tilespmem:s16+$0x0] =	vst v2  }
.Ltmp5:
0x45: {  	[tilespmem:s16+$0x10] =	vst v2;
	(pc) =	sbr.rel @p0 .LBB2_1-.Ltmp5, $4  }
0x46: {  	[hbm4b:s6+s3] =	stream.linear.scatter [tilespmem:s14], [sflag:$0x3], $0xA000, $0x38;
	[tilespmem:$0x11C10] =	vst v63  }
0x47: {  	_ =	swait.ge [sflag:s9], $0xA000  }
0x48: {  	[sflag:s9] =	ssyncset.done $0x0  }
0x49: {  	[sflag:s9] =	ssyncadd.s32 $0xFFFF6000  }
0x4a: {  	_ =	sfence.sel $0x180000  }
0x4b: {  	[bflag:$0x0] =	sbarrier.arrive $0xFFFF  }
0x4c: {  	p0 =	sne.s32 s0, $0x0;
	_ =	strace $0x90000047  }
0x4d: {  	s0 =	sadd.s32 @!p0 $0x100000, s1;
	[bflag:$0x2] =	sbarrier.arrive $0xFFFF  }
0x4e: {  	[sflag:s0] =	ssyncadd.tile.s32 @!p0 $0x1;
	_ =	shalt  }
.Lfunc_end2:
_tile_overlayer_lowered:
.L_overlay_start_2:
0x4f: {  	(tag) =	ssettag $0x2  }
0x50: {  	s0 =	rddreg [dreg:$0x0];
	s2 =	stileid.u32  }
0x51: {  	s1 =	rddreg [dreg:$0x1];
	p0 =	sne.s32 s2, $0x0  }
0x52: {  	s3 =	rddreg [dreg:$0x2];
	[bflag:$0x3] =	sbarrier.arrive $0xFFFF;
	s2 =	simm.s32 @!p0 $0x1C03  }
0x53: {  	[timem:s3], [sflag:s2] =	dma.local @!p0 [hbm:s0], s1  }
0x54: {  	s0 =	simm.s32 @!p0 $0x3  }
0x55: {  	_ =	swait.ge @!p0 [sflag:s0], s1  }
0x56: {  	s1 =	ssub.s32 @!p0 $0x0, s1;
	[sflag:s0] =	ssyncset.done @!p0 $0x0  }
0x57: {  	[sflag:s0] =	ssyncadd.s32 @!p0 s1  }
0x58: {  	[bflag:$0x3] =	sbarrier.arrive $0xFFFF  }
0x59: {  	_ =	shalt  }

</sc_bundles>
